<compile_context>
chip_gen: v7x
topology: tpu7x:2x2x1
jax: 0.10.2.dev20260603
libtpu: 0.0.44.dev20260713+nightly
codegen_flags: <defaults>
</compile_context>

<pallas_src>
import jax
import jax.numpy as jnp
from jax import lax
from jax.experimental import pallas as pl
from jax.experimental.pallas import tpu as pltpu
from jax.experimental.pallas import tpu_sc as plsc

B = 2
T = 8
C = 32
TC = T * C
H = W = 224
N = H * W
K = N // 2
P = 512
NB = N // P
BN = B * N
BK = B * K
KP = K + P
SC_WIN = 128

def _vmesh():
    return plsc.VectorSubcoreMesh(core_axis_name="c", subcore_axis_name="s")


P1 = 7168
NB1 = N // P1
RP = P1 // P


def _k1_body(x_ref, xf_ref, e_ref):
    xb = x_ref[0]
    xf_ref[0] = xb.T
    sq = xb * xb
    r3 = sq.reshape(T, C, P1)
    s = jnp.sum(r3, axis=1)
    rt = jnp.sqrt(s)
    e = jnp.sum(rt, axis=0, keepdims=True) * (1.0 / T)
    for r in range(RP):
        e_ref[0, r] = e[:, r * P:(r + 1) * P]


def _energy_and_transpose(xv):
    return pl.pallas_call(
        _k1_body,
        grid=(B, NB1),
        in_specs=[pl.BlockSpec((1, TC, P1), lambda b, j: (b, 0, j))],
        out_specs=[
            pl.BlockSpec((1, P1, TC), lambda b, j: (b, j, 0)),
            pl.BlockSpec((1, RP, 1, P), lambda b, j: (b, j, 0, 0)),
        ],
        out_shape=[
            jax.ShapeDtypeStruct((B, N, TC), jnp.float32),
            jax.ShapeDtypeStruct((B, NB, 1, P), jnp.float32),
        ],
    )(xv)


def _k2_body(e_ref, comp_ref, carry_ref, tri_ref, io_ref, acc_ref):
    j = pl.program_id(1)

    @pl.when(j == 0)
    def _():
        bits_all = lax.bitcast_convert_type(e_ref[0, :, 0, :], jnp.int32)

        def step(_, carry):
            lo, hi = carry
            mid = lo + (hi - lo) // 2
            g = jnp.sum((bits_all > mid).astype(jnp.int32))
            lo2 = jnp.where(g < K, lo, mid + 1)
            hi2 = jnp.where(g < K, mid, hi)
            return lo2, hi2

        thr, _ = lax.fori_loop(0, 31, step, (jnp.int32(0), jnp.int32(0x7F800000)))
        cnt_gt = jnp.sum((bits_all > thr).astype(jnp.int32))
        carry_ref[0] = 0
        carry_ref[1] = 0
        carry_ref[2] = thr
        carry_ref[3] = K - cnt_gt

        io = lax.broadcasted_iota(jnp.int32, (P, P), 0)
        jo = lax.broadcasted_iota(jnp.int32, (P, P), 1)
        io_ref[...] = io
        tri_ref[...] = jnp.where(io <= jo, 1.0, 0.0)

    off = carry_ref[0]
    tcnt = carry_ref[1]
    thr = carry_ref[2]
    r = carry_ref[3]

    bits = lax.bitcast_convert_type(e_ref[0, pl.ds(j, 1), 0, :], jnp.int32)
    m_gt = bits > thr
    m_eq = bits == thr

    both = jnp.concatenate(
        [m_gt.astype(jnp.float32), m_eq.astype(jnp.float32)], axis=0)
    pref = jnp.dot(both, tri_ref[...],
                   preferred_element_type=jnp.float32).astype(jnp.int32)
    pgt = pref[0:1]
    peq = pref[1:2]
    rr = jnp.maximum(r - tcnt, 0)
    sel = pgt + jnp.minimum(peq, rr)

    gmat = (jnp.broadcast_to(sel, (P, P)) > io_ref[...]).astype(jnp.float32)
    cnt = jnp.dot(gmat, jnp.ones((P, 1), jnp.float32),
                  preferred_element_type=jnp.float32).astype(jnp.int32)
    comp = (j * P + P) - cnt

    acc_ref[pl.ds(off, P)] = comp

    carry_ref[0] = off + sel[0, P - 1]
    carry_ref[1] = tcnt + peq[0, P - 1]

    @pl.when(j == NB - 1)
    def _():
        for rr2 in range(KP // P):
            chunk = acc_ref[pl.ds(rr2 * P, P), :]
            comp_ref[0, :, rr2 * P:(rr2 + 1) * P] = chunk.T


def _compact_indices(e4b):
    return pl.pallas_call(
        _k2_body,
        grid=(1, NB),
        in_specs=[pl.BlockSpec((1, NB, 1, P), lambda b, j: (0, 0, 0, 0))],
        out_specs=pl.BlockSpec((1, 1, KP), lambda b, j: (0, 0, 0)),
        out_shape=jax.ShapeDtypeStruct((1, 1, KP), jnp.int32),
        scratch_shapes=[
            pltpu.SMEM((4,), jnp.int32),
            pltpu.VMEM((P, P), jnp.float32),
            pltpu.VMEM((P, P), jnp.int32),
            pltpu.VMEM((KP, 1), jnp.int32),
        ],
    )(e4b)


def _sc_gather_rows(x_flat2, gidx):
    @pl.kernel(
        out_type=jax.ShapeDtypeStruct((K, TC), jnp.float32),
        mesh=_vmesh(),
    )
    def k(x_hbm, i_hbm, o_hbm):
        def body(i_vmem, o_vmem):
            pltpu.sync_copy(x_hbm.at[i_vmem.at[0]], o_vmem)

        pltpu.emit_pipeline(
            body,
            grid=(K // SC_WIN,),
            in_specs=[pl.BlockSpec((1, SC_WIN), lambda i: (0, i))],
            out_specs=[pl.BlockSpec((SC_WIN, TC), lambda i: (i, 0))],
            core_axis_name=("c", "s"),
            dimension_semantics=(pltpu.PARALLEL,),
        )(i_hbm, o_hbm)

    return k(x_flat2, gidx)


def kernel(x):
    xv = x.reshape(B, TC, N)
    x_flat, e4 = _energy_and_transpose(xv)
    x_flat2 = x_flat.reshape(BN, TC)

    tops = []
    parts = []
    for b in range(B):
        comp_b = _compact_indices(e4[b:b + 1])
        top_b = comp_b[:, 0, :K]
        gidx_b = top_b + jnp.int32(b * N)
        parts.append(_sc_gather_rows(x_flat2, gidx_b))
        tops.append(top_b)

    top_indices = jnp.concatenate(tops, axis=0)
    x_sparse = jnp.stack(parts, axis=0).reshape(B, K, T, C)
    return x_sparse, top_indices

# --- scband reference (transcript-rebuilt; emitter-appended) ---
"""Pipeline reference for scband-spatial-sparse-token-handler-77816217469417 (READ-ONLY COPY).

The authoritative reference and input builder live on the scoring server;
editing this copy changes nothing except your own understanding.
"""

import jax, jax.numpy as jnp
import numpy as np

SPARSE_RATIO = 0.5


def setup_inputs(seed: int = 0) -> dict:
    key = jax.random.key(seed)
    x = jax.random.normal(key, (2, 8, 32, 224, 224), dtype=jnp.float32)
    return {"x": x}


def reference(x):
    # Faithful translation of SpatialSparseTokenHandler.sparsify
    B, T, C, H, W = x.shape
    N_spatial = H * W
    # x.norm(dim=2) -> L2 norm over channel dim C, then mean over time T
    spatial_energy = jnp.sqrt(jnp.sum(x * x, axis=2)).mean(axis=1)  # [B, H, W]
    spatial_scores = spatial_energy.reshape(B, N_spatial)           # [B, N]
    keep_k = max(1, int(N_spatial * (1.0 - SPARSE_RATIO)))
    _, top_indices = jax.lax.top_k(spatial_scores, keep_k)          # [B, K]
    top_indices = jnp.sort(top_indices, axis=1)                     # sorted spatial order
    # permute to [B, H, W, T, C] then flatten spatial -> [B, N, T, C]
    x_flat = jnp.transpose(x, (0, 3, 4, 1, 2)).reshape(B, N_spatial, T, C)
    # gather along spatial axis
    idx_expanded = top_indices[:, :, None, None]                    # [B, K, 1, 1]
    x_sparse = jnp.take_along_axis(x_flat, idx_expanded, axis=1)    # [B, K, T, C]
    return x_sparse, top_indices

if __name__ == "__main__":
    import jax
    _d = setup_inputs()
    print(jax.jit(kernel)(*tuple(_d.values())))

</pallas_src>

<mosaic_0001>
#map = affine_map<(d0, d1) -> (0, 0)>
module attributes {stable_mosaic.version = 14 : i64} {
  func.func @k(%arg0: i32, %arg1: i32, %arg2: memref<100352x256xf32, #tpu.memory_space<hbm>>, %arg3: memref<1x25088xi32, #tpu.memory_space<hbm>>, %arg4: memref<25088x256xf32, #tpu.memory_space<hbm>>) attributes {dimension_semantics = [#tpu.dimension_semantics<core_parallel>, #tpu.dimension_semantics<subcore_parallel>], iteration_bounds = array<i64: 2, 16>, scalar_prefetch = 0 : i64, scratch_operands = 0 : i64, tpu.core_type = #tpu.core_type<sc_vector_subcore>, window_params = [{transform_indices = #map}, {transform_indices = #map}, {transform_indices = #map}]} {
    %mul3A = arith.constant 1 : i32
    %mul3A_0 = arith.muli %arg1, %mul3A : i32
    %add3A = arith.constant 0 : i32
    %add3A_1 = arith.addi %add3A, %mul3A_0 : i32
    %mul3A_2 = arith.constant 16 : i32
    %mul3A_3 = arith.muli %arg0, %mul3A_2 : i32
    %add3A_4 = arith.addi %add3A_1, %mul3A_3 : i32
    %lt3A = arith.constant 4 : i32
    %lt3A_5 = arith.cmpi slt, %add3A_4, %lt3A : i32
    %jit3A = arith.constant 7 : i32
    %jit3A_6 = arith.constant 6 : i32
    %select_n3A = arith.select %lt3A_5, %jit3A, %jit3A_6 : i32
    %lt3A_7 = arith.constant 4 : i32
    %lt3A_8 = arith.cmpi slt, %add3A_4, %lt3A_7 : i32
    %mul3A_9 = arith.muli %add3A_4, %select_n3A : i32
    %mul3A_10 = arith.constant 6 : i32
    %mul3A_11 = arith.muli %add3A_4, %mul3A_10 : i32
    %add3A_12 = arith.constant 4 : i32
    %add3A_13 = arith.addi %mul3A_11, %add3A_12 : i32
    %select_n3A_14 = arith.select %lt3A_8, %mul3A_9, %add3A_13 : i32
    %mul3A_15 = arith.constant 1 : i32
    %mul3A_16 = arith.muli %mul3A_15, %select_n3A : i32
    "tpu.region"() ({
      %run_scoped3A = memref.alloca() : memref<2x1x128xi32, #tpu.memory_space<vmem>>
      %run_scoped3A_17 = tpu.sem_alloc : memref<2x!tpu.dma_semaphore, #tpu.memory_space<semaphore_mem>>
      %run_scoped3A_18 = memref.alloca() : memref<2x128x256xf32, #tpu.memory_space<vmem>>
      %run_scoped3A_19 = tpu.sem_alloc : memref<2x!tpu.dma_semaphore, #tpu.memory_space<semaphore_mem>>
      %gt3A = arith.constant 0 : i32
      %gt3A_20 = arith.cmpi sgt, %mul3A_16, %gt3A : i32
      %convert_element_type3A = arith.extui %gt3A_20 : i1 to i32
      %cond3A = arith.constant 0 : i32
      %cond3A_21 = arith.cmpi ne, %convert_element_type3A, %cond3A : i32
      scf.if %cond3A_21 {
        %mul3A_22 = arith.constant 1 : i32
        %mul3A_23 = arith.muli %mul3A_22, %select_n3A : i32
        %sub3A = arith.constant 1 : i32
        %sub3A_24 = arith.subi %mul3A_23, %sub3A : i32
        %eq3A = arith.constant 0 : i32
        %eq3A_25 = arith.cmpi eq, %sub3A_24, %eq3A : i32
        %add3A_26 = arith.constant 0 : i32
        %add3A_27 = arith.addi %add3A_26, %select_n3A_14 : i32
        %select_n3A_28 = arith.constant true
        %select_n3A_29 = arith.constant 0 : i32
        %select_n3A_30 = arith.constant -1 : i32
        %select_n3A_31 = arith.select %select_n3A_28, %select_n3A_30, %select_n3A_29 : i32
        %eq3A_32 = arith.constant -1 : i32
        %eq3A_33 = arith.cmpi eq, %select_n3A_31, %eq3A_32 : i32
        %sub3A_34 = arith.constant 1 : i32
        %sub3A_35 = arith.subi %select_n3A, %sub3A_34 : i32
        %select_n3A_36 = arith.select %eq3A_33, %sub3A_35, %select_n3A_31 : i32
        %add3A_37 = arith.addi %select_n3A_36, %select_n3A_14 : i32
        %select_n3A_38 = arith.constant true
        %select_n3A_39 = arith.constant 0 : i32
        %select_n3A_40 = arith.constant 1 : i32
        %select_n3A_41 = arith.select %select_n3A_38, %select_n3A_40, %select_n3A_39 : i32
        %eq3A_42 = arith.cmpi eq, %select_n3A_41, %select_n3A : i32
        %select_n3A_43 = arith.constant 0 : i32
        %select_n3A_44 = arith.select %eq3A_42, %select_n3A_43, %select_n3A_41 : i32
        %add3A_45 = arith.addi %select_n3A_44, %select_n3A_14 : i32
        %add3A_46 = arith.constant 1 : i32
        %add3A_47 = arith.addi %select_n3A_44, %add3A_46 : i32
        %select_n3A_48 = arith.constant true
        %select_n3A_49 = arith.select %select_n3A_48, %add3A_47, %select_n3A_44 : i32
        %eq3A_50 = arith.cmpi eq, %select_n3A_49, %select_n3A : i32
        %select_n3A_51 = arith.constant 0 : i32
        %select_n3A_52 = arith.select %eq3A_50, %select_n3A_51, %select_n3A_49 : i32
        %add3A_53 = arith.addi %select_n3A_52, %select_n3A_14 : i32
        "tpu.trace_start"() <{level = 10 : i32, message = "ep_initialize_0"}> : () -> ()
        %rem3A = arith.constant 0 : i32
        %rem3A_54 = arith.constant 2 : i32
        %rem3A_55 = arith.remui %rem3A, %rem3A_54 : i32
        %mul3A_56 = arith.constant 128 : i32
        %mul3A_57 = arith.muli %mul3A_56, %add3A_27 : i32
        %dma_start3A = arith.constant 0 : i32
        %dma_start3A_58 = arith.constant 0 : i32
        %dma_start3A_59 = tpu.memref_slice %run_scoped3A[%rem3A_55, %dma_start3A, %dma_start3A_58] : memref<2x1x128xi32, #tpu.memory_space<vmem>> -> memref<1x1x128xi32, #tpu.memory_space<vmem>>
        %dma_start3A_60 = tpu.memref_squeeze %dma_start3A_59 : memref<1x1x128xi32, #tpu.memory_space<vmem>> -> memref<1x128xi32, #tpu.memory_space<vmem>>
        %dma_start3A_61 = arith.constant 0 : i32
        %dma_start3A_62 = tpu.memref_slice %arg3[%dma_start3A_61, %mul3A_57] : memref<1x25088xi32, #tpu.memory_space<hbm>> -> memref<1x128xi32, #tpu.memory_space<hbm>>
        %dma_start3A_63 = tpu.memref_slice %run_scoped3A_17[%rem3A_55] : memref<2x!tpu.dma_semaphore, #tpu.memory_space<semaphore_mem>> -> memref<1x!tpu.dma_semaphore, #tpu.memory_space<semaphore_mem>>
        %dma_start3A_64 = tpu.memref_squeeze %dma_start3A_63 : memref<1x!tpu.dma_semaphore, #tpu.memory_space<semaphore_mem>> -> memref<!tpu.dma_semaphore, #tpu.memory_space<semaphore_mem>>
        %dma_start3A_65 = arith.constant 0 : i32
        %dma_start3A_66 = arith.constant 0 : i32
        %dma_start3A_67 = tpu.memref_slice %run_scoped3A[%rem3A_55, %dma_start3A_65, %dma_start3A_66] : memref<2x1x128xi32, #tpu.memory_space<vmem>> -> memref<1x1x128xi32, #tpu.memory_space<vmem>>
        %dma_start3A_68 = tpu.memref_squeeze %dma_start3A_67 : memref<1x1x128xi32, #tpu.memory_space<vmem>> -> memref<1x128xi32, #tpu.memory_space<vmem>>
        %dma_start3A_69 = arith.constant 0 : i32
        %dma_start3A_70 = tpu.memref_slice %arg3[%dma_start3A_69, %mul3A_57] : memref<1x25088xi32, #tpu.memory_space<hbm>> -> memref<1x128xi32, #tpu.memory_space<hbm>>
        tpu.enqueue_dma source(%dma_start3A_70 : memref<1x128xi32, #tpu.memory_space<hbm>>) target(%dma_start3A_68 : memref<1x128xi32, #tpu.memory_space<vmem>>) target_semaphore(%dma_start3A_64 : memref<!tpu.dma_semaphore, #tpu.memory_space<semaphore_mem>>)
        %add3A_71 = arith.constant 0 : i32
        %add3A_72 = arith.constant 1 : i32
        %add3A_73 = arith.addi %add3A_71, %add3A_72 : i32
        %select_n3A_74 = arith.constant true
        %select_n3A_75 = arith.constant 0 : i32
        %select_n3A_76 = arith.select %select_n3A_74, %add3A_73, %select_n3A_75 : i32
        %while3A = arith.constant 0 : i32
        %while3A_77 = arith.constant 0 : i32
        %while3A_78 = arith.constant 0 : i32
        %while3A_79 = arith.constant 0 : i32
        %while3A_80 = arith.constant 0 : i32
        "tpu.trace_stop"() : () -> ()
        %while3A_81 = arith.subi %mul3A_16, %while3A : i32
        %while3A_82 = arith.addi %while3A, %while3A_81 : i32
        %while3A_83 = arith.constant 1 : i32
        %while3A_84 = arith.divsi %while3A_81, %while3A_83 : i32
        %while3A_85 = arith.muli %while3A_84, %while3A_83 : i32
        %while3A_86 = arith.addi %while3A, %while3A_85 : i32
        %while3A_87 = arith.constant 1 : i32
        %while3A_88:5 = scf.for %while3A_142 = %while3A to %while3A_86 step %while3A_87 iter_args(%while3A_143 = %select_n3A_76, %while3A_144 = %while3A_77, %while3A_145 = %while3A_78, %while3A_146 = %while3A_79, %while3A_147 = %while3A_80) -> (i32, i32, i32, i32, i32)  : i32 {
          %mul3A_148 = arith.constant 1 : i32
          %mul3A_149 = arith.muli %mul3A_148, %select_n3A : i32
          %eq3A_150 = arith.constant 0 : i32
          %eq3A_151 = arith.cmpi eq, %while3A_142, %eq3A_150 : i32
          %sub3A_152 = arith.constant 1 : i32
          %sub3A_153 = arith.subi %mul3A_149, %sub3A_152 : i32
          %eq3A_154 = arith.cmpi eq, %while3A_142, %sub3A_153 : i32
          %add3A_155 = arith.addi %while3A_147, %select_n3A_14 : i32
          %sub3A_156 = arith.constant 1 : i32
          %sub3A_157 = arith.subi %while3A_147, %sub3A_156 : i32
          %select_n3A_158 = arith.constant true
          %select_n3A_159 = arith.select %select_n3A_158, %sub3A_157, %while3A_147 : i32
          %eq3A_160 = arith.constant -1 : i32
          %eq3A_161 = arith.cmpi eq, %select_n3A_159, %eq3A_160 : i32
          %sub3A_162 = arith.constant 1 : i32
          %sub3A_163 = arith.subi %select_n3A, %sub3A_162 : i32
          %select_n3A_164 = arith.select %eq3A_161, %sub3A_163, %select_n3A_159 : i32
          %add3A_165 = arith.addi %select_n3A_164, %select_n3A_14 : i32
          %add3A_166 = arith.constant 1 : i32
          %add3A_167 = arith.addi %while3A_147, %add3A_166 : i32
          %select_n3A_168 = arith.constant true
          %select_n3A_169 = arith.select %select_n3A_168, %add3A_167, %while3A_147 : i32
          %eq3A_170 = arith.cmpi eq, %select_n3A_169, %select_n3A : i32
          %select_n3A_171 = arith.constant 0 : i32
          %select_n3A_172 = arith.select %eq3A_170, %select_n3A_171, %select_n3A_169 : i32
          %add3A_173 = arith.addi %select_n3A_172, %select_n3A_14 : i32
          %add3A_174 = arith.constant 1 : i32
          %add3A_175 = arith.addi %select_n3A_172, %add3A_174 : i32
          %select_n3A_176 = arith.constant true
          %select_n3A_177 = arith.select %select_n3A_176, %add3A_175, %select_n3A_172 : i32
          %eq3A_178 = arith.cmpi eq, %select_n3A_177, %select_n3A : i32
          %select_n3A_179 = arith.constant 0 : i32
          %select_n3A_180 = arith.select %eq3A_178, %select_n3A_179, %select_n3A_177 : i32
          %add3A_181 = arith.addi %select_n3A_180, %select_n3A_14 : i32
          %ne3A = arith.cmpi ne, %add3A_155, %add3A_173 : i32
          %or3A = arith.constant false
          %or3A_182 = arith.ori %or3A, %ne3A : i1
          %sub3A_183 = arith.constant 2 : i32
          %sub3A_184 = arith.subi %mul3A_149, %sub3A_183 : i32
          %add3A_185 = arith.constant 1 : i32
          %add3A_186 = arith.addi %sub3A_184, %add3A_185 : i32
          %ge3A = arith.cmpi sge, %while3A_142, %add3A_186 : i32
          %not3A = arith.constant true
          %not3A_187 = arith.xori %ge3A, %not3A : i1
          %and3A = arith.andi %or3A_182, %not3A_187 : i1
          %convert_element_type3A_188 = arith.extui %and3A : i1 to i32
          %cond3A_189 = arith.constant 0 : i32
          %cond3A_190 = arith.cmpi ne, %convert_element_type3A_188, %cond3A_189 : i32
          scf.if %cond3A_190 {
            "tpu.trace_start"() <{level = 10 : i32, message = "ep_copy_in"}> : () -> ()
            %rem3A_294 = arith.constant 2 : i32
            %rem3A_295 = arith.remui %while3A_143, %rem3A_294 : i32
            %mul3A_296 = arith.constant 128 : i32
            %mul3A_297 = arith.muli %mul3A_296, %add3A_173 : i32
            %dma_start3A_298 = arith.constant 0 : i32
            %dma_start3A_299 = arith.constant 0 : i32
            %dma_start3A_300 = tpu.memref_slice %run_scoped3A[%rem3A_295, %dma_start3A_298, %dma_start3A_299] : memref<2x1x128xi32, #tpu.memory_space<vmem>> -> memref<1x1x128xi32, #tpu.memory_space<vmem>>
            %dma_start3A_301 = tpu.memref_squeeze %dma_start3A_300 : memref<1x1x128xi32, #tpu.memory_space<vmem>> -> memref<1x128xi32, #tpu.memory_space<vmem>>
            %dma_start3A_302 = arith.constant 0 : i32
            %dma_start3A_303 = tpu.memref_slice %arg3[%dma_start3A_302, %mul3A_297] : memref<1x25088xi32, #tpu.memory_space<hbm>> -> memref<1x128xi32, #tpu.memory_space<hbm>>
            %dma_start3A_304 = tpu.memref_slice %run_scoped3A_17[%rem3A_295] : memref<2x!tpu.dma_semaphore, #tpu.memory_space<semaphore_mem>> -> memref<1x!tpu.dma_semaphore, #tpu.memory_space<semaphore_mem>>
            %dma_start3A_305 = tpu.memref_squeeze %dma_start3A_304 : memref<1x!tpu.dma_semaphore, #tpu.memory_space<semaphore_mem>> -> memref<!tpu.dma_semaphore, #tpu.memory_space<semaphore_mem>>
            %dma_start3A_306 = arith.constant 0 : i32
            %dma_start3A_307 = arith.constant 0 : i32
            %dma_start3A_308 = tpu.memref_slice %run_scoped3A[%rem3A_295, %dma_start3A_306, %dma_start3A_307] : memref<2x1x128xi32, #tpu.memory_space<vmem>> -> memref<1x1x128xi32, #tpu.memory_space<vmem>>
            %dma_start3A_309 = tpu.memref_squeeze %dma_start3A_308 : memref<1x1x128xi32, #tpu.memory_space<vmem>> -> memref<1x128xi32, #tpu.memory_space<vmem>>
            %dma_start3A_310 = arith.constant 0 : i32
            %dma_start3A_311 = tpu.memref_slice %arg3[%dma_start3A_310, %mul3A_297] : memref<1x25088xi32, #tpu.memory_space<hbm>> -> memref<1x128xi32, #tpu.memory_space<hbm>>
            tpu.enqueue_dma source(%dma_start3A_311 : memref<1x128xi32, #tpu.memory_space<hbm>>) target(%dma_start3A_309 : memref<1x128xi32, #tpu.memory_space<vmem>>) target_semaphore(%dma_start3A_305 : memref<!tpu.dma_semaphore, #tpu.memory_space<semaphore_mem>>)
            "tpu.trace_stop"() : () -> ()
          } else {
          }
          %and3A_191 = arith.constant true
          %and3A_192 = arith.andi %and3A, %and3A_191 : i1
          %add3A_193 = arith.constant 1 : i32
          %add3A_194 = arith.addi %while3A_143, %add3A_193 : i32
          %select_n3A_195 = arith.select %and3A_192, %add3A_194, %while3A_143 : i32
          %ne3A_196 = arith.cmpi ne, %add3A_155, %add3A_173 : i32
          %or3A_197 = arith.constant false
          %or3A_198 = arith.ori %or3A_197, %ne3A_196 : i1
          %or3A_199 = arith.constant false
          %or3A_200 = arith.ori %or3A_198, %or3A_199 : i1
          %sub3A_201 = arith.constant 2 : i32
          %sub3A_202 = arith.subi %mul3A_149, %sub3A_201 : i32
          %add3A_203 = arith.constant 1 : i32
          %add3A_204 = arith.addi %sub3A_202, %add3A_203 : i32
          %ge3A_205 = arith.cmpi sge, %while3A_142, %add3A_204 : i32
          %not3A_206 = arith.constant true
          %not3A_207 = arith.xori %ge3A_205, %not3A_206 : i1
          %and3A_208 = arith.andi %or3A_200, %not3A_207 : i1
          %ne3A_209 = arith.cmpi ne, %add3A_155, %add3A_165 : i32
          %or3A_210 = arith.constant false
          %or3A_211 = arith.ori %or3A_210, %ne3A_209 : i1
          %or3A_212 = arith.ori %or3A_211, %eq3A_151 : i1
          %convert_element_type3A_213 = arith.extui %or3A_212 : i1 to i32
          %cond3A_214 = arith.constant 0 : i32
          %cond3A_215 = arith.cmpi ne, %convert_element_type3A_213, %cond3A_214 : i32
          scf.if %cond3A_215 {
            "tpu.trace_start"() <{level = 10 : i32, message = "ep_wait_in"}> : () -> ()
            %mul3A_294 = arith.constant 128 : i32
            %mul3A_295 = arith.muli %mul3A_294, %add3A_155 : i32
            %rem3A_296 = arith.constant 2 : i32
            %rem3A_297 = arith.remui %while3A_144, %rem3A_296 : i32
            %dma_wait3A = arith.constant 0 : i32
            %dma_wait3A_298 = arith.constant 0 : i32
            %dma_wait3A_299 = tpu.memref_slice %run_scoped3A[%rem3A_297, %dma_wait3A, %dma_wait3A_298] : memref<2x1x128xi32, #tpu.memory_space<vmem>> -> memref<1x1x128xi32, #tpu.memory_space<vmem>>
            %dma_wait3A_300 = tpu.memref_squeeze %dma_wait3A_299 : memref<1x1x128xi32, #tpu.memory_space<vmem>> -> memref<1x128xi32, #tpu.memory_space<vmem>>
            %dma_wait3A_301 = arith.constant 0 : i32
            %dma_wait3A_302 = tpu.memref_slice %arg3[%dma_wait3A_301, %mul3A_295] : memref<1x25088xi32, #tpu.memory_space<hbm>> -> memref<1x128xi32, #tpu.memory_space<hbm>>
            %dma_wait3A_303 = tpu.memref_slice %run_scoped3A_17[%rem3A_297] : memref<2x!tpu.dma_semaphore, #tpu.memory_space<semaphore_mem>> -> memref<1x!tpu.dma_semaphore, #tpu.memory_space<semaphore_mem>>
            %dma_wait3A_304 = tpu.memref_squeeze %dma_wait3A_303 : memref<1x!tpu.dma_semaphore, #tpu.memory_space<semaphore_mem>> -> memref<!tpu.dma_semaphore, #tpu.memory_space<semaphore_mem>>
            %dma_wait3A_305 = arith.constant 0 : i32
            %dma_wait3A_306 = arith.constant 0 : i32
            %dma_wait3A_307 = tpu.memref_slice %run_scoped3A[%rem3A_297, %dma_wait3A_305, %dma_wait3A_306] : memref<2x1x128xi32, #tpu.memory_space<vmem>> -> memref<1x1x128xi32, #tpu.memory_space<vmem>>
            %dma_wait3A_308 = tpu.memref_squeeze %dma_wait3A_307 : memref<1x1x128xi32, #tpu.memory_space<vmem>> -> memref<1x128xi32, #tpu.memory_space<vmem>>
            %dma_wait3A_309 = arith.constant 0 : i32
            %dma_wait3A_310 = tpu.memref_slice %arg3[%dma_wait3A_309, %mul3A_295] : memref<1x25088xi32, #tpu.memory_space<hbm>> -> memref<1x128xi32, #tpu.memory_space<hbm>>
            tpu.wait_dma2 semaphore(%dma_wait3A_304 : memref<!tpu.dma_semaphore, #tpu.memory_space<semaphore_mem>>) src(%dma_wait3A_310 : memref<1x128xi32, #tpu.memory_space<hbm>>) dst(%dma_wait3A_308 : memref<1x128xi32, #tpu.memory_space<vmem>>)
            "tpu.trace_stop"() : () -> ()
          } else {
          }
          %ne3A_216 = arith.cmpi ne, %add3A_155, %add3A_165 : i32
          %or3A_217 = arith.constant false
          %or3A_218 = arith.ori %or3A_217, %ne3A_216 : i1
          %or3A_219 = arith.constant false
          %or3A_220 = arith.ori %or3A_218, %or3A_219 : i1
          %or3A_221 = arith.ori %or3A_220, %eq3A_151 : i1
          %convert_element_type3A_222 = arith.extui %or3A_221 : i1 to i32
          %cond3A_223 = arith.constant 0 : i32
          %cond3A_224 = arith.cmpi ne, %convert_element_type3A_222, %cond3A_223 : i32
          scf.if %cond3A_224 {
          } else {
          }
          %rem3A_225 = arith.constant 2 : i32
          %rem3A_226 = arith.remui %while3A_144, %rem3A_225 : i32
          %rem3A_227 = arith.constant 2 : i32
          %rem3A_228 = arith.remui %while3A_145, %rem3A_227 : i32
          %run_scoped3A_229 = arith.constant 0 : i32
          "tpu.trace_start"() <{level = 10 : i32, message = "ep_run_kernel"}> : () -> ()
          "tpu.region"() ({
            %run_scoped3A_294 = tpu.sem_alloc : memref<!tpu.dma_semaphore, #tpu.memory_space<semaphore_mem>>
            %dma_start3A_295 = arith.constant 0 : i32
            %dma_start3A_296 = arith.constant 0 : i32
            %dma_start3A_297 = tpu.memref_slice %run_scoped3A_18[%rem3A_228, %dma_start3A_295, %dma_start3A_296] : memref<2x128x256xf32, #tpu.memory_space<vmem>> -> memref<1x128x256xf32, #tpu.memory_space<vmem>>
            %dma_start3A_298 = tpu.memref_squeeze %dma_start3A_297 : memref<1x128x256xf32, #tpu.memory_space<vmem>> -> memref<128x256xf32, #tpu.memory_space<vmem>>
            %dma_start3A_299 = arith.constant 0 : i32
            %dma_start3A_300 = arith.constant 0 : i32
            %dma_start3A_301 = tpu.memref_slice %run_scoped3A[%rem3A_226, %dma_start3A_299, %dma_start3A_300] : memref<2x1x128xi32, #tpu.memory_space<vmem>> -> memref<1x1x128xi32, #tpu.memory_space<vmem>>
            %dma_start3A_302 = tpu.memref_squeeze %dma_start3A_301 : memref<1x1x128xi32, #tpu.memory_space<vmem>> -> memref<1x128xi32, #tpu.memory_space<vmem>>
            %dma_start3A_303 = arith.constant 0 : i32
            %dma_start3A_304 = tpu.memref_slice %dma_start3A_302[%run_scoped3A_229, %dma_start3A_303] : memref<1x128xi32, #tpu.memory_space<vmem>> -> memref<1x128xi32, #tpu.memory_space<vmem>>
            %dma_start3A_305 = tpu.memref_squeeze %dma_start3A_304 : memref<1x128xi32, #tpu.memory_space<vmem>> -> memref<128xi32, #tpu.memory_space<vmem>>
            %dma_start3A_306 = arith.constant 0 : i32
            %dma_start3A_307 = arith.constant 0 : i32
            %dma_start3A_308 = tpu.memref_slice %arg2[%dma_start3A_306, %dma_start3A_307] : memref<100352x256xf32, #tpu.memory_space<hbm>> -> memref<100352x256xf32, #tpu.memory_space<hbm>>
            tpu.enqueue_indirect_dma source(%dma_start3A_308 : memref<100352x256xf32, #tpu.memory_space<hbm>>) target(%dma_start3A_298 : memref<128x256xf32, #tpu.memory_space<vmem>>) offsets(%dma_start3A_305 : memref<128xi32, #tpu.memory_space<vmem>>) semaphore(%run_scoped3A_294 : memref<!tpu.dma_semaphore, #tpu.memory_space<semaphore_mem>>)
            %dma_wait3A = arith.constant 0 : i32
            %dma_wait3A_309 = arith.constant 0 : i32
            %dma_wait3A_310 = tpu.memref_slice %run_scoped3A_18[%rem3A_228, %dma_wait3A, %dma_wait3A_309] : memref<2x128x256xf32, #tpu.memory_space<vmem>> -> memref<1x128x256xf32, #tpu.memory_space<vmem>>
            %dma_wait3A_311 = tpu.memref_squeeze %dma_wait3A_310 : memref<1x128x256xf32, #tpu.memory_space<vmem>> -> memref<128x256xf32, #tpu.memory_space<vmem>>
            %dma_wait3A_312 = arith.constant 0 : i32
            %dma_wait3A_313 = arith.constant 0 : i32
            %dma_wait3A_314 = tpu.memref_slice %run_scoped3A[%rem3A_226, %dma_wait3A_312, %dma_wait3A_313] : memref<2x1x128xi32, #tpu.memory_space<vmem>> -> memref<1x1x128xi32, #tpu.memory_space<vmem>>
            %dma_wait3A_315 = tpu.memref_squeeze %dma_wait3A_314 : memref<1x1x128xi32, #tpu.memory_space<vmem>> -> memref<1x128xi32, #tpu.memory_space<vmem>>
            %dma_wait3A_316 = arith.constant 0 : i32
            %dma_wait3A_317 = tpu.memref_slice %dma_wait3A_315[%run_scoped3A_229, %dma_wait3A_316] : memref<1x128xi32, #tpu.memory_space<vmem>> -> memref<1x128xi32, #tpu.memory_space<vmem>>
            %dma_wait3A_318 = tpu.memref_squeeze %dma_wait3A_317 : memref<1x128xi32, #tpu.memory_space<vmem>> -> memref<128xi32, #tpu.memory_space<vmem>>
            %dma_wait3A_319 = arith.constant 0 : i32
            %dma_wait3A_320 = arith.constant 0 : i32
            %dma_wait3A_321 = tpu.memref_slice %arg2[%dma_wait3A_319, %dma_wait3A_320] : memref<100352x256xf32, #tpu.memory_space<hbm>> -> memref<100352x256xf32, #tpu.memory_space<hbm>>
            tpu.wait_indirect_dma semaphore(%run_scoped3A_294 : memref<!tpu.dma_semaphore, #tpu.memory_space<semaphore_mem>>) src(%dma_wait3A_321 : memref<100352x256xf32, #tpu.memory_space<hbm>>) dst(%dma_wait3A_311 : memref<128x256xf32, #tpu.memory_space<vmem>>)
            tpu.yield
          }) : () -> ()
          "tpu.trace_stop"() : () -> ()
          %ne3A_230 = arith.cmpi ne, %add3A_155, %add3A_173 : i32
          %or3A_231 = arith.constant false
          %or3A_232 = arith.ori %or3A_231, %ne3A_230 : i1
          %or3A_233 = arith.ori %or3A_232, %eq3A_154 : i1
          %convert_element_type3A_234 = arith.extui %or3A_233 : i1 to i32
          %cond3A_235 = arith.constant 0 : i32
          %cond3A_236 = arith.cmpi ne, %convert_element_type3A_234, %cond3A_235 : i32
          scf.if %cond3A_236 {
          } else {
          }
          %and3A_237 = arith.constant false
          %and3A_238 = arith.andi %or3A_233, %and3A_237 : i1
          %ne3A_239 = arith.cmpi ne, %add3A_155, %add3A_173 : i32
          %or3A_240 = arith.constant false
          %or3A_241 = arith.ori %or3A_240, %ne3A_239 : i1
          %or3A_242 = arith.constant false
          %or3A_243 = arith.ori %or3A_241, %or3A_242 : i1
          %or3A_244 = arith.ori %or3A_243, %eq3A_154 : i1
          %convert_element_type3A_245 = arith.extui %or3A_244 : i1 to i32
          %cond3A_246 = arith.constant 0 : i32
          %cond3A_247 = arith.cmpi ne, %convert_element_type3A_245, %cond3A_246 : i32
          scf.if %cond3A_247 {
            "tpu.trace_start"() <{level = 10 : i32, message = "ep_copy_out"}> : () -> ()
            %rem3A_294 = arith.constant 2 : i32
            %rem3A_295 = arith.remui %while3A_145, %rem3A_294 : i32
            %mul3A_296 = arith.constant 128 : i32
            %mul3A_297 = arith.muli %mul3A_296, %add3A_155 : i32
            %dma_start3A_298 = arith.constant 0 : i32
            %dma_start3A_299 = arith.constant 0 : i32
            %dma_start3A_300 = tpu.memref_slice %run_scoped3A_18[%rem3A_295, %dma_start3A_298, %dma_start3A_299] : memref<2x128x256xf32, #tpu.memory_space<vmem>> -> memref<1x128x256xf32, #tpu.memory_space<vmem>>
            %dma_start3A_301 = tpu.memref_squeeze %dma_start3A_300 : memref<1x128x256xf32, #tpu.memory_space<vmem>> -> memref<128x256xf32, #tpu.memory_space<vmem>>
            %dma_start3A_302 = arith.constant 0 : i32
            %dma_start3A_303 = tpu.memref_slice %arg4[%mul3A_297, %dma_start3A_302] : memref<25088x256xf32, #tpu.memory_space<hbm>> -> memref<128x256xf32, #tpu.memory_space<hbm>>
            %dma_start3A_304 = tpu.memref_slice %run_scoped3A_19[%rem3A_295] : memref<2x!tpu.dma_semaphore, #tpu.memory_space<semaphore_mem>> -> memref<1x!tpu.dma_semaphore, #tpu.memory_space<semaphore_mem>>
            %dma_start3A_305 = tpu.memref_squeeze %dma_start3A_304 : memref<1x!tpu.dma_semaphore, #tpu.memory_space<semaphore_mem>> -> memref<!tpu.dma_semaphore, #tpu.memory_space<semaphore_mem>>
            %dma_start3A_306 = arith.constant 0 : i32
            %dma_start3A_307 = tpu.memref_slice %arg4[%mul3A_297, %dma_start3A_306] : memref<25088x256xf32, #tpu.memory_space<hbm>> -> memref<128x256xf32, #tpu.memory_space<hbm>>
            %dma_start3A_308 = arith.constant 0 : i32
            %dma_start3A_309 = arith.constant 0 : i32
            %dma_start3A_310 = tpu.memref_slice %run_scoped3A_18[%rem3A_295, %dma_start3A_308, %dma_start3A_309] : memref<2x128x256xf32, #tpu.memory_space<vmem>> -> memref<1x128x256xf32, #tpu.memory_space<vmem>>
            %dma_start3A_311 = tpu.memref_squeeze %dma_start3A_310 : memref<1x128x256xf32, #tpu.memory_space<vmem>> -> memref<128x256xf32, #tpu.memory_space<vmem>>
            tpu.enqueue_dma source(%dma_start3A_311 : memref<128x256xf32, #tpu.memory_space<vmem>>) target(%dma_start3A_307 : memref<128x256xf32, #tpu.memory_space<hbm>>) target_semaphore(%dma_start3A_305 : memref<!tpu.dma_semaphore, #tpu.memory_space<semaphore_mem>>)
            "tpu.trace_stop"() : () -> ()
          } else {
          }
          %and3A_248 = arith.constant true
          %and3A_249 = arith.andi %or3A_244, %and3A_248 : i1
          %add3A_250 = arith.constant 1 : i32
          %add3A_251 = arith.addi %while3A_145, %add3A_250 : i32
          %select_n3A_252 = arith.select %and3A_249, %add3A_251, %while3A_145 : i32
          %ne3A_253 = arith.cmpi ne, %add3A_155, %add3A_165 : i32
          %or3A_254 = arith.constant false
          %or3A_255 = arith.ori %or3A_254, %ne3A_253 : i1
          %not3A_256 = arith.constant true
          %not3A_257 = arith.xori %eq3A_151, %not3A_256 : i1
          %and3A_258 = arith.andi %or3A_255, %not3A_257 : i1
          %convert_element_type3A_259 = arith.extui %and3A_258 : i1 to i32
          %cond3A_260 = arith.constant 0 : i32
          %cond3A_261 = arith.cmpi ne, %convert_element_type3A_259, %cond3A_260 : i32
          scf.if %cond3A_261 {
          } else {
          }
          %and3A_262 = arith.constant false
          %and3A_263 = arith.andi %and3A_258, %and3A_262 : i1
          %ne3A_264 = arith.cmpi ne, %add3A_155, %add3A_165 : i32
          %or3A_265 = arith.constant false
          %or3A_266 = arith.ori %or3A_265, %ne3A_264 : i1
          %or3A_267 = arith.constant false
          %or3A_268 = arith.ori %or3A_266, %or3A_267 : i1
          %not3A_269 = arith.constant true
          %not3A_270 = arith.xori %eq3A_151, %not3A_269 : i1
          %and3A_271 = arith.andi %or3A_268, %not3A_270 : i1
          %convert_element_type3A_272 = arith.extui %and3A_271 : i1 to i32
          %cond3A_273 = arith.constant 0 : i32
          %cond3A_274 = arith.cmpi ne, %convert_element_type3A_272, %cond3A_273 : i32
          scf.if %cond3A_274 {
            "tpu.trace_start"() <{level = 10 : i32, message = "ep_wait_out"}> : () -> ()
            %rem3A_294 = arith.constant 2 : i32
            %rem3A_295 = arith.remui %while3A_146, %rem3A_294 : i32
            %mul3A_296 = arith.constant 128 : i32
            %mul3A_297 = arith.muli %mul3A_296, %add3A_165 : i32
            %dma_wait3A = arith.constant 0 : i32
            %dma_wait3A_298 = arith.constant 0 : i32
            %dma_wait3A_299 = tpu.memref_slice %run_scoped3A_18[%rem3A_295, %dma_wait3A, %dma_wait3A_298] : memref<2x128x256xf32, #tpu.memory_space<vmem>> -> memref<1x128x256xf32, #tpu.memory_space<vmem>>
            %dma_wait3A_300 = tpu.memref_squeeze %dma_wait3A_299 : memref<1x128x256xf32, #tpu.memory_space<vmem>> -> memref<128x256xf32, #tpu.memory_space<vmem>>
            %dma_wait3A_301 = arith.constant 0 : i32
            %dma_wait3A_302 = tpu.memref_slice %arg4[%mul3A_297, %dma_wait3A_301] : memref<25088x256xf32, #tpu.memory_space<hbm>> -> memref<128x256xf32, #tpu.memory_space<hbm>>
            %dma_wait3A_303 = tpu.memref_slice %run_scoped3A_19[%rem3A_295] : memref<2x!tpu.dma_semaphore, #tpu.memory_space<semaphore_mem>> -> memref<1x!tpu.dma_semaphore, #tpu.memory_space<semaphore_mem>>
            %dma_wait3A_304 = tpu.memref_squeeze %dma_wait3A_303 : memref<1x!tpu.dma_semaphore, #tpu.memory_space<semaphore_mem>> -> memref<!tpu.dma_semaphore, #tpu.memory_space<semaphore_mem>>
            %dma_wait3A_305 = arith.constant 0 : i32
            %dma_wait3A_306 = tpu.memref_slice %arg4[%mul3A_297, %dma_wait3A_305] : memref<25088x256xf32, #tpu.memory_space<hbm>> -> memref<128x256xf32, #tpu.memory_space<hbm>>
            %dma_wait3A_307 = arith.constant 0 : i32
            %dma_wait3A_308 = arith.constant 0 : i32
            %dma_wait3A_309 = tpu.memref_slice %run_scoped3A_18[%rem3A_295, %dma_wait3A_307, %dma_wait3A_308] : memref<2x128x256xf32, #tpu.memory_space<vmem>> -> memref<1x128x256xf32, #tpu.memory_space<vmem>>
            %dma_wait3A_310 = tpu.memref_squeeze %dma_wait3A_309 : memref<1x128x256xf32, #tpu.memory_space<vmem>> -> memref<128x256xf32, #tpu.memory_space<vmem>>
            tpu.wait_dma2 semaphore(%dma_wait3A_304 : memref<!tpu.dma_semaphore, #tpu.memory_space<semaphore_mem>>) src(%dma_wait3A_310 : memref<128x256xf32, #tpu.memory_space<vmem>>) dst(%dma_wait3A_306 : memref<128x256xf32, #tpu.memory_space<hbm>>)
            "tpu.trace_stop"() : () -> ()
          } else {
          }
          %and3A_275 = arith.constant true
          %and3A_276 = arith.andi %and3A_271, %and3A_275 : i1
          %add3A_277 = arith.constant 1 : i32
          %add3A_278 = arith.addi %while3A_146, %add3A_277 : i32
          %select_n3A_279 = arith.select %and3A_276, %add3A_278, %while3A_146 : i32
          %ne3A_280 = arith.cmpi ne, %add3A_155, %add3A_173 : i32
          %or3A_281 = arith.constant false
          %or3A_282 = arith.ori %or3A_281, %ne3A_280 : i1
          %or3A_283 = arith.ori %or3A_282, %eq3A_154 : i1
          %add3A_284 = arith.constant 1 : i32
          %add3A_285 = arith.addi %while3A_144, %add3A_284 : i32
          %select_n3A_286 = arith.select %or3A_283, %add3A_285, %while3A_144 : i32
          %add3A_287 = arith.constant 1 : i32
          %add3A_288 = arith.addi %while3A_147, %add3A_287 : i32
          %select_n3A_289 = arith.constant true
          %select_n3A_290 = arith.select %select_n3A_289, %add3A_288, %while3A_147 : i32
          %eq3A_291 = arith.cmpi eq, %select_n3A_290, %select_n3A : i32
          %select_n3A_292 = arith.constant 0 : i32
          %select_n3A_293 = arith.select %eq3A_291, %select_n3A_292, %select_n3A_290 : i32
          scf.yield %select_n3A_195, %select_n3A_286, %select_n3A_252, %select_n3A_279, %select_n3A_293 : i32, i32, i32, i32, i32
        }
        %while3A_89 = arith.constant 1 : i32
        %while3A_90:5 = scf.for %while3A_142 = %while3A_86 to %while3A_82 step %while3A_89 iter_args(%while3A_143 = %while3A_88#0, %while3A_144 = %while3A_88#1, %while3A_145 = %while3A_88#2, %while3A_146 = %while3A_88#3, %while3A_147 = %while3A_88#4) -> (i32, i32, i32, i32, i32)  : i32 {
          %mul3A_148 = arith.constant 1 : i32
          %mul3A_149 = arith.muli %mul3A_148, %select_n3A : i32
          %eq3A_150 = arith.constant 0 : i32
          %eq3A_151 = arith.cmpi eq, %while3A_142, %eq3A_150 : i32
          %sub3A_152 = arith.constant 1 : i32
          %sub3A_153 = arith.subi %mul3A_149, %sub3A_152 : i32
          %eq3A_154 = arith.cmpi eq, %while3A_142, %sub3A_153 : i32
          %add3A_155 = arith.addi %while3A_147, %select_n3A_14 : i32
          %sub3A_156 = arith.constant 1 : i32
          %sub3A_157 = arith.subi %while3A_147, %sub3A_156 : i32
          %select_n3A_158 = arith.constant true
          %select_n3A_159 = arith.select %select_n3A_158, %sub3A_157, %while3A_147 : i32
          %eq3A_160 = arith.constant -1 : i32
          %eq3A_161 = arith.cmpi eq, %select_n3A_159, %eq3A_160 : i32
          %sub3A_162 = arith.constant 1 : i32
          %sub3A_163 = arith.subi %select_n3A, %sub3A_162 : i32
          %select_n3A_164 = arith.select %eq3A_161, %sub3A_163, %select_n3A_159 : i32
          %add3A_165 = arith.addi %select_n3A_164, %select_n3A_14 : i32
          %add3A_166 = arith.constant 1 : i32
          %add3A_167 = arith.addi %while3A_147, %add3A_166 : i32
          %select_n3A_168 = arith.constant true
          %select_n3A_169 = arith.select %select_n3A_168, %add3A_167, %while3A_147 : i32
          %eq3A_170 = arith.cmpi eq, %select_n3A_169, %select_n3A : i32
          %select_n3A_171 = arith.constant 0 : i32
          %select_n3A_172 = arith.select %eq3A_170, %select_n3A_171, %select_n3A_169 : i32
          %add3A_173 = arith.addi %select_n3A_172, %select_n3A_14 : i32
          %add3A_174 = arith.constant 1 : i32
          %add3A_175 = arith.addi %select_n3A_172, %add3A_174 : i32
          %select_n3A_176 = arith.constant true
          %select_n3A_177 = arith.select %select_n3A_176, %add3A_175, %select_n3A_172 : i32
          %eq3A_178 = arith.cmpi eq, %select_n3A_177, %select_n3A : i32
          %select_n3A_179 = arith.constant 0 : i32
          %select_n3A_180 = arith.select %eq3A_178, %select_n3A_179, %select_n3A_177 : i32
          %add3A_181 = arith.addi %select_n3A_180, %select_n3A_14 : i32
          %ne3A = arith.cmpi ne, %add3A_155, %add3A_173 : i32
          %or3A = arith.constant false
          %or3A_182 = arith.ori %or3A, %ne3A : i1
          %sub3A_183 = arith.constant 2 : i32
          %sub3A_184 = arith.subi %mul3A_149, %sub3A_183 : i32
          %add3A_185 = arith.constant 1 : i32
          %add3A_186 = arith.addi %sub3A_184, %add3A_185 : i32
          %ge3A = arith.cmpi sge, %while3A_142, %add3A_186 : i32
          %not3A = arith.constant true
          %not3A_187 = arith.xori %ge3A, %not3A : i1
          %and3A = arith.andi %or3A_182, %not3A_187 : i1
          %convert_element_type3A_188 = arith.extui %and3A : i1 to i32
          %cond3A_189 = arith.constant 0 : i32
          %cond3A_190 = arith.cmpi ne, %convert_element_type3A_188, %cond3A_189 : i32
          scf.if %cond3A_190 {
            "tpu.trace_start"() <{level = 10 : i32, message = "ep_copy_in"}> : () -> ()
            %rem3A_294 = arith.constant 2 : i32
            %rem3A_295 = arith.remui %while3A_143, %rem3A_294 : i32
            %mul3A_296 = arith.constant 128 : i32
            %mul3A_297 = arith.muli %mul3A_296, %add3A_173 : i32
            %dma_start3A_298 = arith.constant 0 : i32
            %dma_start3A_299 = arith.constant 0 : i32
            %dma_start3A_300 = tpu.memref_slice %run_scoped3A[%rem3A_295, %dma_start3A_298, %dma_start3A_299] : memref<2x1x128xi32, #tpu.memory_space<vmem>> -> memref<1x1x128xi32, #tpu.memory_space<vmem>>
            %dma_start3A_301 = tpu.memref_squeeze %dma_start3A_300 : memref<1x1x128xi32, #tpu.memory_space<vmem>> -> memref<1x128xi32, #tpu.memory_space<vmem>>
            %dma_start3A_302 = arith.constant 0 : i32
            %dma_start3A_303 = tpu.memref_slice %arg3[%dma_start3A_302, %mul3A_297] : memref<1x25088xi32, #tpu.memory_space<hbm>> -> memref<1x128xi32, #tpu.memory_space<hbm>>
            %dma_start3A_304 = tpu.memref_slice %run_scoped3A_17[%rem3A_295] : memref<2x!tpu.dma_semaphore, #tpu.memory_space<semaphore_mem>> -> memref<1x!tpu.dma_semaphore, #tpu.memory_space<semaphore_mem>>
            %dma_start3A_305 = tpu.memref_squeeze %dma_start3A_304 : memref<1x!tpu.dma_semaphore, #tpu.memory_space<semaphore_mem>> -> memref<!tpu.dma_semaphore, #tpu.memory_space<semaphore_mem>>
            %dma_start3A_306 = arith.constant 0 : i32
            %dma_start3A_307 = arith.constant 0 : i32
            %dma_start3A_308 = tpu.memref_slice %run_scoped3A[%rem3A_295, %dma_start3A_306, %dma_start3A_307] : memref<2x1x128xi32, #tpu.memory_space<vmem>> -> memref<1x1x128xi32, #tpu.memory_space<vmem>>
            %dma_start3A_309 = tpu.memref_squeeze %dma_start3A_308 : memref<1x1x128xi32, #tpu.memory_space<vmem>> -> memref<1x128xi32, #tpu.memory_space<vmem>>
            %dma_start3A_310 = arith.constant 0 : i32
            %dma_start3A_311 = tpu.memref_slice %arg3[%dma_start3A_310, %mul3A_297] : memref<1x25088xi32, #tpu.memory_space<hbm>> -> memref<1x128xi32, #tpu.memory_space<hbm>>
            tpu.enqueue_dma source(%dma_start3A_311 : memref<1x128xi32, #tpu.memory_space<hbm>>) target(%dma_start3A_309 : memref<1x128xi32, #tpu.memory_space<vmem>>) target_semaphore(%dma_start3A_305 : memref<!tpu.dma_semaphore, #tpu.memory_space<semaphore_mem>>)
            "tpu.trace_stop"() : () -> ()
          } else {
          }
          %and3A_191 = arith.constant true
          %and3A_192 = arith.andi %and3A, %and3A_191 : i1
          %add3A_193 = arith.constant 1 : i32
          %add3A_194 = arith.addi %while3A_143, %add3A_193 : i32
          %select_n3A_195 = arith.select %and3A_192, %add3A_194, %while3A_143 : i32
          %ne3A_196 = arith.cmpi ne, %add3A_155, %add3A_173 : i32
          %or3A_197 = arith.constant false
          %or3A_198 = arith.ori %or3A_197, %ne3A_196 : i1
          %or3A_199 = arith.constant false
          %or3A_200 = arith.ori %or3A_198, %or3A_199 : i1
          %sub3A_201 = arith.constant 2 : i32
          %sub3A_202 = arith.subi %mul3A_149, %sub3A_201 : i32
          %add3A_203 = arith.constant 1 : i32
          %add3A_204 = arith.addi %sub3A_202, %add3A_203 : i32
          %ge3A_205 = arith.cmpi sge, %while3A_142, %add3A_204 : i32
          %not3A_206 = arith.constant true
          %not3A_207 = arith.xori %ge3A_205, %not3A_206 : i1
          %and3A_208 = arith.andi %or3A_200, %not3A_207 : i1
          %ne3A_209 = arith.cmpi ne, %add3A_155, %add3A_165 : i32
          %or3A_210 = arith.constant false
          %or3A_211 = arith.ori %or3A_210, %ne3A_209 : i1
          %or3A_212 = arith.ori %or3A_211, %eq3A_151 : i1
          %convert_element_type3A_213 = arith.extui %or3A_212 : i1 to i32
          %cond3A_214 = arith.constant 0 : i32
          %cond3A_215 = arith.cmpi ne, %convert_element_type3A_213, %cond3A_214 : i32
          scf.if %cond3A_215 {
            "tpu.trace_start"() <{level = 10 : i32, message = "ep_wait_in"}> : () -> ()
            %mul3A_294 = arith.constant 128 : i32
            %mul3A_295 = arith.muli %mul3A_294, %add3A_155 : i32
            %rem3A_296 = arith.constant 2 : i32
            %rem3A_297 = arith.remui %while3A_144, %rem3A_296 : i32
            %dma_wait3A = arith.constant 0 : i32
            %dma_wait3A_298 = arith.constant 0 : i32
            %dma_wait3A_299 = tpu.memref_slice %run_scoped3A[%rem3A_297, %dma_wait3A, %dma_wait3A_298] : memref<2x1x128xi32, #tpu.memory_space<vmem>> -> memref<1x1x128xi32, #tpu.memory_space<vmem>>
            %dma_wait3A_300 = tpu.memref_squeeze %dma_wait3A_299 : memref<1x1x128xi32, #tpu.memory_space<vmem>> -> memref<1x128xi32, #tpu.memory_space<vmem>>
            %dma_wait3A_301 = arith.constant 0 : i32
            %dma_wait3A_302 = tpu.memref_slice %arg3[%dma_wait3A_301, %mul3A_295] : memref<1x25088xi32, #tpu.memory_space<hbm>> -> memref<1x128xi32, #tpu.memory_space<hbm>>
            %dma_wait3A_303 = tpu.memref_slice %run_scoped3A_17[%rem3A_297] : memref<2x!tpu.dma_semaphore, #tpu.memory_space<semaphore_mem>> -> memref<1x!tpu.dma_semaphore, #tpu.memory_space<semaphore_mem>>
            %dma_wait3A_304 = tpu.memref_squeeze %dma_wait3A_303 : memref<1x!tpu.dma_semaphore, #tpu.memory_space<semaphore_mem>> -> memref<!tpu.dma_semaphore, #tpu.memory_space<semaphore_mem>>
            %dma_wait3A_305 = arith.constant 0 : i32
            %dma_wait3A_306 = arith.constant 0 : i32
            %dma_wait3A_307 = tpu.memref_slice %run_scoped3A[%rem3A_297, %dma_wait3A_305, %dma_wait3A_306] : memref<2x1x128xi32, #tpu.memory_space<vmem>> -> memref<1x1x128xi32, #tpu.memory_space<vmem>>
            %dma_wait3A_308 = tpu.memref_squeeze %dma_wait3A_307 : memref<1x1x128xi32, #tpu.memory_space<vmem>> -> memref<1x128xi32, #tpu.memory_space<vmem>>
            %dma_wait3A_309 = arith.constant 0 : i32
            %dma_wait3A_310 = tpu.memref_slice %arg3[%dma_wait3A_309, %mul3A_295] : memref<1x25088xi32, #tpu.memory_space<hbm>> -> memref<1x128xi32, #tpu.memory_space<hbm>>
            tpu.wait_dma2 semaphore(%dma_wait3A_304 : memref<!tpu.dma_semaphore, #tpu.memory_space<semaphore_mem>>) src(%dma_wait3A_310 : memref<1x128xi32, #tpu.memory_space<hbm>>) dst(%dma_wait3A_308 : memref<1x128xi32, #tpu.memory_space<vmem>>)
            "tpu.trace_stop"() : () -> ()
          } else {
          }
          %ne3A_216 = arith.cmpi ne, %add3A_155, %add3A_165 : i32
          %or3A_217 = arith.constant false
          %or3A_218 = arith.ori %or3A_217, %ne3A_216 : i1
          %or3A_219 = arith.constant false
          %or3A_220 = arith.ori %or3A_218, %or3A_219 : i1
          %or3A_221 = arith.ori %or3A_220, %eq3A_151 : i1
          %convert_element_type3A_222 = arith.extui %or3A_221 : i1 to i32
          %cond3A_223 = arith.constant 0 : i32
          %cond3A_224 = arith.cmpi ne, %convert_element_type3A_222, %cond3A_223 : i32
          scf.if %cond3A_224 {
          } else {
          }
          %rem3A_225 = arith.constant 2 : i32
          %rem3A_226 = arith.remui %while3A_144, %rem3A_225 : i32
          %rem3A_227 = arith.constant 2 : i32
          %rem3A_228 = arith.remui %while3A_145, %rem3A_227 : i32
          %run_scoped3A_229 = arith.constant 0 : i32
          "tpu.trace_start"() <{level = 10 : i32, message = "ep_run_kernel"}> : () -> ()
          "tpu.region"() ({
            %run_scoped3A_294 = tpu.sem_alloc : memref<!tpu.dma_semaphore, #tpu.memory_space<semaphore_mem>>
            %dma_start3A_295 = arith.constant 0 : i32
            %dma_start3A_296 = arith.constant 0 : i32
            %dma_start3A_297 = tpu.memref_slice %run_scoped3A_18[%rem3A_228, %dma_start3A_295, %dma_start3A_296] : memref<2x128x256xf32, #tpu.memory_space<vmem>> -> memref<1x128x256xf32, #tpu.memory_space<vmem>>
            %dma_start3A_298 = tpu.memref_squeeze %dma_start3A_297 : memref<1x128x256xf32, #tpu.memory_space<vmem>> -> memref<128x256xf32, #tpu.memory_space<vmem>>
            %dma_start3A_299 = arith.constant 0 : i32
            %dma_start3A_300 = arith.constant 0 : i32
            %dma_start3A_301 = tpu.memref_slice %run_scoped3A[%rem3A_226, %dma_start3A_299, %dma_start3A_300] : memref<2x1x128xi32, #tpu.memory_space<vmem>> -> memref<1x1x128xi32, #tpu.memory_space<vmem>>
            %dma_start3A_302 = tpu.memref_squeeze %dma_start3A_301 : memref<1x1x128xi32, #tpu.memory_space<vmem>> -> memref<1x128xi32, #tpu.memory_space<vmem>>
            %dma_start3A_303 = arith.constant 0 : i32
            %dma_start3A_304 = tpu.memref_slice %dma_start3A_302[%run_scoped3A_229, %dma_start3A_303] : memref<1x128xi32, #tpu.memory_space<vmem>> -> memref<1x128xi32, #tpu.memory_space<vmem>>
            %dma_start3A_305 = tpu.memref_squeeze %dma_start3A_304 : memref<1x128xi32, #tpu.memory_space<vmem>> -> memref<128xi32, #tpu.memory_space<vmem>>
            %dma_start3A_306 = arith.constant 0 : i32
            %dma_start3A_307 = arith.constant 0 : i32
            %dma_start3A_308 = tpu.memref_slice %arg2[%dma_start3A_306, %dma_start3A_307] : memref<100352x256xf32, #tpu.memory_space<hbm>> -> memref<100352x256xf32, #tpu.memory_space<hbm>>
            tpu.enqueue_indirect_dma source(%dma_start3A_308 : memref<100352x256xf32, #tpu.memory_space<hbm>>) target(%dma_start3A_298 : memref<128x256xf32, #tpu.memory_space<vmem>>) offsets(%dma_start3A_305 : memref<128xi32, #tpu.memory_space<vmem>>) semaphore(%run_scoped3A_294 : memref<!tpu.dma_semaphore, #tpu.memory_space<semaphore_mem>>)
            %dma_wait3A = arith.constant 0 : i32
            %dma_wait3A_309 = arith.constant 0 : i32
            %dma_wait3A_310 = tpu.memref_slice %run_scoped3A_18[%rem3A_228, %dma_wait3A, %dma_wait3A_309] : memref<2x128x256xf32, #tpu.memory_space<vmem>> -> memref<1x128x256xf32, #tpu.memory_space<vmem>>
            %dma_wait3A_311 = tpu.memref_squeeze %dma_wait3A_310 : memref<1x128x256xf32, #tpu.memory_space<vmem>> -> memref<128x256xf32, #tpu.memory_space<vmem>>
            %dma_wait3A_312 = arith.constant 0 : i32
            %dma_wait3A_313 = arith.constant 0 : i32
            %dma_wait3A_314 = tpu.memref_slice %run_scoped3A[%rem3A_226, %dma_wait3A_312, %dma_wait3A_313] : memref<2x1x128xi32, #tpu.memory_space<vmem>> -> memref<1x1x128xi32, #tpu.memory_space<vmem>>
            %dma_wait3A_315 = tpu.memref_squeeze %dma_wait3A_314 : memref<1x1x128xi32, #tpu.memory_space<vmem>> -> memref<1x128xi32, #tpu.memory_space<vmem>>
            %dma_wait3A_316 = arith.constant 0 : i32
            %dma_wait3A_317 = tpu.memref_slice %dma_wait3A_315[%run_scoped3A_229, %dma_wait3A_316] : memref<1x128xi32, #tpu.memory_space<vmem>> -> memref<1x128xi32, #tpu.memory_space<vmem>>
            %dma_wait3A_318 = tpu.memref_squeeze %dma_wait3A_317 : memref<1x128xi32, #tpu.memory_space<vmem>> -> memref<128xi32, #tpu.memory_space<vmem>>
            %dma_wait3A_319 = arith.constant 0 : i32
            %dma_wait3A_320 = arith.constant 0 : i32
            %dma_wait3A_321 = tpu.memref_slice %arg2[%dma_wait3A_319, %dma_wait3A_320] : memref<100352x256xf32, #tpu.memory_space<hbm>> -> memref<100352x256xf32, #tpu.memory_space<hbm>>
            tpu.wait_indirect_dma semaphore(%run_scoped3A_294 : memref<!tpu.dma_semaphore, #tpu.memory_space<semaphore_mem>>) src(%dma_wait3A_321 : memref<100352x256xf32, #tpu.memory_space<hbm>>) dst(%dma_wait3A_311 : memref<128x256xf32, #tpu.memory_space<vmem>>)
            tpu.yield
          }) : () -> ()
          "tpu.trace_stop"() : () -> ()
          %ne3A_230 = arith.cmpi ne, %add3A_155, %add3A_173 : i32
          %or3A_231 = arith.constant false
          %or3A_232 = arith.ori %or3A_231, %ne3A_230 : i1
          %or3A_233 = arith.ori %or3A_232, %eq3A_154 : i1
          %convert_element_type3A_234 = arith.extui %or3A_233 : i1 to i32
          %cond3A_235 = arith.constant 0 : i32
          %cond3A_236 = arith.cmpi ne, %convert_element_type3A_234, %cond3A_235 : i32
          scf.if %cond3A_236 {
          } else {
          }
          %and3A_237 = arith.constant false
          %and3A_238 = arith.andi %or3A_233, %and3A_237 : i1
          %ne3A_239 = arith.cmpi ne, %add3A_155, %add3A_173 : i32
          %or3A_240 = arith.constant false
          %or3A_241 = arith.ori %or3A_240, %ne3A_239 : i1
          %or3A_242 = arith.constant false
          %or3A_243 = arith.ori %or3A_241, %or3A_242 : i1
          %or3A_244 = arith.ori %or3A_243, %eq3A_154 : i1
          %convert_element_type3A_245 = arith.extui %or3A_244 : i1 to i32
          %cond3A_246 = arith.constant 0 : i32
          %cond3A_247 = arith.cmpi ne, %convert_element_type3A_245, %cond3A_246 : i32
          scf.if %cond3A_247 {
            "tpu.trace_start"() <{level = 10 : i32, message = "ep_copy_out"}> : () -> ()
            %rem3A_294 = arith.constant 2 : i32
            %rem3A_295 = arith.remui %while3A_145, %rem3A_294 : i32
            %mul3A_296 = arith.constant 128 : i32
            %mul3A_297 = arith.muli %mul3A_296, %add3A_155 : i32
            %dma_start3A_298 = arith.constant 0 : i32
            %dma_start3A_299 = arith.constant 0 : i32
            %dma_start3A_300 = tpu.memref_slice %run_scoped3A_18[%rem3A_295, %dma_start3A_298, %dma_start3A_299] : memref<2x128x256xf32, #tpu.memory_space<vmem>> -> memref<1x128x256xf32, #tpu.memory_space<vmem>>
            %dma_start3A_301 = tpu.memref_squeeze %dma_start3A_300 : memref<1x128x256xf32, #tpu.memory_space<vmem>> -> memref<128x256xf32, #tpu.memory_space<vmem>>
            %dma_start3A_302 = arith.constant 0 : i32
            %dma_start3A_303 = tpu.memref_slice %arg4[%mul3A_297, %dma_start3A_302] : memref<25088x256xf32, #tpu.memory_space<hbm>> -> memref<128x256xf32, #tpu.memory_space<hbm>>
            %dma_start3A_304 = tpu.memref_slice %run_scoped3A_19[%rem3A_295] : memref<2x!tpu.dma_semaphore, #tpu.memory_space<semaphore_mem>> -> memref<1x!tpu.dma_semaphore, #tpu.memory_space<semaphore_mem>>
            %dma_start3A_305 = tpu.memref_squeeze %dma_start3A_304 : memref<1x!tpu.dma_semaphore, #tpu.memory_space<semaphore_mem>> -> memref<!tpu.dma_semaphore, #tpu.memory_space<semaphore_mem>>
            %dma_start3A_306 = arith.constant 0 : i32
            %dma_start3A_307 = tpu.memref_slice %arg4[%mul3A_297, %dma_start3A_306] : memref<25088x256xf32, #tpu.memory_space<hbm>> -> memref<128x256xf32, #tpu.memory_space<hbm>>
            %dma_start3A_308 = arith.constant 0 : i32
            %dma_start3A_309 = arith.constant 0 : i32
            %dma_start3A_310 = tpu.memref_slice %run_scoped3A_18[%rem3A_295, %dma_start3A_308, %dma_start3A_309] : memref<2x128x256xf32, #tpu.memory_space<vmem>> -> memref<1x128x256xf32, #tpu.memory_space<vmem>>
            %dma_start3A_311 = tpu.memref_squeeze %dma_start3A_310 : memref<1x128x256xf32, #tpu.memory_space<vmem>> -> memref<128x256xf32, #tpu.memory_space<vmem>>
            tpu.enqueue_dma source(%dma_start3A_311 : memref<128x256xf32, #tpu.memory_space<vmem>>) target(%dma_start3A_307 : memref<128x256xf32, #tpu.memory_space<hbm>>) target_semaphore(%dma_start3A_305 : memref<!tpu.dma_semaphore, #tpu.memory_space<semaphore_mem>>)
            "tpu.trace_stop"() : () -> ()
          } else {
          }
          %and3A_248 = arith.constant true
          %and3A_249 = arith.andi %or3A_244, %and3A_248 : i1
          %add3A_250 = arith.constant 1 : i32
          %add3A_251 = arith.addi %while3A_145, %add3A_250 : i32
          %select_n3A_252 = arith.select %and3A_249, %add3A_251, %while3A_145 : i32
          %ne3A_253 = arith.cmpi ne, %add3A_155, %add3A_165 : i32
          %or3A_254 = arith.constant false
          %or3A_255 = arith.ori %or3A_254, %ne3A_253 : i1
          %not3A_256 = arith.constant true
          %not3A_257 = arith.xori %eq3A_151, %not3A_256 : i1
          %and3A_258 = arith.andi %or3A_255, %not3A_257 : i1
          %convert_element_type3A_259 = arith.extui %and3A_258 : i1 to i32
          %cond3A_260 = arith.constant 0 : i32
          %cond3A_261 = arith.cmpi ne, %convert_element_type3A_259, %cond3A_260 : i32
          scf.if %cond3A_261 {
          } else {
          }
          %and3A_262 = arith.constant false
          %and3A_263 = arith.andi %and3A_258, %and3A_262 : i1
          %ne3A_264 = arith.cmpi ne, %add3A_155, %add3A_165 : i32
          %or3A_265 = arith.constant false
          %or3A_266 = arith.ori %or3A_265, %ne3A_264 : i1
          %or3A_267 = arith.constant false
          %or3A_268 = arith.ori %or3A_266, %or3A_267 : i1
          %not3A_269 = arith.constant true
          %not3A_270 = arith.xori %eq3A_151, %not3A_269 : i1
          %and3A_271 = arith.andi %or3A_268, %not3A_270 : i1
          %convert_element_type3A_272 = arith.extui %and3A_271 : i1 to i32
          %cond3A_273 = arith.constant 0 : i32
          %cond3A_274 = arith.cmpi ne, %convert_element_type3A_272, %cond3A_273 : i32
          scf.if %cond3A_274 {
            "tpu.trace_start"() <{level = 10 : i32, message = "ep_wait_out"}> : () -> ()
            %rem3A_294 = arith.constant 2 : i32
            %rem3A_295 = arith.remui %while3A_146, %rem3A_294 : i32
            %mul3A_296 = arith.constant 128 : i32
            %mul3A_297 = arith.muli %mul3A_296, %add3A_165 : i32
            %dma_wait3A = arith.constant 0 : i32
            %dma_wait3A_298 = arith.constant 0 : i32
            %dma_wait3A_299 = tpu.memref_slice %run_scoped3A_18[%rem3A_295, %dma_wait3A, %dma_wait3A_298] : memref<2x128x256xf32, #tpu.memory_space<vmem>> -> memref<1x128x256xf32, #tpu.memory_space<vmem>>
            %dma_wait3A_300 = tpu.memref_squeeze %dma_wait3A_299 : memref<1x128x256xf32, #tpu.memory_space<vmem>> -> memref<128x256xf32, #tpu.memory_space<vmem>>
            %dma_wait3A_301 = arith.constant 0 : i32
            %dma_wait3A_302 = tpu.memref_slice %arg4[%mul3A_297, %dma_wait3A_301] : memref<25088x256xf32, #tpu.memory_space<hbm>> -> memref<128x256xf32, #tpu.memory_space<hbm>>
            %dma_wait3A_303 = tpu.memref_slice %run_scoped3A_19[%rem3A_295] : memref<2x!tpu.dma_semaphore, #tpu.memory_space<semaphore_mem>> -> memref<1x!tpu.dma_semaphore, #tpu.memory_space<semaphore_mem>>
            %dma_wait3A_304 = tpu.memref_squeeze %dma_wait3A_303 : memref<1x!tpu.dma_semaphore, #tpu.memory_space<semaphore_mem>> -> memref<!tpu.dma_semaphore, #tpu.memory_space<semaphore_mem>>
            %dma_wait3A_305 = arith.constant 0 : i32
            %dma_wait3A_306 = tpu.memref_slice %arg4[%mul3A_297, %dma_wait3A_305] : memref<25088x256xf32, #tpu.memory_space<hbm>> -> memref<128x256xf32, #tpu.memory_space<hbm>>
            %dma_wait3A_307 = arith.constant 0 : i32
            %dma_wait3A_308 = arith.constant 0 : i32
            %dma_wait3A_309 = tpu.memref_slice %run_scoped3A_18[%rem3A_295, %dma_wait3A_307, %dma_wait3A_308] : memref<2x128x256xf32, #tpu.memory_space<vmem>> -> memref<1x128x256xf32, #tpu.memory_space<vmem>>
            %dma_wait3A_310 = tpu.memref_squeeze %dma_wait3A_309 : memref<1x128x256xf32, #tpu.memory_space<vmem>> -> memref<128x256xf32, #tpu.memory_space<vmem>>
            tpu.wait_dma2 semaphore(%dma_wait3A_304 : memref<!tpu.dma_semaphore, #tpu.memory_space<semaphore_mem>>) src(%dma_wait3A_310 : memref<128x256xf32, #tpu.memory_space<vmem>>) dst(%dma_wait3A_306 : memref<128x256xf32, #tpu.memory_space<hbm>>)
            "tpu.trace_stop"() : () -> ()
          } else {
          }
          %and3A_275 = arith.constant true
          %and3A_276 = arith.andi %and3A_271, %and3A_275 : i1
          %add3A_277 = arith.constant 1 : i32
          %add3A_278 = arith.addi %while3A_146, %add3A_277 : i32
          %select_n3A_279 = arith.select %and3A_276, %add3A_278, %while3A_146 : i32
          %ne3A_280 = arith.cmpi ne, %add3A_155, %add3A_173 : i32
          %or3A_281 = arith.constant false
          %or3A_282 = arith.ori %or3A_281, %ne3A_280 : i1
          %or3A_283 = arith.ori %or3A_282, %eq3A_154 : i1
          %add3A_284 = arith.constant 1 : i32
          %add3A_285 = arith.addi %while3A_144, %add3A_284 : i32
          %select_n3A_286 = arith.select %or3A_283, %add3A_285, %while3A_144 : i32
          %add3A_287 = arith.constant 1 : i32
          %add3A_288 = arith.addi %while3A_147, %add3A_287 : i32
          %select_n3A_289 = arith.constant true
          %select_n3A_290 = arith.select %select_n3A_289, %add3A_288, %while3A_147 : i32
          %eq3A_291 = arith.cmpi eq, %select_n3A_290, %select_n3A : i32
          %select_n3A_292 = arith.constant 0 : i32
          %select_n3A_293 = arith.select %eq3A_291, %select_n3A_292, %select_n3A_290 : i32
          scf.yield %select_n3A_195, %select_n3A_286, %select_n3A_252, %select_n3A_279, %select_n3A_293 : i32, i32, i32, i32, i32
        }
        %sub3A_91 = arith.constant 1 : i32
        %sub3A_92 = arith.subi %while3A_90#4, %sub3A_91 : i32
        %select_n3A_93 = arith.constant true
        %select_n3A_94 = arith.select %select_n3A_93, %sub3A_92, %while3A_90#4 : i32
        %eq3A_95 = arith.constant -1 : i32
        %eq3A_96 = arith.cmpi eq, %select_n3A_94, %eq3A_95 : i32
        %sub3A_97 = arith.constant 1 : i32
        %sub3A_98 = arith.subi %select_n3A, %sub3A_97 : i32
        %select_n3A_99 = arith.select %eq3A_96, %sub3A_98, %select_n3A_94 : i32
        %sub3A_100 = arith.constant 1 : i32
        %sub3A_101 = arith.subi %mul3A_16, %sub3A_100 : i32
        %mul3A_102 = arith.constant 1 : i32
        %mul3A_103 = arith.muli %mul3A_102, %select_n3A : i32
        %eq3A_104 = arith.constant 0 : i32
        %eq3A_105 = arith.cmpi eq, %sub3A_101, %eq3A_104 : i32
        %sub3A_106 = arith.constant 1 : i32
        %sub3A_107 = arith.subi %mul3A_103, %sub3A_106 : i32
        %eq3A_108 = arith.cmpi eq, %sub3A_101, %sub3A_107 : i32
        %add3A_109 = arith.addi %select_n3A_99, %select_n3A_14 : i32
        %sub3A_110 = arith.constant 1 : i32
        %sub3A_111 = arith.subi %select_n3A_99, %sub3A_110 : i32
        %select_n3A_112 = arith.constant true
        %select_n3A_113 = arith.select %select_n3A_112, %sub3A_111, %select_n3A_99 : i32
        %eq3A_114 = arith.constant -1 : i32
        %eq3A_115 = arith.cmpi eq, %select_n3A_113, %eq3A_114 : i32
        %sub3A_116 = arith.constant 1 : i32
        %sub3A_117 = arith.subi %select_n3A, %sub3A_116 : i32
        %select_n3A_118 = arith.select %eq3A_115, %sub3A_117, %select_n3A_113 : i32
        %add3A_119 = arith.addi %select_n3A_118, %select_n3A_14 : i32
        %add3A_120 = arith.constant 1 : i32
        %add3A_121 = arith.addi %select_n3A_99, %add3A_120 : i32
        %select_n3A_122 = arith.constant true
        %select_n3A_123 = arith.select %select_n3A_122, %add3A_121, %select_n3A_99 : i32
        %eq3A_124 = arith.cmpi eq, %select_n3A_123, %select_n3A : i32
        %select_n3A_125 = arith.constant 0 : i32
        %select_n3A_126 = arith.select %eq3A_124, %select_n3A_125, %select_n3A_123 : i32
        %add3A_127 = arith.addi %select_n3A_126, %select_n3A_14 : i32
        %add3A_128 = arith.constant 1 : i32
        %add3A_129 = arith.addi %select_n3A_126, %add3A_128 : i32
        %select_n3A_130 = arith.constant true
        %select_n3A_131 = arith.select %select_n3A_130, %add3A_129, %select_n3A_126 : i32
        %eq3A_132 = arith.cmpi eq, %select_n3A_131, %select_n3A : i32
        %select_n3A_133 = arith.constant 0 : i32
        %select_n3A_134 = arith.select %eq3A_132, %select_n3A_133, %select_n3A_131 : i32
        %add3A_135 = arith.addi %select_n3A_134, %select_n3A_14 : i32
        %convert_element_type3A_136 = arith.extui %eq3A_108 : i1 to i32
        %cond3A_137 = arith.constant 0 : i32
        %cond3A_138 = arith.cmpi ne, %convert_element_type3A_136, %cond3A_137 : i32
        scf.if %cond3A_138 {
        } else {
        }
        %convert_element_type3A_139 = arith.extui %eq3A_108 : i1 to i32
        %cond3A_140 = arith.constant 0 : i32
        %cond3A_141 = arith.cmpi ne, %convert_element_type3A_139, %cond3A_140 : i32
        scf.if %cond3A_141 {
          "tpu.trace_start"() <{level = 10 : i32, message = "ep_finalize"}> : () -> ()
          %rem3A_142 = arith.constant 2 : i32
          %rem3A_143 = arith.remui %while3A_90#3, %rem3A_142 : i32
          %mul3A_144 = arith.constant 128 : i32
          %mul3A_145 = arith.muli %mul3A_144, %add3A_109 : i32
          %dma_wait3A = arith.constant 0 : i32
          %dma_wait3A_146 = arith.constant 0 : i32
          %dma_wait3A_147 = tpu.memref_slice %run_scoped3A_18[%rem3A_143, %dma_wait3A, %dma_wait3A_146] : memref<2x128x256xf32, #tpu.memory_space<vmem>> -> memref<1x128x256xf32, #tpu.memory_space<vmem>>
          %dma_wait3A_148 = tpu.memref_squeeze %dma_wait3A_147 : memref<1x128x256xf32, #tpu.memory_space<vmem>> -> memref<128x256xf32, #tpu.memory_space<vmem>>
          %dma_wait3A_149 = arith.constant 0 : i32
          %dma_wait3A_150 = tpu.memref_slice %arg4[%mul3A_145, %dma_wait3A_149] : memref<25088x256xf32, #tpu.memory_space<hbm>> -> memref<128x256xf32, #tpu.memory_space<hbm>>
          %dma_wait3A_151 = tpu.memref_slice %run_scoped3A_19[%rem3A_143] : memref<2x!tpu.dma_semaphore, #tpu.memory_space<semaphore_mem>> -> memref<1x!tpu.dma_semaphore, #tpu.memory_space<semaphore_mem>>
          %dma_wait3A_152 = tpu.memref_squeeze %dma_wait3A_151 : memref<1x!tpu.dma_semaphore, #tpu.memory_space<semaphore_mem>> -> memref<!tpu.dma_semaphore, #tpu.memory_space<semaphore_mem>>
          %dma_wait3A_153 = arith.constant 0 : i32
          %dma_wait3A_154 = tpu.memref_slice %arg4[%mul3A_145, %dma_wait3A_153] : memref<25088x256xf32, #tpu.memory_space<hbm>> -> memref<128x256xf32, #tpu.memory_space<hbm>>
          %dma_wait3A_155 = arith.constant 0 : i32
          %dma_wait3A_156 = arith.constant 0 : i32
          %dma_wait3A_157 = tpu.memref_slice %run_scoped3A_18[%rem3A_143, %dma_wait3A_155, %dma_wait3A_156] : memref<2x128x256xf32, #tpu.memory_space<vmem>> -> memref<1x128x256xf32, #tpu.memory_space<vmem>>
          %dma_wait3A_158 = tpu.memref_squeeze %dma_wait3A_157 : memref<1x128x256xf32, #tpu.memory_space<vmem>> -> memref<128x256xf32, #tpu.memory_space<vmem>>
          tpu.wait_dma2 semaphore(%dma_wait3A_152 : memref<!tpu.dma_semaphore, #tpu.memory_space<semaphore_mem>>) src(%dma_wait3A_158 : memref<128x256xf32, #tpu.memory_space<vmem>>) dst(%dma_wait3A_154 : memref<128x256xf32, #tpu.memory_space<hbm>>)
          "tpu.trace_stop"() : () -> ()
        } else {
        }
      } else {
      }
      tpu.yield
    }) : () -> ()
    return
  }
}

#map = affine_map<(d0, d1) -> (0, 0)>
module attributes {stable_mosaic.version = 14 : i64} {
  func.func @k(%arg0: i32, %arg1: i32, %arg2: memref<100352x256xf32, #tpu.memory_space<hbm>>, %arg3: memref<1x25088xi32, #tpu.memory_space<hbm>>, %arg4: memref<25088x256xf32, #tpu.memory_space<hbm>>) attributes {dimension_semantics = [#tpu.dimension_semantics<core_parallel>, #tpu.dimension_semantics<subcore_parallel>], iteration_bounds = array<i64: 2, 16>, scalar_prefetch = 0 : i64, scratch_operands = 0 : i64, tpu.core_type = #tpu.core_type<sc_vector_subcore>, window_params = [{transform_indices = #map}, {transform_indices = #map}, {transform_indices = #map}]} {
    %mul3A = arith.constant 1 : i32
    %mul3A_0 = arith.muli %arg1, %mul3A : i32
    %add3A = arith.constant 0 : i32
    %add3A_1 = arith.addi %add3A, %mul3A_0 : i32
    %mul3A_2 = arith.constant 16 : i32
    %mul3A_3 = arith.muli %arg0, %mul3A_2 : i32
    %add3A_4 = arith.addi %add3A_1, %mul3A_3 : i32
    %lt3A = arith.constant 4 : i32
    %lt3A_5 = arith.cmpi slt, %add3A_4, %lt3A : i32
    %jit3A = arith.constant 7 : i32
    %jit3A_6 = arith.constant 6 : i32
    %select_n3A = arith.select %lt3A_5, %jit3A, %jit3A_6 : i32
    %lt3A_7 = arith.constant 4 : i32
    %lt3A_8 = arith.cmpi slt, %add3A_4, %lt3A_7 : i32
    %mul3A_9 = arith.muli %add3A_4, %select_n3A : i32
    %mul3A_10 = arith.constant 6 : i32
    %mul3A_11 = arith.muli %add3A_4, %mul3A_10 : i32
    %add3A_12 = arith.constant 4 : i32
    %add3A_13 = arith.addi %mul3A_11, %add3A_12 : i32
    %select_n3A_14 = arith.select %lt3A_8, %mul3A_9, %add3A_13 : i32
    %mul3A_15 = arith.constant 1 : i32
    %mul3A_16 = arith.muli %mul3A_15, %select_n3A : i32
    "tpu.region"() ({
      %run_scoped3A = memref.alloca() : memref<2x1x128xi32, #tpu.memory_space<vmem>>
      %run_scoped3A_17 = tpu.sem_alloc : memref<2x!tpu.dma_semaphore, #tpu.memory_space<semaphore_mem>>
      %run_scoped3A_18 = memref.alloca() : memref<2x128x256xf32, #tpu.memory_space<vmem>>
      %run_scoped3A_19 = tpu.sem_alloc : memref<2x!tpu.dma_semaphore, #tpu.memory_space<semaphore_mem>>
      %gt3A = arith.constant 0 : i32
      %gt3A_20 = arith.cmpi sgt, %mul3A_16, %gt3A : i32
      %convert_element_type3A = arith.extui %gt3A_20 : i1 to i32
      %cond3A = arith.constant 0 : i32
      %cond3A_21 = arith.cmpi ne, %convert_element_type3A, %cond3A : i32
      scf.if %cond3A_21 {
        %mul3A_22 = arith.constant 1 : i32
        %mul3A_23 = arith.muli %mul3A_22, %select_n3A : i32
        %sub3A = arith.constant 1 : i32
        %sub3A_24 = arith.subi %mul3A_23, %sub3A : i32
        %eq3A = arith.constant 0 : i32
        %eq3A_25 = arith.cmpi eq, %sub3A_24, %eq3A : i32
        %add3A_26 = arith.constant 0 : i32
        %add3A_27 = arith.addi %add3A_26, %select_n3A_14 : i32
        %select_n3A_28 = arith.constant true
        %select_n3A_29 = arith.constant 0 : i32
        %select_n3A_30 = arith.constant -1 : i32
        %select_n3A_31 = arith.select %select_n3A_28, %select_n3A_30, %select_n3A_29 : i32
        %eq3A_32 = arith.constant -1 : i32
        %eq3A_33 = arith.cmpi eq, %select_n3A_31, %eq3A_32 : i32
        %sub3A_34 = arith.constant 1 : i32
        %sub3A_35 = arith.subi %select_n3A, %sub3A_34 : i32
        %select_n3A_36 = arith.select %eq3A_33, %sub3A_35, %select_n3A_31 : i32
        %add3A_37 = arith.addi %select_n3A_36, %select_n3A_14 : i32
        %select_n3A_38 = arith.constant true
        %select_n3A_39 = arith.constant 0 : i32
        %select_n3A_40 = arith.constant 1 : i32
        %select_n3A_41 = arith.select %select_n3A_38, %select_n3A_40, %select_n3A_39 : i32
        %eq3A_42 = arith.cmpi eq, %select_n3A_41, %select_n3A : i32
        %select_n3A_43 = arith.constant 0 : i32
        %select_n3A_44 = arith.select %eq3A_42, %select_n3A_43, %select_n3A_41 : i32
        %add3A_45 = arith.addi %select_n3A_44, %select_n3A_14 : i32
        %add3A_46 = arith.constant 1 : i32
        %add3A_47 = arith.addi %select_n3A_44, %add3A_46 : i32
        %select_n3A_48 = arith.constant true
        %select_n3A_49 = arith.select %select_n3A_48, %add3A_47, %select_n3A_44 : i32
        %eq3A_50 = arith.cmpi eq, %select_n3A_49, %select_n3A : i32
        %select_n3A_51 = arith.constant 0 : i32
        %select_n3A_52 = arith.select %eq3A_50, %select_n3A_51, %select_n3A_49 : i32
        %add3A_53 = arith.addi %select_n3A_52, %select_n3A_14 : i32
        "tpu.trace_start"() <{level = 10 : i32, message = "ep_initialize_0"}> : () -> ()
        %rem3A = arith.constant 0 : i32
        %rem3A_54 = arith.constant 2 : i32
        %rem3A_55 = arith.remui %rem3A, %rem3A_54 : i32
        %mul3A_56 = arith.constant 128 : i32
        %mul3A_57 = arith.muli %mul3A_56, %add3A_27 : i32
        %dma_start3A = arith.constant 0 : i32
        %dma_start3A_58 = arith.constant 0 : i32
        %dma_start3A_59 = tpu.memref_slice %run_scoped3A[%rem3A_55, %dma_start3A, %dma_start3A_58] : memref<2x1x128xi32, #tpu.memory_space<vmem>> -> memref<1x1x128xi32, #tpu.memory_space<vmem>>
        %dma_start3A_60 = tpu.memref_squeeze %dma_start3A_59 : memref<1x1x128xi32, #tpu.memory_space<vmem>> -> memref<1x128xi32, #tpu.memory_space<vmem>>
        %dma_start3A_61 = arith.constant 0 : i32
        %dma_start3A_62 = tpu.memref_slice %arg3[%dma_start3A_61, %mul3A_57] : memref<1x25088xi32, #tpu.memory_space<hbm>> -> memref<1x128xi32, #tpu.memory_space<hbm>>
        %dma_start3A_63 = tpu.memref_slice %run_scoped3A_17[%rem3A_55] : memref<2x!tpu.dma_semaphore, #tpu.memory_space<semaphore_mem>> -> memref<1x!tpu.dma_semaphore, #tpu.memory_space<semaphore_mem>>
        %dma_start3A_64 = tpu.memref_squeeze %dma_start3A_63 : memref<1x!tpu.dma_semaphore, #tpu.memory_space<semaphore_mem>> -> memref<!tpu.dma_semaphore, #tpu.memory_space<semaphore_mem>>
        %dma_start3A_65 = arith.constant 0 : i32
        %dma_start3A_66 = arith.constant 0 : i32
        %dma_start3A_67 = tpu.memref_slice %run_scoped3A[%rem3A_55, %dma_start3A_65, %dma_start3A_66] : memref<2x1x128xi32, #tpu.memory_space<vmem>> -> memref<1x1x128xi32, #tpu.memory_space<vmem>>
        %dma_start3A_68 = tpu.memref_squeeze %dma_start3A_67 : memref<1x1x128xi32, #tpu.memory_space<vmem>> -> memref<1x128xi32, #tpu.memory_space<vmem>>
        %dma_start3A_69 = arith.constant 0 : i32
        %dma_start3A_70 = tpu.memref_slice %arg3[%dma_start3A_69, %mul3A_57] : memref<1x25088xi32, #tpu.memory_space<hbm>> -> memref<1x128xi32, #tpu.memory_space<hbm>>
        tpu.enqueue_dma source(%dma_start3A_70 : memref<1x128xi32, #tpu.memory_space<hbm>>) target(%dma_start3A_68 : memref<1x128xi32, #tpu.memory_space<vmem>>) target_semaphore(%dma_start3A_64 : memref<!tpu.dma_semaphore, #tpu.memory_space<semaphore_mem>>)
        %add3A_71 = arith.constant 0 : i32
        %add3A_72 = arith.constant 1 : i32
        %add3A_73 = arith.addi %add3A_71, %add3A_72 : i32
        %select_n3A_74 = arith.constant true
        %select_n3A_75 = arith.constant 0 : i32
        %select_n3A_76 = arith.select %select_n3A_74, %add3A_73, %select_n3A_75 : i32
        %while3A = arith.constant 0 : i32
        %while3A_77 = arith.constant 0 : i32
        %while3A_78 = arith.constant 0 : i32
        %while3A_79 = arith.constant 0 : i32
        %while3A_80 = arith.constant 0 : i32
        "tpu.trace_stop"() : () -> ()
        %while3A_81 = arith.subi %mul3A_16, %while3A : i32
        %while3A_82 = arith.addi %while3A, %while3A_81 : i32
        %while3A_83 = arith.constant 1 : i32
        %while3A_84 = arith.divsi %while3A_81, %while3A_83 : i32
        %while3A_85 = arith.muli %while3A_84, %while3A_83 : i32
        %while3A_86 = arith.addi %while3A, %while3A_85 : i32
        %while3A_87 = arith.constant 1 : i32
        %while3A_88:5 = scf.for %while3A_142 = %while3A to %while3A_86 step %while3A_87 iter_args(%while3A_143 = %select_n3A_76, %while3A_144 = %while3A_77, %while3A_145 = %while3A_78, %while3A_146 = %while3A_79, %while3A_147 = %while3A_80) -> (i32, i32, i32, i32, i32)  : i32 {
          %mul3A_148 = arith.constant 1 : i32
          %mul3A_149 = arith.muli %mul3A_148, %select_n3A : i32
          %eq3A_150 = arith.constant 0 : i32
          %eq3A_151 = arith.cmpi eq, %while3A_142, %eq3A_150 : i32
          %sub3A_152 = arith.constant 1 : i32
          %sub3A_153 = arith.subi %mul3A_149, %sub3A_152 : i32
          %eq3A_154 = arith.cmpi eq, %while3A_142, %sub3A_153 : i32
          %add3A_155 = arith.addi %while3A_147, %select_n3A_14 : i32
          %sub3A_156 = arith.constant 1 : i32
          %sub3A_157 = arith.subi %while3A_147, %sub3A_156 : i32
          %select_n3A_158 = arith.constant true
          %select_n3A_159 = arith.select %select_n3A_158, %sub3A_157, %while3A_147 : i32
          %eq3A_160 = arith.constant -1 : i32
          %eq3A_161 = arith.cmpi eq, %select_n3A_159, %eq3A_160 : i32
          %sub3A_162 = arith.constant 1 : i32
          %sub3A_163 = arith.subi %select_n3A, %sub3A_162 : i32
          %select_n3A_164 = arith.select %eq3A_161, %sub3A_163, %select_n3A_159 : i32
          %add3A_165 = arith.addi %select_n3A_164, %select_n3A_14 : i32
          %add3A_166 = arith.constant 1 : i32
          %add3A_167 = arith.addi %while3A_147, %add3A_166 : i32
          %select_n3A_168 = arith.constant true
          %select_n3A_169 = arith.select %select_n3A_168, %add3A_167, %while3A_147 : i32
          %eq3A_170 = arith.cmpi eq, %select_n3A_169, %select_n3A : i32
          %select_n3A_171 = arith.constant 0 : i32
          %select_n3A_172 = arith.select %eq3A_170, %select_n3A_171, %select_n3A_169 : i32
          %add3A_173 = arith.addi %select_n3A_172, %select_n3A_14 : i32
          %add3A_174 = arith.constant 1 : i32
          %add3A_175 = arith.addi %select_n3A_172, %add3A_174 : i32
          %select_n3A_176 = arith.constant true
          %select_n3A_177 = arith.select %select_n3A_176, %add3A_175, %select_n3A_172 : i32
          %eq3A_178 = arith.cmpi eq, %select_n3A_177, %select_n3A : i32
          %select_n3A_179 = arith.constant 0 : i32
          %select_n3A_180 = arith.select %eq3A_178, %select_n3A_179, %select_n3A_177 : i32
          %add3A_181 = arith.addi %select_n3A_180, %select_n3A_14 : i32
          %ne3A = arith.cmpi ne, %add3A_155, %add3A_173 : i32
          %or3A = arith.constant false
          %or3A_182 = arith.ori %or3A, %ne3A : i1
          %sub3A_183 = arith.constant 2 : i32
          %sub3A_184 = arith.subi %mul3A_149, %sub3A_183 : i32
          %add3A_185 = arith.constant 1 : i32
          %add3A_186 = arith.addi %sub3A_184, %add3A_185 : i32
          %ge3A = arith.cmpi sge, %while3A_142, %add3A_186 : i32
          %not3A = arith.constant true
          %not3A_187 = arith.xori %ge3A, %not3A : i1
          %and3A = arith.andi %or3A_182, %not3A_187 : i1
          %convert_element_type3A_188 = arith.extui %and3A : i1 to i32
          %cond3A_189 = arith.constant 0 : i32
          %cond3A_190 = arith.cmpi ne, %convert_element_type3A_188, %cond3A_189 : i32
          scf.if %cond3A_190 {
            "tpu.trace_start"() <{level = 10 : i32, message = "ep_copy_in"}> : () -> ()
            %rem3A_294 = arith.constant 2 : i32
            %rem3A_295 = arith.remui %while3A_143, %rem3A_294 : i32
            %mul3A_296 = arith.constant 128 : i32
            %mul3A_297 = arith.muli %mul3A_296, %add3A_173 : i32
            %dma_start3A_298 = arith.constant 0 : i32
            %dma_start3A_299 = arith.constant 0 : i32
            %dma_start3A_300 = tpu.memref_slice %run_scoped3A[%rem3A_295, %dma_start3A_298, %dma_start3A_299] : memref<2x1x128xi32, #tpu.memory_space<vmem>> -> memref<1x1x128xi32, #tpu.memory_space<vmem>>
            %dma_start3A_301 = tpu.memref_squeeze %dma_start3A_300 : memref<1x1x128xi32, #tpu.memory_space<vmem>> -> memref<1x128xi32, #tpu.memory_space<vmem>>
            %dma_start3A_302 = arith.constant 0 : i32
            %dma_start3A_303 = tpu.memref_slice %arg3[%dma_start3A_302, %mul3A_297] : memref<1x25088xi32, #tpu.memory_space<hbm>> -> memref<1x128xi32, #tpu.memory_space<hbm>>
            %dma_start3A_304 = tpu.memref_slice %run_scoped3A_17[%rem3A_295] : memref<2x!tpu.dma_semaphore, #tpu.memory_space<semaphore_mem>> -> memref<1x!tpu.dma_semaphore, #tpu.memory_space<semaphore_mem>>
            %dma_start3A_305 = tpu.memref_squeeze %dma_start3A_304 : memref<1x!tpu.dma_semaphore, #tpu.memory_space<semaphore_mem>> -> memref<!tpu.dma_semaphore, #tpu.memory_space<semaphore_mem>>
            %dma_start3A_306 = arith.constant 0 : i32
            %dma_start3A_307 = arith.constant 0 : i32
            %dma_start3A_308 = tpu.memref_slice %run_scoped3A[%rem3A_295, %dma_start3A_306, %dma_start3A_307] : memref<2x1x128xi32, #tpu.memory_space<vmem>> -> memref<1x1x128xi32, #tpu.memory_space<vmem>>
            %dma_start3A_309 = tpu.memref_squeeze %dma_start3A_308 : memref<1x1x128xi32, #tpu.memory_space<vmem>> -> memref<1x128xi32, #tpu.memory_space<vmem>>
            %dma_start3A_310 = arith.constant 0 : i32
            %dma_start3A_311 = tpu.memref_slice %arg3[%dma_start3A_310, %mul3A_297] : memref<1x25088xi32, #tpu.memory_space<hbm>> -> memref<1x128xi32, #tpu.memory_space<hbm>>
            tpu.enqueue_dma source(%dma_start3A_311 : memref<1x128xi32, #tpu.memory_space<hbm>>) target(%dma_start3A_309 : memref<1x128xi32, #tpu.memory_space<vmem>>) target_semaphore(%dma_start3A_305 : memref<!tpu.dma_semaphore, #tpu.memory_space<semaphore_mem>>)
            "tpu.trace_stop"() : () -> ()
          } else {
          }
          %and3A_191 = arith.constant true
          %and3A_192 = arith.andi %and3A, %and3A_191 : i1
          %add3A_193 = arith.constant 1 : i32
          %add3A_194 = arith.addi %while3A_143, %add3A_193 : i32
          %select_n3A_195 = arith.select %and3A_192, %add3A_194, %while3A_143 : i32
          %ne3A_196 = arith.cmpi ne, %add3A_155, %add3A_173 : i32
          %or3A_197 = arith.constant false
          %or3A_198 = arith.ori %or3A_197, %ne3A_196 : i1
          %or3A_199 = arith.constant false
          %or3A_200 = arith.ori %or3A_198, %or3A_199 : i1
          %sub3A_201 = arith.constant 2 : i32
          %sub3A_202 = arith.subi %mul3A_149, %sub3A_201 : i32
          %add3A_203 = arith.constant 1 : i32
          %add3A_204 = arith.addi %sub3A_202, %add3A_203 : i32
          %ge3A_205 = arith.cmpi sge, %while3A_142, %add3A_204 : i32
          %not3A_206 = arith.constant true
          %not3A_207 = arith.xori %ge3A_205, %not3A_206 : i1
          %and3A_208 = arith.andi %or3A_200, %not3A_207 : i1
          %ne3A_209 = arith.cmpi ne, %add3A_155, %add3A_165 : i32
          %or3A_210 = arith.constant false
          %or3A_211 = arith.ori %or3A_210, %ne3A_209 : i1
          %or3A_212 = arith.ori %or3A_211, %eq3A_151 : i1
          %convert_element_type3A_213 = arith.extui %or3A_212 : i1 to i32
          %cond3A_214 = arith.constant 0 : i32
          %cond3A_215 = arith.cmpi ne, %convert_element_type3A_213, %cond3A_214 : i32
          scf.if %cond3A_215 {
            "tpu.trace_start"() <{level = 10 : i32, message = "ep_wait_in"}> : () -> ()
            %mul3A_294 = arith.constant 128 : i32
            %mul3A_295 = arith.muli %mul3A_294, %add3A_155 : i32
            %rem3A_296 = arith.constant 2 : i32
            %rem3A_297 = arith.remui %while3A_144, %rem3A_296 : i32
            %dma_wait3A = arith.constant 0 : i32
            %dma_wait3A_298 = arith.constant 0 : i32
            %dma_wait3A_299 = tpu.memref_slice %run_scoped3A[%rem3A_297, %dma_wait3A, %dma_wait3A_298] : memref<2x1x128xi32, #tpu.memory_space<vmem>> -> memref<1x1x128xi32, #tpu.memory_space<vmem>>
            %dma_wait3A_300 = tpu.memref_squeeze %dma_wait3A_299 : memref<1x1x128xi32, #tpu.memory_space<vmem>> -> memref<1x128xi32, #tpu.memory_space<vmem>>
            %dma_wait3A_301 = arith.constant 0 : i32
            %dma_wait3A_302 = tpu.memref_slice %arg3[%dma_wait3A_301, %mul3A_295] : memref<1x25088xi32, #tpu.memory_space<hbm>> -> memref<1x128xi32, #tpu.memory_space<hbm>>
            %dma_wait3A_303 = tpu.memref_slice %run_scoped3A_17[%rem3A_297] : memref<2x!tpu.dma_semaphore, #tpu.memory_space<semaphore_mem>> -> memref<1x!tpu.dma_semaphore, #tpu.memory_space<semaphore_mem>>
            %dma_wait3A_304 = tpu.memref_squeeze %dma_wait3A_303 : memref<1x!tpu.dma_semaphore, #tpu.memory_space<semaphore_mem>> -> memref<!tpu.dma_semaphore, #tpu.memory_space<semaphore_mem>>
            %dma_wait3A_305 = arith.constant 0 : i32
            %dma_wait3A_306 = arith.constant 0 : i32
            %dma_wait3A_307 = tpu.memref_slice %run_scoped3A[%rem3A_297, %dma_wait3A_305, %dma_wait3A_306] : memref<2x1x128xi32, #tpu.memory_space<vmem>> -> memref<1x1x128xi32, #tpu.memory_space<vmem>>
            %dma_wait3A_308 = tpu.memref_squeeze %dma_wait3A_307 : memref<1x1x128xi32, #tpu.memory_space<vmem>> -> memref<1x128xi32, #tpu.memory_space<vmem>>
            %dma_wait3A_309 = arith.constant 0 : i32
            %dma_wait3A_310 = tpu.memref_slice %arg3[%dma_wait3A_309, %mul3A_295] : memref<1x25088xi32, #tpu.memory_space<hbm>> -> memref<1x128xi32, #tpu.memory_space<hbm>>
            tpu.wait_dma2 semaphore(%dma_wait3A_304 : memref<!tpu.dma_semaphore, #tpu.memory_space<semaphore_mem>>) src(%dma_wait3A_310 : memref<1x128xi32, #tpu.memory_space<hbm>>) dst(%dma_wait3A_308 : memref<1x128xi32, #tpu.memory_space<vmem>>)
            "tpu.trace_stop"() : () -> ()
          } else {
          }
          %ne3A_216 = arith.cmpi ne, %add3A_155, %add3A_165 : i32
          %or3A_217 = arith.constant false
          %or3A_218 = arith.ori %or3A_217, %ne3A_216 : i1
          %or3A_219 = arith.constant false
          %or3A_220 = arith.ori %or3A_218, %or3A_219 : i1
          %or3A_221 = arith.ori %or3A_220, %eq3A_151 : i1
          %convert_element_type3A_222 = arith.extui %or3A_221 : i1 to i32
          %cond3A_223 = arith.constant 0 : i32
          %cond3A_224 = arith.cmpi ne, %convert_element_type3A_222, %cond3A_223 : i32
          scf.if %cond3A_224 {
          } else {
          }
          %rem3A_225 = arith.constant 2 : i32
          %rem3A_226 = arith.remui %while3A_144, %rem3A_225 : i32
          %rem3A_227 = arith.constant 2 : i32
          %rem3A_228 = arith.remui %while3A_145, %rem3A_227 : i32
          %run_scoped3A_229 = arith.constant 0 : i32
          "tpu.trace_start"() <{level = 10 : i32, message = "ep_run_kernel"}> : () -> ()
          "tpu.region"() ({
            %run_scoped3A_294 = tpu.sem_alloc : memref<!tpu.dma_semaphore, #tpu.memory_space<semaphore_mem>>
            %dma_start3A_295 = arith.constant 0 : i32
            %dma_start3A_296 = arith.constant 0 : i32
            %dma_start3A_297 = tpu.memref_slice %run_scoped3A_18[%rem3A_228, %dma_start3A_295, %dma_start3A_296] : memref<2x128x256xf32, #tpu.memory_space<vmem>> -> memref<1x128x256xf32, #tpu.memory_space<vmem>>
            %dma_start3A_298 = tpu.memref_squeeze %dma_start3A_297 : memref<1x128x256xf32, #tpu.memory_space<vmem>> -> memref<128x256xf32, #tpu.memory_space<vmem>>
            %dma_start3A_299 = arith.constant 0 : i32
            %dma_start3A_300 = arith.constant 0 : i32
            %dma_start3A_301 = tpu.memref_slice %run_scoped3A[%rem3A_226, %dma_start3A_299, %dma_start3A_300] : memref<2x1x128xi32, #tpu.memory_space<vmem>> -> memref<1x1x128xi32, #tpu.memory_space<vmem>>
            %dma_start3A_302 = tpu.memref_squeeze %dma_start3A_301 : memref<1x1x128xi32, #tpu.memory_space<vmem>> -> memref<1x128xi32, #tpu.memory_space<vmem>>
            %dma_start3A_303 = arith.constant 0 : i32
            %dma_start3A_304 = tpu.memref_slice %dma_start3A_302[%run_scoped3A_229, %dma_start3A_303] : memref<1x128xi32, #tpu.memory_space<vmem>> -> memref<1x128xi32, #tpu.memory_space<vmem>>
            %dma_start3A_305 = tpu.memref_squeeze %dma_start3A_304 : memref<1x128xi32, #tpu.memory_space<vmem>> -> memref<128xi32, #tpu.memory_space<vmem>>
            %dma_start3A_306 = arith.constant 0 : i32
            %dma_start3A_307 = arith.constant 0 : i32
            %dma_start3A_308 = tpu.memref_slice %arg2[%dma_start3A_306, %dma_start3A_307] : memref<100352x256xf32, #tpu.memory_space<hbm>> -> memref<100352x256xf32, #tpu.memory_space<hbm>>
            tpu.enqueue_indirect_dma source(%dma_start3A_308 : memref<100352x256xf32, #tpu.memory_space<hbm>>) target(%dma_start3A_298 : memref<128x256xf32, #tpu.memory_space<vmem>>) offsets(%dma_start3A_305 : memref<128xi32, #tpu.memory_space<vmem>>) semaphore(%run_scoped3A_294 : memref<!tpu.dma_semaphore, #tpu.memory_space<semaphore_mem>>)
            %dma_wait3A = arith.constant 0 : i32
            %dma_wait3A_309 = arith.constant 0 : i32
            %dma_wait3A_310 = tpu.memref_slice %run_scoped3A_18[%rem3A_228, %dma_wait3A, %dma_wait3A_309] : memref<2x128x256xf32, #tpu.memory_space<vmem>> -> memref<1x128x256xf32, #tpu.memory_space<vmem>>
            %dma_wait3A_311 = tpu.memref_squeeze %dma_wait3A_310 : memref<1x128x256xf32, #tpu.memory_space<vmem>> -> memref<128x256xf32, #tpu.memory_space<vmem>>
            %dma_wait3A_312 = arith.constant 0 : i32
            %dma_wait3A_313 = arith.constant 0 : i32
            %dma_wait3A_314 = tpu.memref_slice %run_scoped3A[%rem3A_226, %dma_wait3A_312, %dma_wait3A_313] : memref<2x1x128xi32, #tpu.memory_space<vmem>> -> memref<1x1x128xi32, #tpu.memory_space<vmem>>
            %dma_wait3A_315 = tpu.memref_squeeze %dma_wait3A_314 : memref<1x1x128xi32, #tpu.memory_space<vmem>> -> memref<1x128xi32, #tpu.memory_space<vmem>>
            %dma_wait3A_316 = arith.constant 0 : i32
            %dma_wait3A_317 = tpu.memref_slice %dma_wait3A_315[%run_scoped3A_229, %dma_wait3A_316] : memref<1x128xi32, #tpu.memory_space<vmem>> -> memref<1x128xi32, #tpu.memory_space<vmem>>
            %dma_wait3A_318 = tpu.memref_squeeze %dma_wait3A_317 : memref<1x128xi32, #tpu.memory_space<vmem>> -> memref<128xi32, #tpu.memory_space<vmem>>
            %dma_wait3A_319 = arith.constant 0 : i32
            %dma_wait3A_320 = arith.constant 0 : i32
            %dma_wait3A_321 = tpu.memref_slice %arg2[%dma_wait3A_319, %dma_wait3A_320] : memref<100352x256xf32, #tpu.memory_space<hbm>> -> memref<100352x256xf32, #tpu.memory_space<hbm>>
            tpu.wait_indirect_dma semaphore(%run_scoped3A_294 : memref<!tpu.dma_semaphore, #tpu.memory_space<semaphore_mem>>) src(%dma_wait3A_321 : memref<100352x256xf32, #tpu.memory_space<hbm>>) dst(%dma_wait3A_311 : memref<128x256xf32, #tpu.memory_space<vmem>>)
            tpu.yield
          }) : () -> ()
          "tpu.trace_stop"() : () -> ()
          %ne3A_230 = arith.cmpi ne, %add3A_155, %add3A_173 : i32
          %or3A_231 = arith.constant false
          %or3A_232 = arith.ori %or3A_231, %ne3A_230 : i1
          %or3A_233 = arith.ori %or3A_232, %eq3A_154 : i1
          %convert_element_type3A_234 = arith.extui %or3A_233 : i1 to i32
          %cond3A_235 = arith.constant 0 : i32
          %cond3A_236 = arith.cmpi ne, %convert_element_type3A_234, %cond3A_235 : i32
          scf.if %cond3A_236 {
          } else {
          }
          %and3A_237 = arith.constant false
          %and3A_238 = arith.andi %or3A_233, %and3A_237 : i1
          %ne3A_239 = arith.cmpi ne, %add3A_155, %add3A_173 : i32
          %or3A_240 = arith.constant false
          %or3A_241 = arith.ori %or3A_240, %ne3A_239 : i1
          %or3A_242 = arith.constant false
          %or3A_243 = arith.ori %or3A_241, %or3A_242 : i1
          %or3A_244 = arith.ori %or3A_243, %eq3A_154 : i1
          %convert_element_type3A_245 = arith.extui %or3A_244 : i1 to i32
          %cond3A_246 = arith.constant 0 : i32
          %cond3A_247 = arith.cmpi ne, %convert_element_type3A_245, %cond3A_246 : i32
          scf.if %cond3A_247 {
            "tpu.trace_start"() <{level = 10 : i32, message = "ep_copy_out"}> : () -> ()
            %rem3A_294 = arith.constant 2 : i32
            %rem3A_295 = arith.remui %while3A_145, %rem3A_294 : i32
            %mul3A_296 = arith.constant 128 : i32
            %mul3A_297 = arith.muli %mul3A_296, %add3A_155 : i32
            %dma_start3A_298 = arith.constant 0 : i32
            %dma_start3A_299 = arith.constant 0 : i32
            %dma_start3A_300 = tpu.memref_slice %run_scoped3A_18[%rem3A_295, %dma_start3A_298, %dma_start3A_299] : memref<2x128x256xf32, #tpu.memory_space<vmem>> -> memref<1x128x256xf32, #tpu.memory_space<vmem>>
            %dma_start3A_301 = tpu.memref_squeeze %dma_start3A_300 : memref<1x128x256xf32, #tpu.memory_space<vmem>> -> memref<128x256xf32, #tpu.memory_space<vmem>>
            %dma_start3A_302 = arith.constant 0 : i32
            %dma_start3A_303 = tpu.memref_slice %arg4[%mul3A_297, %dma_start3A_302] : memref<25088x256xf32, #tpu.memory_space<hbm>> -> memref<128x256xf32, #tpu.memory_space<hbm>>
            %dma_start3A_304 = tpu.memref_slice %run_scoped3A_19[%rem3A_295] : memref<2x!tpu.dma_semaphore, #tpu.memory_space<semaphore_mem>> -> memref<1x!tpu.dma_semaphore, #tpu.memory_space<semaphore_mem>>
            %dma_start3A_305 = tpu.memref_squeeze %dma_start3A_304 : memref<1x!tpu.dma_semaphore, #tpu.memory_space<semaphore_mem>> -> memref<!tpu.dma_semaphore, #tpu.memory_space<semaphore_mem>>
            %dma_start3A_306 = arith.constant 0 : i32
            %dma_start3A_307 = tpu.memref_slice %arg4[%mul3A_297, %dma_start3A_306] : memref<25088x256xf32, #tpu.memory_space<hbm>> -> memref<128x256xf32, #tpu.memory_space<hbm>>
            %dma_start3A_308 = arith.constant 0 : i32
            %dma_start3A_309 = arith.constant 0 : i32
            %dma_start3A_310 = tpu.memref_slice %run_scoped3A_18[%rem3A_295, %dma_start3A_308, %dma_start3A_309] : memref<2x128x256xf32, #tpu.memory_space<vmem>> -> memref<1x128x256xf32, #tpu.memory_space<vmem>>
            %dma_start3A_311 = tpu.memref_squeeze %dma_start3A_310 : memref<1x128x256xf32, #tpu.memory_space<vmem>> -> memref<128x256xf32, #tpu.memory_space<vmem>>
            tpu.enqueue_dma source(%dma_start3A_311 : memref<128x256xf32, #tpu.memory_space<vmem>>) target(%dma_start3A_307 : memref<128x256xf32, #tpu.memory_space<hbm>>) target_semaphore(%dma_start3A_305 : memref<!tpu.dma_semaphore, #tpu.memory_space<semaphore_mem>>)
            "tpu.trace_stop"() : () -> ()
          } else {
          }
          %and3A_248 = arith.constant true
          %and3A_249 = arith.andi %or3A_244, %and3A_248 : i1
          %add3A_250 = arith.constant 1 : i32
          %add3A_251 = arith.addi %while3A_145, %add3A_250 : i32
          %select_n3A_252 = arith.select %and3A_249, %add3A_251, %while3A_145 : i32
          %ne3A_253 = arith.cmpi ne, %add3A_155, %add3A_165 : i32
          %or3A_254 = arith.constant false
          %or3A_255 = arith.ori %or3A_254, %ne3A_253 : i1
          %not3A_256 = arith.constant true
          %not3A_257 = arith.xori %eq3A_151, %not3A_256 : i1
          %and3A_258 = arith.andi %or3A_255, %not3A_257 : i1
          %convert_element_type3A_259 = arith.extui %and3A_258 : i1 to i32
          %cond3A_260 = arith.constant 0 : i32
          %cond3A_261 = arith.cmpi ne, %convert_element_type3A_259, %cond3A_260 : i32
          scf.if %cond3A_261 {
          } else {
          }
          %and3A_262 = arith.constant false
          %and3A_263 = arith.andi %and3A_258, %and3A_262 : i1
          %ne3A_264 = arith.cmpi ne, %add3A_155, %add3A_165 : i32
          %or3A_265 = arith.constant false
          %or3A_266 = arith.ori %or3A_265, %ne3A_264 : i1
          %or3A_267 = arith.constant false
          %or3A_268 = arith.ori %or3A_266, %or3A_267 : i1
          %not3A_269 = arith.constant true
          %not3A_270 = arith.xori %eq3A_151, %not3A_269 : i1
          %and3A_271 = arith.andi %or3A_268, %not3A_270 : i1
          %convert_element_type3A_272 = arith.extui %and3A_271 : i1 to i32
          %cond3A_273 = arith.constant 0 : i32
          %cond3A_274 = arith.cmpi ne, %convert_element_type3A_272, %cond3A_273 : i32
          scf.if %cond3A_274 {
            "tpu.trace_start"() <{level = 10 : i32, message = "ep_wait_out"}> : () -> ()
            %rem3A_294 = arith.constant 2 : i32
            %rem3A_295 = arith.remui %while3A_146, %rem3A_294 : i32
            %mul3A_296 = arith.constant 128 : i32
            %mul3A_297 = arith.muli %mul3A_296, %add3A_165 : i32
            %dma_wait3A = arith.constant 0 : i32
            %dma_wait3A_298 = arith.constant 0 : i32
            %dma_wait3A_299 = tpu.memref_slice %run_scoped3A_18[%rem3A_295, %dma_wait3A, %dma_wait3A_298] : memref<2x128x256xf32, #tpu.memory_space<vmem>> -> memref<1x128x256xf32, #tpu.memory_space<vmem>>
            %dma_wait3A_300 = tpu.memref_squeeze %dma_wait3A_299 : memref<1x128x256xf32, #tpu.memory_space<vmem>> -> memref<128x256xf32, #tpu.memory_space<vmem>>
            %dma_wait3A_301 = arith.constant 0 : i32
            %dma_wait3A_302 = tpu.memref_slice %arg4[%mul3A_297, %dma_wait3A_301] : memref<25088x256xf32, #tpu.memory_space<hbm>> -> memref<128x256xf32, #tpu.memory_space<hbm>>
            %dma_wait3A_303 = tpu.memref_slice %run_scoped3A_19[%rem3A_295] : memref<2x!tpu.dma_semaphore, #tpu.memory_space<semaphore_mem>> -> memref<1x!tpu.dma_semaphore, #tpu.memory_space<semaphore_mem>>
            %dma_wait3A_304 = tpu.memref_squeeze %dma_wait3A_303 : memref<1x!tpu.dma_semaphore, #tpu.memory_space<semaphore_mem>> -> memref<!tpu.dma_semaphore, #tpu.memory_space<semaphore_mem>>
            %dma_wait3A_305 = arith.constant 0 : i32
            %dma_wait3A_306 = tpu.memref_slice %arg4[%mul3A_297, %dma_wait3A_305] : memref<25088x256xf32, #tpu.memory_space<hbm>> -> memref<128x256xf32, #tpu.memory_space<hbm>>
            %dma_wait3A_307 = arith.constant 0 : i32
            %dma_wait3A_308 = arith.constant 0 : i32
            %dma_wait3A_309 = tpu.memref_slice %run_scoped3A_18[%rem3A_295, %dma_wait3A_307, %dma_wait3A_308] : memref<2x128x256xf32, #tpu.memory_space<vmem>> -> memref<1x128x256xf32, #tpu.memory_space<vmem>>
            %dma_wait3A_310 = tpu.memref_squeeze %dma_wait3A_309 : memref<1x128x256xf32, #tpu.memory_space<vmem>> -> memref<128x256xf32, #tpu.memory_space<vmem>>
            tpu.wait_dma2 semaphore(%dma_wait3A_304 : memref<!tpu.dma_semaphore, #tpu.memory_space<semaphore_mem>>) src(%dma_wait3A_310 : memref<128x256xf32, #tpu.memory_space<vmem>>) dst(%dma_wait3A_306 : memref<128x256xf32, #tpu.memory_space<hbm>>)
            "tpu.trace_stop"() : () -> ()
          } else {
          }
          %and3A_275 = arith.constant true
          %and3A_276 = arith.andi %and3A_271, %and3A_275 : i1
          %add3A_277 = arith.constant 1 : i32
          %add3A_278 = arith.addi %while3A_146, %add3A_277 : i32
          %select_n3A_279 = arith.select %and3A_276, %add3A_278, %while3A_146 : i32
          %ne3A_280 = arith.cmpi ne, %add3A_155, %add3A_173 : i32
          %or3A_281 = arith.constant false
          %or3A_282 = arith.ori %or3A_281, %ne3A_280 : i1
          %or3A_283 = arith.ori %or3A_282, %eq3A_154 : i1
          %add3A_284 = arith.constant 1 : i32
          %add3A_285 = arith.addi %while3A_144, %add3A_284 : i32
          %select_n3A_286 = arith.select %or3A_283, %add3A_285, %while3A_144 : i32
          %add3A_287 = arith.constant 1 : i32
          %add3A_288 = arith.addi %while3A_147, %add3A_287 : i32
          %select_n3A_289 = arith.constant true
          %select_n3A_290 = arith.select %select_n3A_289, %add3A_288, %while3A_147 : i32
          %eq3A_291 = arith.cmpi eq, %select_n3A_290, %select_n3A : i32
          %select_n3A_292 = arith.constant 0 : i32
          %select_n3A_293 = arith.select %eq3A_291, %select_n3A_292, %select_n3A_290 : i32
          scf.yield %select_n3A_195, %select_n3A_286, %select_n3A_252, %select_n3A_279, %select_n3A_293 : i32, i32, i32, i32, i32
        }
        %while3A_89 = arith.constant 1 : i32
        %while3A_90:5 = scf.for %while3A_142 = %while3A_86 to %while3A_82 step %while3A_89 iter_args(%while3A_143 = %while3A_88#0, %while3A_144 = %while3A_88#1, %while3A_145 = %while3A_88#2, %while3A_146 = %while3A_88#3, %while3A_147 = %while3A_88#4) -> (i32, i32, i32, i32, i32)  : i32 {
          %mul3A_148 = arith.constant 1 : i32
          %mul3A_149 = arith.muli %mul3A_148, %select_n3A : i32
          %eq3A_150 = arith.constant 0 : i32
          %eq3A_151 = arith.cmpi eq, %while3A_142, %eq3A_150 : i32
          %sub3A_152 = arith.constant 1 : i32
          %sub3A_153 = arith.subi %mul3A_149, %sub3A_152 : i32
          %eq3A_154 = arith.cmpi eq, %while3A_142, %sub3A_153 : i32
          %add3A_155 = arith.addi %while3A_147, %select_n3A_14 : i32
          %sub3A_156 = arith.constant 1 : i32
          %sub3A_157 = arith.subi %while3A_147, %sub3A_156 : i32
          %select_n3A_158 = arith.constant true
          %select_n3A_159 = arith.select %select_n3A_158, %sub3A_157, %while3A_147 : i32
          %eq3A_160 = arith.constant -1 : i32
          %eq3A_161 = arith.cmpi eq, %select_n3A_159, %eq3A_160 : i32
          %sub3A_162 = arith.constant 1 : i32
          %sub3A_163 = arith.subi %select_n3A, %sub3A_162 : i32
          %select_n3A_164 = arith.select %eq3A_161, %sub3A_163, %select_n3A_159 : i32
          %add3A_165 = arith.addi %select_n3A_164, %select_n3A_14 : i32
          %add3A_166 = arith.constant 1 : i32
          %add3A_167 = arith.addi %while3A_147, %add3A_166 : i32
          %select_n3A_168 = arith.constant true
          %select_n3A_169 = arith.select %select_n3A_168, %add3A_167, %while3A_147 : i32
          %eq3A_170 = arith.cmpi eq, %select_n3A_169, %select_n3A : i32
          %select_n3A_171 = arith.constant 0 : i32
          %select_n3A_172 = arith.select %eq3A_170, %select_n3A_171, %select_n3A_169 : i32
          %add3A_173 = arith.addi %select_n3A_172, %select_n3A_14 : i32
          %add3A_174 = arith.constant 1 : i32
          %add3A_175 = arith.addi %select_n3A_172, %add3A_174 : i32
          %select_n3A_176 = arith.constant true
          %select_n3A_177 = arith.select %select_n3A_176, %add3A_175, %select_n3A_172 : i32
          %eq3A_178 = arith.cmpi eq, %select_n3A_177, %select_n3A : i32
          %select_n3A_179 = arith.constant 0 : i32
          %select_n3A_180 = arith.select %eq3A_178, %select_n3A_179, %select_n3A_177 : i32
          %add3A_181 = arith.addi %select_n3A_180, %select_n3A_14 : i32
          %ne3A = arith.cmpi ne, %add3A_155, %add3A_173 : i32
          %or3A = arith.constant false
          %or3A_182 = arith.ori %or3A, %ne3A : i1
          %sub3A_183 = arith.constant 2 : i32
          %sub3A_184 = arith.subi %mul3A_149, %sub3A_183 : i32
          %add3A_185 = arith.constant 1 : i32
          %add3A_186 = arith.addi %sub3A_184, %add3A_185 : i32
          %ge3A = arith.cmpi sge, %while3A_142, %add3A_186 : i32
          %not3A = arith.constant true
          %not3A_187 = arith.xori %ge3A, %not3A : i1
          %and3A = arith.andi %or3A_182, %not3A_187 : i1
          %convert_element_type3A_188 = arith.extui %and3A : i1 to i32
          %cond3A_189 = arith.constant 0 : i32
          %cond3A_190 = arith.cmpi ne, %convert_element_type3A_188, %cond3A_189 : i32
          scf.if %cond3A_190 {
            "tpu.trace_start"() <{level = 10 : i32, message = "ep_copy_in"}> : () -> ()
            %rem3A_294 = arith.constant 2 : i32
            %rem3A_295 = arith.remui %while3A_143, %rem3A_294 : i32
            %mul3A_296 = arith.constant 128 : i32
            %mul3A_297 = arith.muli %mul3A_296, %add3A_173 : i32
            %dma_start3A_298 = arith.constant 0 : i32
            %dma_start3A_299 = arith.constant 0 : i32
            %dma_start3A_300 = tpu.memref_slice %run_scoped3A[%rem3A_295, %dma_start3A_298, %dma_start3A_299] : memref<2x1x128xi32, #tpu.memory_space<vmem>> -> memref<1x1x128xi32, #tpu.memory_space<vmem>>
            %dma_start3A_301 = tpu.memref_squeeze %dma_start3A_300 : memref<1x1x128xi32, #tpu.memory_space<vmem>> -> memref<1x128xi32, #tpu.memory_space<vmem>>
            %dma_start3A_302 = arith.constant 0 : i32
            %dma_start3A_303 = tpu.memref_slice %arg3[%dma_start3A_302, %mul3A_297] : memref<1x25088xi32, #tpu.memory_space<hbm>> -> memref<1x128xi32, #tpu.memory_space<hbm>>
            %dma_start3A_304 = tpu.memref_slice %run_scoped3A_17[%rem3A_295] : memref<2x!tpu.dma_semaphore, #tpu.memory_space<semaphore_mem>> -> memref<1x!tpu.dma_semaphore, #tpu.memory_space<semaphore_mem>>
            %dma_start3A_305 = tpu.memref_squeeze %dma_start3A_304 : memref<1x!tpu.dma_semaphore, #tpu.memory_space<semaphore_mem>> -> memref<!tpu.dma_semaphore, #tpu.memory_space<semaphore_mem>>
            %dma_start3A_306 = arith.constant 0 : i32
            %dma_start3A_307 = arith.constant 0 : i32
            %dma_start3A_308 = tpu.memref_slice %run_scoped3A[%rem3A_295, %dma_start3A_306, %dma_start3A_307] : memref<2x1x128xi32, #tpu.memory_space<vmem>> -> memref<1x1x128xi32, #tpu.memory_space<vmem>>
            %dma_start3A_309 = tpu.memref_squeeze %dma_start3A_308 : memref<1x1x128xi32, #tpu.memory_space<vmem>> -> memref<1x128xi32, #tpu.memory_space<vmem>>
            %dma_start3A_310 = arith.constant 0 : i32
            %dma_start3A_311 = tpu.memref_slice %arg3[%dma_start3A_310, %mul3A_297] : memref<1x25088xi32, #tpu.memory_space<hbm>> -> memref<1x128xi32, #tpu.memory_space<hbm>>
            tpu.enqueue_dma source(%dma_start3A_311 : memref<1x128xi32, #tpu.memory_space<hbm>>) target(%dma_start3A_309 : memref<1x128xi32, #tpu.memory_space<vmem>>) target_semaphore(%dma_start3A_305 : memref<!tpu.dma_semaphore, #tpu.memory_space<semaphore_mem>>)
            "tpu.trace_stop"() : () -> ()
          } else {
          }
          %and3A_191 = arith.constant true
          %and3A_192 = arith.andi %and3A, %and3A_191 : i1
          %add3A_193 = arith.constant 1 : i32
          %add3A_194 = arith.addi %while3A_143, %add3A_193 : i32
          %select_n3A_195 = arith.select %and3A_192, %add3A_194, %while3A_143 : i32
          %ne3A_196 = arith.cmpi ne, %add3A_155, %add3A_173 : i32
          %or3A_197 = arith.constant false
          %or3A_198 = arith.ori %or3A_197, %ne3A_196 : i1
          %or3A_199 = arith.constant false
          %or3A_200 = arith.ori %or3A_198, %or3A_199 : i1
          %sub3A_201 = arith.constant 2 : i32
          %sub3A_202 = arith.subi %mul3A_149, %sub3A_201 : i32
          %add3A_203 = arith.constant 1 : i32
          %add3A_204 = arith.addi %sub3A_202, %add3A_203 : i32
          %ge3A_205 = arith.cmpi sge, %while3A_142, %add3A_204 : i32
          %not3A_206 = arith.constant true
          %not3A_207 = arith.xori %ge3A_205, %not3A_206 : i1
          %and3A_208 = arith.andi %or3A_200, %not3A_207 : i1
          %ne3A_209 = arith.cmpi ne, %add3A_155, %add3A_165 : i32
          %or3A_210 = arith.constant false
          %or3A_211 = arith.ori %or3A_210, %ne3A_209 : i1
          %or3A_212 = arith.ori %or3A_211, %eq3A_151 : i1
          %convert_element_type3A_213 = arith.extui %or3A_212 : i1 to i32
          %cond3A_214 = arith.constant 0 : i32
          %cond3A_215 = arith.cmpi ne, %convert_element_type3A_213, %cond3A_214 : i32
          scf.if %cond3A_215 {
            "tpu.trace_start"() <{level = 10 : i32, message = "ep_wait_in"}> : () -> ()
            %mul3A_294 = arith.constant 128 : i32
            %mul3A_295 = arith.muli %mul3A_294, %add3A_155 : i32
            %rem3A_296 = arith.constant 2 : i32
            %rem3A_297 = arith.remui %while3A_144, %rem3A_296 : i32
            %dma_wait3A = arith.constant 0 : i32
            %dma_wait3A_298 = arith.constant 0 : i32
            %dma_wait3A_299 = tpu.memref_slice %run_scoped3A[%rem3A_297, %dma_wait3A, %dma_wait3A_298] : memref<2x1x128xi32, #tpu.memory_space<vmem>> -> memref<1x1x128xi32, #tpu.memory_space<vmem>>
            %dma_wait3A_300 = tpu.memref_squeeze %dma_wait3A_299 : memref<1x1x128xi32, #tpu.memory_space<vmem>> -> memref<1x128xi32, #tpu.memory_space<vmem>>
            %dma_wait3A_301 = arith.constant 0 : i32
            %dma_wait3A_302 = tpu.memref_slice %arg3[%dma_wait3A_301, %mul3A_295] : memref<1x25088xi32, #tpu.memory_space<hbm>> -> memref<1x128xi32, #tpu.memory_space<hbm>>
            %dma_wait3A_303 = tpu.memref_slice %run_scoped3A_17[%rem3A_297] : memref<2x!tpu.dma_semaphore, #tpu.memory_space<semaphore_mem>> -> memref<1x!tpu.dma_semaphore, #tpu.memory_space<semaphore_mem>>
            %dma_wait3A_304 = tpu.memref_squeeze %dma_wait3A_303 : memref<1x!tpu.dma_semaphore, #tpu.memory_space<semaphore_mem>> -> memref<!tpu.dma_semaphore, #tpu.memory_space<semaphore_mem>>
            %dma_wait3A_305 = arith.constant 0 : i32
            %dma_wait3A_306 = arith.constant 0 : i32
            %dma_wait3A_307 = tpu.memref_slice %run_scoped3A[%rem3A_297, %dma_wait3A_305, %dma_wait3A_306] : memref<2x1x128xi32, #tpu.memory_space<vmem>> -> memref<1x1x128xi32, #tpu.memory_space<vmem>>
            %dma_wait3A_308 = tpu.memref_squeeze %dma_wait3A_307 : memref<1x1x128xi32, #tpu.memory_space<vmem>> -> memref<1x128xi32, #tpu.memory_space<vmem>>
            %dma_wait3A_309 = arith.constant 0 : i32
            %dma_wait3A_310 = tpu.memref_slice %arg3[%dma_wait3A_309, %mul3A_295] : memref<1x25088xi32, #tpu.memory_space<hbm>> -> memref<1x128xi32, #tpu.memory_space<hbm>>
            tpu.wait_dma2 semaphore(%dma_wait3A_304 : memref<!tpu.dma_semaphore, #tpu.memory_space<semaphore_mem>>) src(%dma_wait3A_310 : memref<1x128xi32, #tpu.memory_space<hbm>>) dst(%dma_wait3A_308 : memref<1x128xi32, #tpu.memory_space<vmem>>)
            "tpu.trace_stop"() : () -> ()
          } else {
          }
          %ne3A_216 = arith.cmpi ne, %add3A_155, %add3A_165 : i32
          %or3A_217 = arith.constant false
          %or3A_218 = arith.ori %or3A_217, %ne3A_216 : i1
          %or3A_219 = arith.constant false
          %or3A_220 = arith.ori %or3A_218, %or3A_219 : i1
          %or3A_221 = arith.ori %or3A_220, %eq3A_151 : i1
          %convert_element_type3A_222 = arith.extui %or3A_221 : i1 to i32
          %cond3A_223 = arith.constant 0 : i32
          %cond3A_224 = arith.cmpi ne, %convert_element_type3A_222, %cond3A_223 : i32
          scf.if %cond3A_224 {
          } else {
          }
          %rem3A_225 = arith.constant 2 : i32
          %rem3A_226 = arith.remui %while3A_144, %rem3A_225 : i32
          %rem3A_227 = arith.constant 2 : i32
          %rem3A_228 = arith.remui %while3A_145, %rem3A_227 : i32
          %run_scoped3A_229 = arith.constant 0 : i32
          "tpu.trace_start"() <{level = 10 : i32, message = "ep_run_kernel"}> : () -> ()
          "tpu.region"() ({
            %run_scoped3A_294 = tpu.sem_alloc : memref<!tpu.dma_semaphore, #tpu.memory_space<semaphore_mem>>
            %dma_start3A_295 = arith.constant 0 : i32
            %dma_start3A_296 = arith.constant 0 : i32
            %dma_start3A_297 = tpu.memref_slice %run_scoped3A_18[%rem3A_228, %dma_start3A_295, %dma_start3A_296] : memref<2x128x256xf32, #tpu.memory_space<vmem>> -> memref<1x128x256xf32, #tpu.memory_space<vmem>>
            %dma_start3A_298 = tpu.memref_squeeze %dma_start3A_297 : memref<1x128x256xf32, #tpu.memory_space<vmem>> -> memref<128x256xf32, #tpu.memory_space<vmem>>
            %dma_start3A_299 = arith.constant 0 : i32
            %dma_start3A_300 = arith.constant 0 : i32
            %dma_start3A_301 = tpu.memref_slice %run_scoped3A[%rem3A_226, %dma_start3A_299, %dma_start3A_300] : memref<2x1x128xi32, #tpu.memory_space<vmem>> -> memref<1x1x128xi32, #tpu.memory_space<vmem>>
            %dma_start3A_302 = tpu.memref_squeeze %dma_start3A_301 : memref<1x1x128xi32, #tpu.memory_space<vmem>> -> memref<1x128xi32, #tpu.memory_space<vmem>>
            %dma_start3A_303 = arith.constant 0 : i32
            %dma_start3A_304 = tpu.memref_slice %dma_start3A_302[%run_scoped3A_229, %dma_start3A_303] : memref<1x128xi32, #tpu.memory_space<vmem>> -> memref<1x128xi32, #tpu.memory_space<vmem>>
            %dma_start3A_305 = tpu.memref_squeeze %dma_start3A_304 : memref<1x128xi32, #tpu.memory_space<vmem>> -> memref<128xi32, #tpu.memory_space<vmem>>
            %dma_start3A_306 = arith.constant 0 : i32
            %dma_start3A_307 = arith.constant 0 : i32
            %dma_start3A_308 = tpu.memref_slice %arg2[%dma_start3A_306, %dma_start3A_307] : memref<100352x256xf32, #tpu.memory_space<hbm>> -> memref<100352x256xf32, #tpu.memory_space<hbm>>
            tpu.enqueue_indirect_dma source(%dma_start3A_308 : memref<100352x256xf32, #tpu.memory_space<hbm>>) target(%dma_start3A_298 : memref<128x256xf32, #tpu.memory_space<vmem>>) offsets(%dma_start3A_305 : memref<128xi32, #tpu.memory_space<vmem>>) semaphore(%run_scoped3A_294 : memref<!tpu.dma_semaphore, #tpu.memory_space<semaphore_mem>>)
            %dma_wait3A = arith.constant 0 : i32
            %dma_wait3A_309 = arith.constant 0 : i32
            %dma_wait3A_310 = tpu.memref_slice %run_scoped3A_18[%rem3A_228, %dma_wait3A, %dma_wait3A_309] : memref<2x128x256xf32, #tpu.memory_space<vmem>> -> memref<1x128x256xf32, #tpu.memory_space<vmem>>
            %dma_wait3A_311 = tpu.memref_squeeze %dma_wait3A_310 : memref<1x128x256xf32, #tpu.memory_space<vmem>> -> memref<128x256xf32, #tpu.memory_space<vmem>>
            %dma_wait3A_312 = arith.constant 0 : i32
            %dma_wait3A_313 = arith.constant 0 : i32
            %dma_wait3A_314 = tpu.memref_slice %run_scoped3A[%rem3A_226, %dma_wait3A_312, %dma_wait3A_313] : memref<2x1x128xi32, #tpu.memory_space<vmem>> -> memref<1x1x128xi32, #tpu.memory_space<vmem>>
            %dma_wait3A_315 = tpu.memref_squeeze %dma_wait3A_314 : memref<1x1x128xi32, #tpu.memory_space<vmem>> -> memref<1x128xi32, #tpu.memory_space<vmem>>
            %dma_wait3A_316 = arith.constant 0 : i32
            %dma_wait3A_317 = tpu.memref_slice %dma_wait3A_315[%run_scoped3A_229, %dma_wait3A_316] : memref<1x128xi32, #tpu.memory_space<vmem>> -> memref<1x128xi32, #tpu.memory_space<vmem>>
            %dma_wait3A_318 = tpu.memref_squeeze %dma_wait3A_317 : memref<1x128xi32, #tpu.memory_space<vmem>> -> memref<128xi32, #tpu.memory_space<vmem>>
            %dma_wait3A_319 = arith.constant 0 : i32
            %dma_wait3A_320 = arith.constant 0 : i32
            %dma_wait3A_321 = tpu.memref_slice %arg2[%dma_wait3A_319, %dma_wait3A_320] : memref<100352x256xf32, #tpu.memory_space<hbm>> -> memref<100352x256xf32, #tpu.memory_space<hbm>>
            tpu.wait_indirect_dma semaphore(%run_scoped3A_294 : memref<!tpu.dma_semaphore, #tpu.memory_space<semaphore_mem>>) src(%dma_wait3A_321 : memref<100352x256xf32, #tpu.memory_space<hbm>>) dst(%dma_wait3A_311 : memref<128x256xf32, #tpu.memory_space<vmem>>)
            tpu.yield
          }) : () -> ()
          "tpu.trace_stop"() : () -> ()
          %ne3A_230 = arith.cmpi ne, %add3A_155, %add3A_173 : i32
          %or3A_231 = arith.constant false
          %or3A_232 = arith.ori %or3A_231, %ne3A_230 : i1
          %or3A_233 = arith.ori %or3A_232, %eq3A_154 : i1
          %convert_element_type3A_234 = arith.extui %or3A_233 : i1 to i32
          %cond3A_235 = arith.constant 0 : i32
          %cond3A_236 = arith.cmpi ne, %convert_element_type3A_234, %cond3A_235 : i32
          scf.if %cond3A_236 {
          } else {
          }
          %and3A_237 = arith.constant false
          %and3A_238 = arith.andi %or3A_233, %and3A_237 : i1
          %ne3A_239 = arith.cmpi ne, %add3A_155, %add3A_173 : i32
          %or3A_240 = arith.constant false
          %or3A_241 = arith.ori %or3A_240, %ne3A_239 : i1
          %or3A_242 = arith.constant false
          %or3A_243 = arith.ori %or3A_241, %or3A_242 : i1
          %or3A_244 = arith.ori %or3A_243, %eq3A_154 : i1
          %convert_element_type3A_245 = arith.extui %or3A_244 : i1 to i32
          %cond3A_246 = arith.constant 0 : i32
          %cond3A_247 = arith.cmpi ne, %convert_element_type3A_245, %cond3A_246 : i32
          scf.if %cond3A_247 {
            "tpu.trace_start"() <{level = 10 : i32, message = "ep_copy_out"}> : () -> ()
            %rem3A_294 = arith.constant 2 : i32
            %rem3A_295 = arith.remui %while3A_145, %rem3A_294 : i32
            %mul3A_296 = arith.constant 128 : i32
            %mul3A_297 = arith.muli %mul3A_296, %add3A_155 : i32
            %dma_start3A_298 = arith.constant 0 : i32
            %dma_start3A_299 = arith.constant 0 : i32
            %dma_start3A_300 = tpu.memref_slice %run_scoped3A_18[%rem3A_295, %dma_start3A_298, %dma_start3A_299] : memref<2x128x256xf32, #tpu.memory_space<vmem>> -> memref<1x128x256xf32, #tpu.memory_space<vmem>>
            %dma_start3A_301 = tpu.memref_squeeze %dma_start3A_300 : memref<1x128x256xf32, #tpu.memory_space<vmem>> -> memref<128x256xf32, #tpu.memory_space<vmem>>
            %dma_start3A_302 = arith.constant 0 : i32
            %dma_start3A_303 = tpu.memref_slice %arg4[%mul3A_297, %dma_start3A_302] : memref<25088x256xf32, #tpu.memory_space<hbm>> -> memref<128x256xf32, #tpu.memory_space<hbm>>
            %dma_start3A_304 = tpu.memref_slice %run_scoped3A_19[%rem3A_295] : memref<2x!tpu.dma_semaphore, #tpu.memory_space<semaphore_mem>> -> memref<1x!tpu.dma_semaphore, #tpu.memory_space<semaphore_mem>>
            %dma_start3A_305 = tpu.memref_squeeze %dma_start3A_304 : memref<1x!tpu.dma_semaphore, #tpu.memory_space<semaphore_mem>> -> memref<!tpu.dma_semaphore, #tpu.memory_space<semaphore_mem>>
            %dma_start3A_306 = arith.constant 0 : i32
            %dma_start3A_307 = tpu.memref_slice %arg4[%mul3A_297, %dma_start3A_306] : memref<25088x256xf32, #tpu.memory_space<hbm>> -> memref<128x256xf32, #tpu.memory_space<hbm>>
            %dma_start3A_308 = arith.constant 0 : i32
            %dma_start3A_309 = arith.constant 0 : i32
            %dma_start3A_310 = tpu.memref_slice %run_scoped3A_18[%rem3A_295, %dma_start3A_308, %dma_start3A_309] : memref<2x128x256xf32, #tpu.memory_space<vmem>> -> memref<1x128x256xf32, #tpu.memory_space<vmem>>
            %dma_start3A_311 = tpu.memref_squeeze %dma_start3A_310 : memref<1x128x256xf32, #tpu.memory_space<vmem>> -> memref<128x256xf32, #tpu.memory_space<vmem>>
            tpu.enqueue_dma source(%dma_start3A_311 : memref<128x256xf32, #tpu.memory_space<vmem>>) target(%dma_start3A_307 : memref<128x256xf32, #tpu.memory_space<hbm>>) target_semaphore(%dma_start3A_305 : memref<!tpu.dma_semaphore, #tpu.memory_space<semaphore_mem>>)
            "tpu.trace_stop"() : () -> ()
          } else {
          }
          %and3A_248 = arith.constant true
          %and3A_249 = arith.andi %or3A_244, %and3A_248 : i1
          %add3A_250 = arith.constant 1 : i32
          %add3A_251 = arith.addi %while3A_145, %add3A_250 : i32
          %select_n3A_252 = arith.select %and3A_249, %add3A_251, %while3A_145 : i32
          %ne3A_253 = arith.cmpi ne, %add3A_155, %add3A_165 : i32
          %or3A_254 = arith.constant false
          %or3A_255 = arith.ori %or3A_254, %ne3A_253 : i1
          %not3A_256 = arith.constant true
          %not3A_257 = arith.xori %eq3A_151, %not3A_256 : i1
          %and3A_258 = arith.andi %or3A_255, %not3A_257 : i1
          %convert_element_type3A_259 = arith.extui %and3A_258 : i1 to i32
          %cond3A_260 = arith.constant 0 : i32
          %cond3A_261 = arith.cmpi ne, %convert_element_type3A_259, %cond3A_260 : i32
          scf.if %cond3A_261 {
          } else {
          }
          %and3A_262 = arith.constant false
          %and3A_263 = arith.andi %and3A_258, %and3A_262 : i1
          %ne3A_264 = arith.cmpi ne, %add3A_155, %add3A_165 : i32
          %or3A_265 = arith.constant false
          %or3A_266 = arith.ori %or3A_265, %ne3A_264 : i1
          %or3A_267 = arith.constant false
          %or3A_268 = arith.ori %or3A_266, %or3A_267 : i1
          %not3A_269 = arith.constant true
          %not3A_270 = arith.xori %eq3A_151, %not3A_269 : i1
          %and3A_271 = arith.andi %or3A_268, %not3A_270 : i1
          %convert_element_type3A_272 = arith.extui %and3A_271 : i1 to i32
          %cond3A_273 = arith.constant 0 : i32
          %cond3A_274 = arith.cmpi ne, %convert_element_type3A_272, %cond3A_273 : i32
          scf.if %cond3A_274 {
            "tpu.trace_start"() <{level = 10 : i32, message = "ep_wait_out"}> : () -> ()
            %rem3A_294 = arith.constant 2 : i32
            %rem3A_295 = arith.remui %while3A_146, %rem3A_294 : i32
            %mul3A_296 = arith.constant 128 : i32
            %mul3A_297 = arith.muli %mul3A_296, %add3A_165 : i32
            %dma_wait3A = arith.constant 0 : i32
            %dma_wait3A_298 = arith.constant 0 : i32
            %dma_wait3A_299 = tpu.memref_slice %run_scoped3A_18[%rem3A_295, %dma_wait3A, %dma_wait3A_298] : memref<2x128x256xf32, #tpu.memory_space<vmem>> -> memref<1x128x256xf32, #tpu.memory_space<vmem>>
            %dma_wait3A_300 = tpu.memref_squeeze %dma_wait3A_299 : memref<1x128x256xf32, #tpu.memory_space<vmem>> -> memref<128x256xf32, #tpu.memory_space<vmem>>
            %dma_wait3A_301 = arith.constant 0 : i32
            %dma_wait3A_302 = tpu.memref_slice %arg4[%mul3A_297, %dma_wait3A_301] : memref<25088x256xf32, #tpu.memory_space<hbm>> -> memref<128x256xf32, #tpu.memory_space<hbm>>
            %dma_wait3A_303 = tpu.memref_slice %run_scoped3A_19[%rem3A_295] : memref<2x!tpu.dma_semaphore, #tpu.memory_space<semaphore_mem>> -> memref<1x!tpu.dma_semaphore, #tpu.memory_space<semaphore_mem>>
            %dma_wait3A_304 = tpu.memref_squeeze %dma_wait3A_303 : memref<1x!tpu.dma_semaphore, #tpu.memory_space<semaphore_mem>> -> memref<!tpu.dma_semaphore, #tpu.memory_space<semaphore_mem>>
            %dma_wait3A_305 = arith.constant 0 : i32
            %dma_wait3A_306 = tpu.memref_slice %arg4[%mul3A_297, %dma_wait3A_305] : memref<25088x256xf32, #tpu.memory_space<hbm>> -> memref<128x256xf32, #tpu.memory_space<hbm>>
            %dma_wait3A_307 = arith.constant 0 : i32
            %dma_wait3A_308 = arith.constant 0 : i32
            %dma_wait3A_309 = tpu.memref_slice %run_scoped3A_18[%rem3A_295, %dma_wait3A_307, %dma_wait3A_308] : memref<2x128x256xf32, #tpu.memory_space<vmem>> -> memref<1x128x256xf32, #tpu.memory_space<vmem>>
            %dma_wait3A_310 = tpu.memref_squeeze %dma_wait3A_309 : memref<1x128x256xf32, #tpu.memory_space<vmem>> -> memref<128x256xf32, #tpu.memory_space<vmem>>
            tpu.wait_dma2 semaphore(%dma_wait3A_304 : memref<!tpu.dma_semaphore, #tpu.memory_space<semaphore_mem>>) src(%dma_wait3A_310 : memref<128x256xf32, #tpu.memory_space<vmem>>) dst(%dma_wait3A_306 : memref<128x256xf32, #tpu.memory_space<hbm>>)
            "tpu.trace_stop"() : () -> ()
          } else {
          }
          %and3A_275 = arith.constant true
          %and3A_276 = arith.andi %and3A_271, %and3A_275 : i1
          %add3A_277 = arith.constant 1 : i32
          %add3A_278 = arith.addi %while3A_146, %add3A_277 : i32
          %select_n3A_279 = arith.select %and3A_276, %add3A_278, %while3A_146 : i32
          %ne3A_280 = arith.cmpi ne, %add3A_155, %add3A_173 : i32
          %or3A_281 = arith.constant false
          %or3A_282 = arith.ori %or3A_281, %ne3A_280 : i1
          %or3A_283 = arith.ori %or3A_282, %eq3A_154 : i1
          %add3A_284 = arith.constant 1 : i32
          %add3A_285 = arith.addi %while3A_144, %add3A_284 : i32
          %select_n3A_286 = arith.select %or3A_283, %add3A_285, %while3A_144 : i32
          %add3A_287 = arith.constant 1 : i32
          %add3A_288 = arith.addi %while3A_147, %add3A_287 : i32
          %select_n3A_289 = arith.constant true
          %select_n3A_290 = arith.select %select_n3A_289, %add3A_288, %while3A_147 : i32
          %eq3A_291 = arith.cmpi eq, %select_n3A_290, %select_n3A : i32
          %select_n3A_292 = arith.constant 0 : i32
          %select_n3A_293 = arith.select %eq3A_291, %select_n3A_292, %select_n3A_290 : i32
          scf.yield %select_n3A_195, %select_n3A_286, %select_n3A_252, %select_n3A_279, %select_n3A_293 : i32, i32, i32, i32, i32
        }
        %sub3A_91 = arith.constant 1 : i32
        %sub3A_92 = arith.subi %while3A_90#4, %sub3A_91 : i32
        %select_n3A_93 = arith.constant true
        %select_n3A_94 = arith.select %select_n3A_93, %sub3A_92, %while3A_90#4 : i32
        %eq3A_95 = arith.constant -1 : i32
        %eq3A_96 = arith.cmpi eq, %select_n3A_94, %eq3A_95 : i32
        %sub3A_97 = arith.constant 1 : i32
        %sub3A_98 = arith.subi %select_n3A, %sub3A_97 : i32
        %select_n3A_99 = arith.select %eq3A_96, %sub3A_98, %select_n3A_94 : i32
        %sub3A_100 = arith.constant 1 : i32
        %sub3A_101 = arith.subi %mul3A_16, %sub3A_100 : i32
        %mul3A_102 = arith.constant 1 : i32
        %mul3A_103 = arith.muli %mul3A_102, %select_n3A : i32
        %eq3A_104 = arith.constant 0 : i32
        %eq3A_105 = arith.cmpi eq, %sub3A_101, %eq3A_104 : i32
        %sub3A_106 = arith.constant 1 : i32
        %sub3A_107 = arith.subi %mul3A_103, %sub3A_106 : i32
        %eq3A_108 = arith.cmpi eq, %sub3A_101, %sub3A_107 : i32
        %add3A_109 = arith.addi %select_n3A_99, %select_n3A_14 : i32
        %sub3A_110 = arith.constant 1 : i32
        %sub3A_111 = arith.subi %select_n3A_99, %sub3A_110 : i32
        %select_n3A_112 = arith.constant true
        %select_n3A_113 = arith.select %select_n3A_112, %sub3A_111, %select_n3A_99 : i32
        %eq3A_114 = arith.constant -1 : i32
        %eq3A_115 = arith.cmpi eq, %select_n3A_113, %eq3A_114 : i32
        %sub3A_116 = arith.constant 1 : i32
        %sub3A_117 = arith.subi %select_n3A, %sub3A_116 : i32
        %select_n3A_118 = arith.select %eq3A_115, %sub3A_117, %select_n3A_113 : i32
        %add3A_119 = arith.addi %select_n3A_118, %select_n3A_14 : i32
        %add3A_120 = arith.constant 1 : i32
        %add3A_121 = arith.addi %select_n3A_99, %add3A_120 : i32
        %select_n3A_122 = arith.constant true
        %select_n3A_123 = arith.select %select_n3A_122, %add3A_121, %select_n3A_99 : i32
        %eq3A_124 = arith.cmpi eq, %select_n3A_123, %select_n3A : i32
        %select_n3A_125 = arith.constant 0 : i32
        %select_n3A_126 = arith.select %eq3A_124, %select_n3A_125, %select_n3A_123 : i32
        %add3A_127 = arith.addi %select_n3A_126, %select_n3A_14 : i32
        %add3A_128 = arith.constant 1 : i32
        %add3A_129 = arith.addi %select_n3A_126, %add3A_128 : i32
        %select_n3A_130 = arith.constant true
        %select_n3A_131 = arith.select %select_n3A_130, %add3A_129, %select_n3A_126 : i32
        %eq3A_132 = arith.cmpi eq, %select_n3A_131, %select_n3A : i32
        %select_n3A_133 = arith.constant 0 : i32
        %select_n3A_134 = arith.select %eq3A_132, %select_n3A_133, %select_n3A_131 : i32
        %add3A_135 = arith.addi %select_n3A_134, %select_n3A_14 : i32
        %convert_element_type3A_136 = arith.extui %eq3A_108 : i1 to i32
        %cond3A_137 = arith.constant 0 : i32
        %cond3A_138 = arith.cmpi ne, %convert_element_type3A_136, %cond3A_137 : i32
        scf.if %cond3A_138 {
        } else {
        }
        %convert_element_type3A_139 = arith.extui %eq3A_108 : i1 to i32
        %cond3A_140 = arith.constant 0 : i32
        %cond3A_141 = arith.cmpi ne, %convert_element_type3A_139, %cond3A_140 : i32
        scf.if %cond3A_141 {
          "tpu.trace_start"() <{level = 10 : i32, message = "ep_finalize"}> : () -> ()
          %rem3A_142 = arith.constant 2 : i32
          %rem3A_143 = arith.remui %while3A_90#3, %rem3A_142 : i32
          %mul3A_144 = arith.constant 128 : i32
          %mul3A_145 = arith.muli %mul3A_144, %add3A_109 : i32
          %dma_wait3A = arith.constant 0 : i32
          %dma_wait3A_146 = arith.constant 0 : i32
          %dma_wait3A_147 = tpu.memref_slice %run_scoped3A_18[%rem3A_143, %dma_wait3A, %dma_wait3A_146] : memref<2x128x256xf32, #tpu.memory_space<vmem>> -> memref<1x128x256xf32, #tpu.memory_space<vmem>>
          %dma_wait3A_148 = tpu.memref_squeeze %dma_wait3A_147 : memref<1x128x256xf32, #tpu.memory_space<vmem>> -> memref<128x256xf32, #tpu.memory_space<vmem>>
          %dma_wait3A_149 = arith.constant 0 : i32
          %dma_wait3A_150 = tpu.memref_slice %arg4[%mul3A_145, %dma_wait3A_149] : memref<25088x256xf32, #tpu.memory_space<hbm>> -> memref<128x256xf32, #tpu.memory_space<hbm>>
          %dma_wait3A_151 = tpu.memref_slice %run_scoped3A_19[%rem3A_143] : memref<2x!tpu.dma_semaphore, #tpu.memory_space<semaphore_mem>> -> memref<1x!tpu.dma_semaphore, #tpu.memory_space<semaphore_mem>>
          %dma_wait3A_152 = tpu.memref_squeeze %dma_wait3A_151 : memref<1x!tpu.dma_semaphore, #tpu.memory_space<semaphore_mem>> -> memref<!tpu.dma_semaphore, #tpu.memory_space<semaphore_mem>>
          %dma_wait3A_153 = arith.constant 0 : i32
          %dma_wait3A_154 = tpu.memref_slice %arg4[%mul3A_145, %dma_wait3A_153] : memref<25088x256xf32, #tpu.memory_space<hbm>> -> memref<128x256xf32, #tpu.memory_space<hbm>>
          %dma_wait3A_155 = arith.constant 0 : i32
          %dma_wait3A_156 = arith.constant 0 : i32
          %dma_wait3A_157 = tpu.memref_slice %run_scoped3A_18[%rem3A_143, %dma_wait3A_155, %dma_wait3A_156] : memref<2x128x256xf32, #tpu.memory_space<vmem>> -> memref<1x128x256xf32, #tpu.memory_space<vmem>>
          %dma_wait3A_158 = tpu.memref_squeeze %dma_wait3A_157 : memref<1x128x256xf32, #tpu.memory_space<vmem>> -> memref<128x256xf32, #tpu.memory_space<vmem>>
          tpu.wait_dma2 semaphore(%dma_wait3A_152 : memref<!tpu.dma_semaphore, #tpu.memory_space<semaphore_mem>>) src(%dma_wait3A_158 : memref<128x256xf32, #tpu.memory_space<vmem>>) dst(%dma_wait3A_154 : memref<128x256xf32, #tpu.memory_space<hbm>>)
          "tpu.trace_stop"() : () -> ()
        } else {
        }
      } else {
      }
      tpu.yield
    }) : () -> ()
    return
  }
}

module attributes {stable_mosaic.version = 14 : i64} {
  func.func @_k1_body(%arg0: i32, %arg1: i32, %arg2: memref<1x256x7168xf32, #tpu.memory_space<vmem>>, %arg3: memref<1x7168x256xf32, #tpu.memory_space<vmem>>, %arg4: memref<1x14x1x512xf32, #tpu.memory_space<vmem>>) attributes {dimension_semantics = [#tpu.dimension_semantics<arbitrary>, #tpu.dimension_semantics<arbitrary>], iteration_bounds = array<i64: 2, 7>, scalar_prefetch = 0 : i64, scratch_operands = 0 : i64, tpu.core_type = #tpu.core_type<tc>, window_params = [{transform_indices = @transform_0, window_bounds = array<i64: 1, 256, 7168>}, {transform_indices = @transform_1, window_bounds = array<i64: 1, 7168, 256>}, {transform_indices = @transform_2, window_bounds = array<i64: 1, 14, 1, 512>}]} {
    %get3A = arith.constant 0 : index
    %get3A_0 = arith.constant 0 : index
    %get3A_1 = arith.constant 0 : index
    %get3A_2 = vector.load %arg2[%get3A, %get3A_0, %get3A_1] : memref<1x256x7168xf32, #tpu.memory_space<vmem>>, vector<1x256x7168xf32>
    %get3A_3 = vector.shape_cast %get3A_2 : vector<1x256x7168xf32> to vector<256x7168xf32>
    %transpose3A = tpu.transpose %get3A_3, [1, 0] : vector<256x7168xf32> -> vector<7168x256xf32>
    %swap3A = arith.constant 0 : index
    %swap3A_4 = arith.constant 0 : index
    %swap3A_5 = arith.constant 0 : index
    %swap3A_6 = vector.load %arg3[%swap3A, %swap3A_4, %swap3A_5] : memref<1x7168x256xf32, #tpu.memory_space<vmem>>, vector<1x7168x256xf32>
    %swap3A_7 = vector.shape_cast %swap3A_6 : vector<1x7168x256xf32> to vector<7168x256xf32>
    %swap3A_8 = vector.shape_cast %transpose3A : vector<7168x256xf32> to vector<1x7168x256xf32>
    tpu.vector_store %arg3[%swap3A, %swap3A_4, %swap3A_5], %swap3A_8 {strides = array<i32>} : memref<1x7168x256xf32, #tpu.memory_space<vmem>>, vector<1x7168x256xf32>,
    %mul3A = arith.mulf %get3A_3, %get3A_3 : vector<256x7168xf32>
    %reshape3A = vector.shape_cast %mul3A : vector<256x7168xf32> to vector<8x32x7168xf32>
    %reduce_sum3A = arith.constant dense<0.000000e+00> : vector<8x7168xf32>
    %reduce_sum3A_9 = vector.multi_reduction <add>, %reshape3A, %reduce_sum3A [1] : vector<8x32x7168xf32> to vector<8x7168xf32>
    %sqrt3A = math.sqrt %reduce_sum3A_9 : vector<8x7168xf32>
    %reduce_sum3A_10 = arith.constant dense<0.000000e+00> : vector<7168xf32>
    %reduce_sum3A_11 = vector.multi_reduction <add>, %sqrt3A, %reduce_sum3A_10 [0] : vector<8x7168xf32> to vector<7168xf32>
    %broadcast_in_dim3A = vector.shape_cast %reduce_sum3A_11 : vector<7168xf32> to vector<1x7168xf32>
    %mul3A_12 = arith.constant 1.250000e-01 : f32
    %mul3A_13 = vector.broadcast %mul3A_12 : f32 to vector<1x7168xf32>
    %mul3A_14 = arith.mulf %broadcast_in_dim3A, %mul3A_13 : vector<1x7168xf32>
    %slice3A = vector.extract_strided_slice %mul3A_14 {offsets = [0, 0], sizes = [1, 512], strides = [1, 1]} : vector<1x7168xf32> to vector<1x512xf32>
    %swap3A_15 = arith.constant 0 : index
    %swap3A_16 = arith.constant 0 : index
    %swap3A_17 = arith.constant 0 : index
    %swap3A_18 = arith.constant 0 : index
    %swap3A_19 = vector.load %arg4[%swap3A_15, %swap3A_16, %swap3A_17, %swap3A_18] : memref<1x14x1x512xf32, #tpu.memory_space<vmem>>, vector<1x1x1x512xf32>
    %swap3A_20 = vector.shape_cast %swap3A_19 : vector<1x1x1x512xf32> to vector<1x512xf32>
    %swap3A_21 = vector.shape_cast %slice3A : vector<1x512xf32> to vector<1x1x1x512xf32>
    tpu.vector_store %arg4[%swap3A_15, %swap3A_16, %swap3A_17, %swap3A_18], %swap3A_21 {strides = array<i32>} : memref<1x14x1x512xf32, #tpu.memory_space<vmem>>, vector<1x1x1x512xf32>,
    %slice3A_22 = vector.extract_strided_slice %mul3A_14 {offsets = [0, 512], sizes = [1, 512], strides = [1, 1]} : vector<1x7168xf32> to vector<1x512xf32>
    %swap3A_23 = arith.constant 0 : index
    %swap3A_24 = arith.constant 1 : index
    %swap3A_25 = arith.constant 0 : index
    %swap3A_26 = arith.constant 0 : index
    %swap3A_27 = vector.load %arg4[%swap3A_23, %swap3A_24, %swap3A_25, %swap3A_26] : memref<1x14x1x512xf32, #tpu.memory_space<vmem>>, vector<1x1x1x512xf32>
    %swap3A_28 = vector.shape_cast %swap3A_27 : vector<1x1x1x512xf32> to vector<1x512xf32>
    %swap3A_29 = vector.shape_cast %slice3A_22 : vector<1x512xf32> to vector<1x1x1x512xf32>
    tpu.vector_store %arg4[%swap3A_23, %swap3A_24, %swap3A_25, %swap3A_26], %swap3A_29 {strides = array<i32>} : memref<1x14x1x512xf32, #tpu.memory_space<vmem>>, vector<1x1x1x512xf32>,
    %slice3A_30 = vector.extract_strided_slice %mul3A_14 {offsets = [0, 1024], sizes = [1, 512], strides = [1, 1]} : vector<1x7168xf32> to vector<1x512xf32>
    %swap3A_31 = arith.constant 0 : index
    %swap3A_32 = arith.constant 2 : index
    %swap3A_33 = arith.constant 0 : index
    %swap3A_34 = arith.constant 0 : index
    %swap3A_35 = vector.load %arg4[%swap3A_31, %swap3A_32, %swap3A_33, %swap3A_34] : memref<1x14x1x512xf32, #tpu.memory_space<vmem>>, vector<1x1x1x512xf32>
    %swap3A_36 = vector.shape_cast %swap3A_35 : vector<1x1x1x512xf32> to vector<1x512xf32>
    %swap3A_37 = vector.shape_cast %slice3A_30 : vector<1x512xf32> to vector<1x1x1x512xf32>
    tpu.vector_store %arg4[%swap3A_31, %swap3A_32, %swap3A_33, %swap3A_34], %swap3A_37 {strides = array<i32>} : memref<1x14x1x512xf32, #tpu.memory_space<vmem>>, vector<1x1x1x512xf32>,
    %slice3A_38 = vector.extract_strided_slice %mul3A_14 {offsets = [0, 1536], sizes = [1, 512], strides = [1, 1]} : vector<1x7168xf32> to vector<1x512xf32>
    %swap3A_39 = arith.constant 0 : index
    %swap3A_40 = arith.constant 3 : index
    %swap3A_41 = arith.constant 0 : index
    %swap3A_42 = arith.constant 0 : index
    %swap3A_43 = vector.load %arg4[%swap3A_39, %swap3A_40, %swap3A_41, %swap3A_42] : memref<1x14x1x512xf32, #tpu.memory_space<vmem>>, vector<1x1x1x512xf32>
    %swap3A_44 = vector.shape_cast %swap3A_43 : vector<1x1x1x512xf32> to vector<1x512xf32>
    %swap3A_45 = vector.shape_cast %slice3A_38 : vector<1x512xf32> to vector<1x1x1x512xf32>
    tpu.vector_store %arg4[%swap3A_39, %swap3A_40, %swap3A_41, %swap3A_42], %swap3A_45 {strides = array<i32>} : memref<1x14x1x512xf32, #tpu.memory_space<vmem>>, vector<1x1x1x512xf32>,
    %slice3A_46 = vector.extract_strided_slice %mul3A_14 {offsets = [0, 2048], sizes = [1, 512], strides = [1, 1]} : vector<1x7168xf32> to vector<1x512xf32>
    %swap3A_47 = arith.constant 0 : index
    %swap3A_48 = arith.constant 4 : index
    %swap3A_49 = arith.constant 0 : index
    %swap3A_50 = arith.constant 0 : index
    %swap3A_51 = vector.load %arg4[%swap3A_47, %swap3A_48, %swap3A_49, %swap3A_50] : memref<1x14x1x512xf32, #tpu.memory_space<vmem>>, vector<1x1x1x512xf32>
    %swap3A_52 = vector.shape_cast %swap3A_51 : vector<1x1x1x512xf32> to vector<1x512xf32>
    %swap3A_53 = vector.shape_cast %slice3A_46 : vector<1x512xf32> to vector<1x1x1x512xf32>
    tpu.vector_store %arg4[%swap3A_47, %swap3A_48, %swap3A_49, %swap3A_50], %swap3A_53 {strides = array<i32>} : memref<1x14x1x512xf32, #tpu.memory_space<vmem>>, vector<1x1x1x512xf32>,
    %slice3A_54 = vector.extract_strided_slice %mul3A_14 {offsets = [0, 2560], sizes = [1, 512], strides = [1, 1]} : vector<1x7168xf32> to vector<1x512xf32>
    %swap3A_55 = arith.constant 0 : index
    %swap3A_56 = arith.constant 5 : index
    %swap3A_57 = arith.constant 0 : index
    %swap3A_58 = arith.constant 0 : index
    %swap3A_59 = vector.load %arg4[%swap3A_55, %swap3A_56, %swap3A_57, %swap3A_58] : memref<1x14x1x512xf32, #tpu.memory_space<vmem>>, vector<1x1x1x512xf32>
    %swap3A_60 = vector.shape_cast %swap3A_59 : vector<1x1x1x512xf32> to vector<1x512xf32>
    %swap3A_61 = vector.shape_cast %slice3A_54 : vector<1x512xf32> to vector<1x1x1x512xf32>
    tpu.vector_store %arg4[%swap3A_55, %swap3A_56, %swap3A_57, %swap3A_58], %swap3A_61 {strides = array<i32>} : memref<1x14x1x512xf32, #tpu.memory_space<vmem>>, vector<1x1x1x512xf32>,
    %slice3A_62 = vector.extract_strided_slice %mul3A_14 {offsets = [0, 3072], sizes = [1, 512], strides = [1, 1]} : vector<1x7168xf32> to vector<1x512xf32>
    %swap3A_63 = arith.constant 0 : index
    %swap3A_64 = arith.constant 6 : index
    %swap3A_65 = arith.constant 0 : index
    %swap3A_66 = arith.constant 0 : index
    %swap3A_67 = vector.load %arg4[%swap3A_63, %swap3A_64, %swap3A_65, %swap3A_66] : memref<1x14x1x512xf32, #tpu.memory_space<vmem>>, vector<1x1x1x512xf32>
    %swap3A_68 = vector.shape_cast %swap3A_67 : vector<1x1x1x512xf32> to vector<1x512xf32>
    %swap3A_69 = vector.shape_cast %slice3A_62 : vector<1x512xf32> to vector<1x1x1x512xf32>
    tpu.vector_store %arg4[%swap3A_63, %swap3A_64, %swap3A_65, %swap3A_66], %swap3A_69 {strides = array<i32>} : memref<1x14x1x512xf32, #tpu.memory_space<vmem>>, vector<1x1x1x512xf32>,
    %slice3A_70 = vector.extract_strided_slice %mul3A_14 {offsets = [0, 3584], sizes = [1, 512], strides = [1, 1]} : vector<1x7168xf32> to vector<1x512xf32>
    %swap3A_71 = arith.constant 0 : index
    %swap3A_72 = arith.constant 7 : index
    %swap3A_73 = arith.constant 0 : index
    %swap3A_74 = arith.constant 0 : index
    %swap3A_75 = vector.load %arg4[%swap3A_71, %swap3A_72, %swap3A_73, %swap3A_74] : memref<1x14x1x512xf32, #tpu.memory_space<vmem>>, vector<1x1x1x512xf32>
    %swap3A_76 = vector.shape_cast %swap3A_75 : vector<1x1x1x512xf32> to vector<1x512xf32>
    %swap3A_77 = vector.shape_cast %slice3A_70 : vector<1x512xf32> to vector<1x1x1x512xf32>
    tpu.vector_store %arg4[%swap3A_71, %swap3A_72, %swap3A_73, %swap3A_74], %swap3A_77 {strides = array<i32>} : memref<1x14x1x512xf32, #tpu.memory_space<vmem>>, vector<1x1x1x512xf32>,
    %slice3A_78 = vector.extract_strided_slice %mul3A_14 {offsets = [0, 4096], sizes = [1, 512], strides = [1, 1]} : vector<1x7168xf32> to vector<1x512xf32>
    %swap3A_79 = arith.constant 0 : index
    %swap3A_80 = arith.constant 8 : index
    %swap3A_81 = arith.constant 0 : index
    %swap3A_82 = arith.constant 0 : index
    %swap3A_83 = vector.load %arg4[%swap3A_79, %swap3A_80, %swap3A_81, %swap3A_82] : memref<1x14x1x512xf32, #tpu.memory_space<vmem>>, vector<1x1x1x512xf32>
    %swap3A_84 = vector.shape_cast %swap3A_83 : vector<1x1x1x512xf32> to vector<1x512xf32>
    %swap3A_85 = vector.shape_cast %slice3A_78 : vector<1x512xf32> to vector<1x1x1x512xf32>
    tpu.vector_store %arg4[%swap3A_79, %swap3A_80, %swap3A_81, %swap3A_82], %swap3A_85 {strides = array<i32>} : memref<1x14x1x512xf32, #tpu.memory_space<vmem>>, vector<1x1x1x512xf32>,
    %slice3A_86 = vector.extract_strided_slice %mul3A_14 {offsets = [0, 4608], sizes = [1, 512], strides = [1, 1]} : vector<1x7168xf32> to vector<1x512xf32>
    %swap3A_87 = arith.constant 0 : index
    %swap3A_88 = arith.constant 9 : index
    %swap3A_89 = arith.constant 0 : index
    %swap3A_90 = arith.constant 0 : index
    %swap3A_91 = vector.load %arg4[%swap3A_87, %swap3A_88, %swap3A_89, %swap3A_90] : memref<1x14x1x512xf32, #tpu.memory_space<vmem>>, vector<1x1x1x512xf32>
    %swap3A_92 = vector.shape_cast %swap3A_91 : vector<1x1x1x512xf32> to vector<1x512xf32>
    %swap3A_93 = vector.shape_cast %slice3A_86 : vector<1x512xf32> to vector<1x1x1x512xf32>
    tpu.vector_store %arg4[%swap3A_87, %swap3A_88, %swap3A_89, %swap3A_90], %swap3A_93 {strides = array<i32>} : memref<1x14x1x512xf32, #tpu.memory_space<vmem>>, vector<1x1x1x512xf32>,
    %slice3A_94 = vector.extract_strided_slice %mul3A_14 {offsets = [0, 5120], sizes = [1, 512], strides = [1, 1]} : vector<1x7168xf32> to vector<1x512xf32>
    %swap3A_95 = arith.constant 0 : index
    %swap3A_96 = arith.constant 10 : index
    %swap3A_97 = arith.constant 0 : index
    %swap3A_98 = arith.constant 0 : index
    %swap3A_99 = vector.load %arg4[%swap3A_95, %swap3A_96, %swap3A_97, %swap3A_98] : memref<1x14x1x512xf32, #tpu.memory_space<vmem>>, vector<1x1x1x512xf32>
    %swap3A_100 = vector.shape_cast %swap3A_99 : vector<1x1x1x512xf32> to vector<1x512xf32>
    %swap3A_101 = vector.shape_cast %slice3A_94 : vector<1x512xf32> to vector<1x1x1x512xf32>
    tpu.vector_store %arg4[%swap3A_95, %swap3A_96, %swap3A_97, %swap3A_98], %swap3A_101 {strides = array<i32>} : memref<1x14x1x512xf32, #tpu.memory_space<vmem>>, vector<1x1x1x512xf32>,
    %slice3A_102 = vector.extract_strided_slice %mul3A_14 {offsets = [0, 5632], sizes = [1, 512], strides = [1, 1]} : vector<1x7168xf32> to vector<1x512xf32>
    %swap3A_103 = arith.constant 0 : index
    %swap3A_104 = arith.constant 11 : index
    %swap3A_105 = arith.constant 0 : index
    %swap3A_106 = arith.constant 0 : index
    %swap3A_107 = vector.load %arg4[%swap3A_103, %swap3A_104, %swap3A_105, %swap3A_106] : memref<1x14x1x512xf32, #tpu.memory_space<vmem>>, vector<1x1x1x512xf32>
    %swap3A_108 = vector.shape_cast %swap3A_107 : vector<1x1x1x512xf32> to vector<1x512xf32>
    %swap3A_109 = vector.shape_cast %slice3A_102 : vector<1x512xf32> to vector<1x1x1x512xf32>
    tpu.vector_store %arg4[%swap3A_103, %swap3A_104, %swap3A_105, %swap3A_106], %swap3A_109 {strides = array<i32>} : memref<1x14x1x512xf32, #tpu.memory_space<vmem>>, vector<1x1x1x512xf32>,
    %slice3A_110 = vector.extract_strided_slice %mul3A_14 {offsets = [0, 6144], sizes = [1, 512], strides = [1, 1]} : vector<1x7168xf32> to vector<1x512xf32>
    %swap3A_111 = arith.constant 0 : index
    %swap3A_112 = arith.constant 12 : index
    %swap3A_113 = arith.constant 0 : index
    %swap3A_114 = arith.constant 0 : index
    %swap3A_115 = vector.load %arg4[%swap3A_111, %swap3A_112, %swap3A_113, %swap3A_114] : memref<1x14x1x512xf32, #tpu.memory_space<vmem>>, vector<1x1x1x512xf32>
    %swap3A_116 = vector.shape_cast %swap3A_115 : vector<1x1x1x512xf32> to vector<1x512xf32>
    %swap3A_117 = vector.shape_cast %slice3A_110 : vector<1x512xf32> to vector<1x1x1x512xf32>
    tpu.vector_store %arg4[%swap3A_111, %swap3A_112, %swap3A_113, %swap3A_114], %swap3A_117 {strides = array<i32>} : memref<1x14x1x512xf32, #tpu.memory_space<vmem>>, vector<1x1x1x512xf32>,
    %slice3A_118 = vector.extract_strided_slice %mul3A_14 {offsets = [0, 6656], sizes = [1, 512], strides = [1, 1]} : vector<1x7168xf32> to vector<1x512xf32>
    %swap3A_119 = arith.constant 0 : index
    %swap3A_120 = arith.constant 13 : index
    %swap3A_121 = arith.constant 0 : index
    %swap3A_122 = arith.constant 0 : index
    %swap3A_123 = vector.load %arg4[%swap3A_119, %swap3A_120, %swap3A_121, %swap3A_122] : memref<1x14x1x512xf32, #tpu.memory_space<vmem>>, vector<1x1x1x512xf32>
    %swap3A_124 = vector.shape_cast %swap3A_123 : vector<1x1x1x512xf32> to vector<1x512xf32>
    %swap3A_125 = vector.shape_cast %slice3A_118 : vector<1x512xf32> to vector<1x1x1x512xf32>
    tpu.vector_store %arg4[%swap3A_119, %swap3A_120, %swap3A_121, %swap3A_122], %swap3A_125 {strides = array<i32>} : memref<1x14x1x512xf32, #tpu.memory_space<vmem>>, vector<1x1x1x512xf32>,
    return
  }
  func.func @transform_0(%arg0: i32, %arg1: i32) -> (i32, i32, i32) {
    %c0_i32 = arith.constant 0 : i32
    %c0_i32_0 = arith.constant 0 : i32
    return %arg0, %c0_i32, %arg1 : i32, i32, i32
  }
  func.func @transform_1(%arg0: i32, %arg1: i32) -> (i32, i32, i32) {
    %c0_i32 = arith.constant 0 : i32
    %c0_i32_0 = arith.constant 0 : i32
    return %arg0, %arg1, %c0_i32 : i32, i32, i32
  }
  func.func @transform_2(%arg0: i32, %arg1: i32) -> (i32, i32, i32, i32) {
    %c0_i32 = arith.constant 0 : i32
    %c0_i32_0 = arith.constant 0 : i32
    %c0_i32_1 = arith.constant 0 : i32
    return %arg0, %arg1, %c0_i32, %c0_i32_0 : i32, i32, i32, i32
  }
}

module attributes {stable_mosaic.version = 14 : i64} {
  func.func @_k2_body(%arg0: i32, %arg1: i32, %arg2: memref<1x98x1x512xf32, #tpu.memory_space<vmem>>, %arg3: memref<1x1x25600xi32, #tpu.memory_space<vmem>>, %arg4: memref<4xi32, #tpu.memory_space<smem>>, %arg5: memref<512x512xf32, #tpu.memory_space<vmem>>, %arg6: memref<512x512xi32, #tpu.memory_space<vmem>>, %arg7: memref<25600x1xi32, #tpu.memory_space<vmem>>) attributes {dimension_semantics = [#tpu.dimension_semantics<arbitrary>, #tpu.dimension_semantics<arbitrary>], iteration_bounds = array<i64: 1, 98>, scalar_prefetch = 0 : i64, scratch_operands = 4 : i64, tpu.core_type = #tpu.core_type<tc>, window_params = [{pipeline_mode = #tpu.pipeline_mode<synchronous>, transform_indices = @transform_0, window_bounds = array<i64: 1, 98, 1, 512>}, {pipeline_mode = #tpu.pipeline_mode<synchronous>, transform_indices = @transform_1, window_bounds = array<i64: 1, 1, 25600>}]} {
    %eq3A = arith.constant 0 : i32
    %eq3A_0 = arith.cmpi eq, %arg1, %eq3A : i32
    %convert_element_type3A = arith.extui %eq3A_0 : i1 to i32
    %cond3A = arith.constant 0 : i32
    %cond3A_1 = arith.cmpi ne, %convert_element_type3A, %cond3A : i32
    scf.if %cond3A_1 {
      %get3A_63 = arith.constant 0 : index
      %get3A_64 = arith.constant 0 : index
      %get3A_65 = arith.constant 0 : index
      %get3A_66 = arith.constant 0 : index
      %get3A_67 = vector.load %arg2[%get3A_63, %get3A_64, %get3A_65, %get3A_66] : memref<1x98x1x512xf32, #tpu.memory_space<vmem>>, vector<1x98x1x512xf32>
      %get3A_68 = vector.shape_cast %get3A_67 : vector<1x98x1x512xf32> to vector<98x512xf32>
      %bitcast_convert_type3A_69 = tpu.bitcast %get3A_68 : vector<98x512xf32> -> vector<98x512xi32>
      %scan3A = arith.constant 0 : i32
      %scan3A_70 = arith.constant 2139095040 : i32
      %scan3A_71 = arith.constant 0 : i32
      %scan3A_72 = arith.constant 31 : i32
      %scan3A_73 = arith.addi %scan3A_71, %scan3A_72 : i32
      %scan3A_74 = arith.constant 1 : i32
      %scan3A_75:2 = scf.for %scan3A_105 = %scan3A_71 to %scan3A_73 step %scan3A_74 iter_args(%scan3A_106 = %scan3A, %scan3A_107 = %scan3A_70) -> (i32, i32)  : i32 {
        %sub3A_108 = arith.subi %scan3A_107, %scan3A_106 : i32
        %jit3A_109 = arith.constant 2 : i32
        %div3A = arith.divsi %sub3A_108, %jit3A_109 : i32
        %sign3A = arith.constant 0 : i32
        %sign3A_110 = arith.cmpi sgt, %sub3A_108, %sign3A : i32
        %sign3A_111 = arith.extui %sign3A_110 : i1 to i32
        %sign3A_112 = arith.constant 0 : i32
        %sign3A_113 = arith.cmpi slt, %sub3A_108, %sign3A_112 : i32
        %sign3A_114 = arith.extui %sign3A_113 : i1 to i32
        %sign3A_115 = arith.subi %sign3A_111, %sign3A_114 : i32
        %sign3A_116 = arith.constant 0 : i32
        %sign3A_117 = arith.cmpi sgt, %jit3A_109, %sign3A_116 : i32
        %sign3A_118 = arith.extui %sign3A_117 : i1 to i32
        %sign3A_119 = arith.constant 0 : i32
        %sign3A_120 = arith.cmpi slt, %jit3A_109, %sign3A_119 : i32
        %sign3A_121 = arith.extui %sign3A_120 : i1 to i32
        %sign3A_122 = arith.subi %sign3A_118, %sign3A_121 : i32
        %ne3A = arith.cmpi ne, %sign3A_115, %sign3A_122 : i32
        %rem3A = arith.remsi %sub3A_108, %jit3A_109 : i32
        %ne3A_123 = arith.constant 0 : i32
        %ne3A_124 = arith.cmpi ne, %rem3A, %ne3A_123 : i32
        %and3A = arith.andi %ne3A, %ne3A_124 : i1
        %sub3A_125 = arith.constant 1 : i32
        %sub3A_126 = arith.subi %div3A, %sub3A_125 : i32
        %select_n3A_127 = arith.select %and3A, %sub3A_126, %div3A : i32
        %add3A_128 = arith.addi %scan3A_106, %select_n3A_127 : i32
        %gt3A_129 = vector.broadcast %add3A_128 : i32 to vector<98x512xi32>
        %gt3A_130 = arith.cmpi sgt, %bitcast_convert_type3A_69, %gt3A_129 : vector<98x512xi32>
        %convert_element_type3A_131 = arith.extui %gt3A_130 : vector<98x512xi1> to vector<98x512xi32>
        %reduce_sum3A_132 = vector.shape_cast %convert_element_type3A_131 : vector<98x512xi32> to vector<1x98x512xi32>
        %reduce_sum3A_133 = arith.constant dense<0> : vector<1xi32>
        %reduce_sum3A_134 = vector.multi_reduction <add>, %reduce_sum3A_132, %reduce_sum3A_133 [1, 2] : vector<1x98x512xi32> to vector<1xi32>
        %reduce_sum3A_135 = vector.shape_cast %reduce_sum3A_134 : vector<1xi32> to vector<1x1x1xi32>
        %reduce_sum3A_136 = vector.extract %reduce_sum3A_135[0, 0, 0] : i32 from vector<1x1x1xi32>
        %lt3A = arith.constant 25088 : i32
        %lt3A_137 = arith.cmpi slt, %reduce_sum3A_136, %lt3A : i32
        %add3A_138 = arith.constant 1 : i32
        %add3A_139 = arith.addi %add3A_128, %add3A_138 : i32
        %select_n3A_140 = arith.select %lt3A_137, %scan3A_106, %add3A_139 : i32
        %lt3A_141 = arith.constant 25088 : i32
        %lt3A_142 = arith.cmpi slt, %reduce_sum3A_136, %lt3A_141 : i32
        %select_n3A_143 = arith.select %lt3A_142, %add3A_128, %scan3A_107 : i32
        scf.yield %select_n3A_140, %select_n3A_143 : i32, i32
      }
      %gt3A_76 = vector.broadcast %scan3A_75#0 : i32 to vector<98x512xi32>
      %gt3A_77 = arith.cmpi sgt, %bitcast_convert_type3A_69, %gt3A_76 : vector<98x512xi32>
      %convert_element_type3A_78 = arith.extui %gt3A_77 : vector<98x512xi1> to vector<98x512xi32>
      %reduce_sum3A = vector.shape_cast %convert_element_type3A_78 : vector<98x512xi32> to vector<1x98x512xi32>
      %reduce_sum3A_79 = arith.constant dense<0> : vector<1xi32>
      %reduce_sum3A_80 = vector.multi_reduction <add>, %reduce_sum3A, %reduce_sum3A_79 [1, 2] : vector<1x98x512xi32> to vector<1xi32>
      %reduce_sum3A_81 = vector.shape_cast %reduce_sum3A_80 : vector<1xi32> to vector<1x1x1xi32>
      %reduce_sum3A_82 = vector.extract %reduce_sum3A_81[0, 0, 0] : i32 from vector<1x1x1xi32>
      %swap3A_83 = arith.constant 0 : i32
      %swap3A_84 = arith.constant 0 : index
      %swap3A_85 = memref.load %arg4[%swap3A_84] : memref<4xi32, #tpu.memory_space<smem>>
      memref.store %swap3A_83, %arg4[%swap3A_84] : memref<4xi32, #tpu.memory_space<smem>>
      %swap3A_86 = arith.constant 0 : i32
      %swap3A_87 = arith.constant 1 : index
      %swap3A_88 = memref.load %arg4[%swap3A_87] : memref<4xi32, #tpu.memory_space<smem>>
      memref.store %swap3A_86, %arg4[%swap3A_87] : memref<4xi32, #tpu.memory_space<smem>>
      %swap3A_89 = arith.constant 2 : index
      %swap3A_90 = memref.load %arg4[%swap3A_89] : memref<4xi32, #tpu.memory_space<smem>>
      memref.store %scan3A_75#0, %arg4[%swap3A_89] : memref<4xi32, #tpu.memory_space<smem>>
      %sub3A_91 = arith.constant 25088 : i32
      %sub3A_92 = arith.subi %sub3A_91, %reduce_sum3A_82 : i32
      %swap3A_93 = arith.constant 3 : index
      %swap3A_94 = memref.load %arg4[%swap3A_93] : memref<4xi32, #tpu.memory_space<smem>>
      memref.store %sub3A_92, %arg4[%swap3A_93] : memref<4xi32, #tpu.memory_space<smem>>
      %iota3A = tpu.iota {dimensions = array<i32: 0>} : vector<512x512xi32>
      %iota3A_95 = tpu.iota {dimensions = array<i32: 1>} : vector<512x512xi32>
      %swap3A_96 = arith.constant 0 : index
      %swap3A_97 = arith.constant 0 : index
      %swap3A_98 = vector.load %arg6[%swap3A_96, %swap3A_97] : memref<512x512xi32, #tpu.memory_space<vmem>>, vector<512x512xi32>
      tpu.vector_store %arg6[%swap3A_96, %swap3A_97], %iota3A {strides = array<i32>} : memref<512x512xi32, #tpu.memory_space<vmem>>, vector<512x512xi32>,
      %le3A = arith.cmpi sle, %iota3A, %iota3A_95 : vector<512x512xi32>
      %jit3A = arith.constant 1.000000e+00 : f32
      %jit3A_99 = arith.constant 0.000000e+00 : f32
      %broadcast_in_dim3A_100 = vector.broadcast %jit3A : f32 to vector<512x512xf32>
      %broadcast_in_dim3A_101 = vector.broadcast %jit3A_99 : f32 to vector<512x512xf32>
      %select_n3A = arith.select %le3A, %broadcast_in_dim3A_100, %broadcast_in_dim3A_101 : vector<512x512xi1>, vector<512x512xf32>
      %swap3A_102 = arith.constant 0 : index
      %swap3A_103 = arith.constant 0 : index
      %swap3A_104 = vector.load %arg5[%swap3A_102, %swap3A_103] : memref<512x512xf32, #tpu.memory_space<vmem>>, vector<512x512xf32>
      tpu.vector_store %arg5[%swap3A_102, %swap3A_103], %select_n3A {strides = array<i32>} : memref<512x512xf32, #tpu.memory_space<vmem>>, vector<512x512xf32>,
    } else {
    }
    %get3A = arith.constant 0 : index
    %get3A_2 = memref.load %arg4[%get3A] : memref<4xi32, #tpu.memory_space<smem>>
    %get3A_3 = arith.constant 1 : index
    %get3A_4 = memref.load %arg4[%get3A_3] : memref<4xi32, #tpu.memory_space<smem>>
    %get3A_5 = arith.constant 2 : index
    %get3A_6 = memref.load %arg4[%get3A_5] : memref<4xi32, #tpu.memory_space<smem>>
    %get3A_7 = arith.constant 3 : index
    %get3A_8 = memref.load %arg4[%get3A_7] : memref<4xi32, #tpu.memory_space<smem>>
    %get3A_9 = arith.constant 0 : index
    %get3A_10 = arith.index_cast %arg1 : i32 to index
    %get3A_11 = arith.constant 0 : index
    %get3A_12 = arith.constant 0 : index
    %get3A_13 = vector.load %arg2[%get3A_9, %get3A_10, %get3A_11, %get3A_12] : memref<1x98x1x512xf32, #tpu.memory_space<vmem>>, vector<1x1x1x512xf32>
    %get3A_14 = vector.shape_cast %get3A_13 : vector<1x1x1x512xf32> to vector<1x512xf32>
    %bitcast_convert_type3A = tpu.bitcast %get3A_14 : vector<1x512xf32> -> vector<1x512xi32>
    %gt3A = vector.broadcast %get3A_6 : i32 to vector<1x512xi32>
    %gt3A_15 = arith.cmpi sgt, %bitcast_convert_type3A, %gt3A : vector<1x512xi32>
    %eq3A_16 = vector.broadcast %get3A_6 : i32 to vector<1x512xi32>
    %eq3A_17 = arith.cmpi eq, %bitcast_convert_type3A, %eq3A_16 : vector<1x512xi32>
    %convert_element_type3A_18 = arith.extui %gt3A_15 : vector<1x512xi1> to vector<1x512xi32>
    %convert_element_type3A_19 = arith.sitofp %convert_element_type3A_18 : vector<1x512xi32> to vector<1x512xf32>
    %convert_element_type3A_20 = arith.extui %eq3A_17 : vector<1x512xi1> to vector<1x512xi32>
    %convert_element_type3A_21 = arith.sitofp %convert_element_type3A_20 : vector<1x512xi32> to vector<1x512xf32>
    %concatenate3A = tpu.concatenate %convert_element_type3A_19, %convert_element_type3A_21 in 0 : vector<1x512xf32>, vector<1x512xf32> -> vector<2x512xf32>
    %get3A_22 = arith.constant 0 : index
    %get3A_23 = arith.constant 0 : index
    %get3A_24 = vector.load %arg5[%get3A_22, %get3A_23] : memref<512x512xf32, #tpu.memory_space<vmem>>, vector<512x512xf32>
    %dot_general3A = arith.constant dense<0.000000e+00> : vector<2x512xf32>
    %dot_general3A_25 = tpu.matmul %concatenate3A, %get3A_24, %dot_general3A {dimension_numbers = #tpu.dot_dimension_numbers<[1], [0], [0], [1], [0, 0, 1, 1], [], []>, transpose_lhs_hint = false} : vector<2x512xf32>, vector<512x512xf32>, vector<2x512xf32> -> vector<2x512xf32>
    %convert_element_type3A_26 = arith.fptosi %dot_general3A_25 : vector<2x512xf32> to vector<2x512xi32>
    %slice3A = vector.extract_strided_slice %convert_element_type3A_26 {offsets = [0, 0], sizes = [1, 512], strides = [1, 1]} : vector<2x512xi32> to vector<1x512xi32>
    %slice3A_27 = vector.extract_strided_slice %convert_element_type3A_26 {offsets = [1, 0], sizes = [1, 512], strides = [1, 1]} : vector<2x512xi32> to vector<1x512xi32>
    %sub3A = arith.subi %get3A_8, %get3A_4 : i32
    %max3A = arith.constant 0 : i32
    %max3A_28 = arith.maxsi %sub3A, %max3A : i32
    %min3A = vector.broadcast %max3A_28 : i32 to vector<1x512xi32>
    %min3A_29 = arith.minsi %slice3A_27, %min3A : vector<1x512xi32>
    %add3A = arith.addi %slice3A, %min3A_29 : vector<1x512xi32>
    %broadcast_in_dim3A = vector.shape_cast %add3A : vector<1x512xi32> to vector<1x512xi32>
    %broadcast_in_dim3A_30 = vector.broadcast %broadcast_in_dim3A : vector<1x512xi32> to vector<512x512xi32>
    %get3A_31 = arith.constant 0 : index
    %get3A_32 = arith.constant 0 : index
    %get3A_33 = vector.load %arg6[%get3A_31, %get3A_32] : memref<512x512xi32, #tpu.memory_space<vmem>>, vector<512x512xi32>
    %gt3A_34 = arith.cmpi sgt, %broadcast_in_dim3A_30, %get3A_33 : vector<512x512xi32>
    %convert_element_type3A_35 = arith.extui %gt3A_34 : vector<512x512xi1> to vector<512x512xi32>
    %convert_element_type3A_36 = arith.sitofp %convert_element_type3A_35 : vector<512x512xi32> to vector<512x512xf32>
    %broadcast_in_dim3A_37 = arith.constant 1.000000e+00 : f32
    %broadcast_in_dim3A_38 = vector.broadcast %broadcast_in_dim3A_37 : f32 to vector<512x1xf32>
    %dot_general3A_39 = arith.constant dense<0.000000e+00> : vector<512x1xf32>
    %dot_general3A_40 = tpu.matmul %convert_element_type3A_36, %broadcast_in_dim3A_38, %dot_general3A_39 {dimension_numbers = #tpu.dot_dimension_numbers<[1], [0], [0], [1], [0, 0, 1, 1], [], []>, transpose_lhs_hint = false} : vector<512x512xf32>, vector<512x1xf32>, vector<512x1xf32> -> vector<512x1xf32>
    %convert_element_type3A_41 = arith.fptosi %dot_general3A_40 : vector<512x1xf32> to vector<512x1xi32>
    %mul3A = arith.constant 512 : i32
    %mul3A_42 = arith.muli %arg1, %mul3A : i32
    %add3A_43 = arith.constant 512 : i32
    %add3A_44 = arith.addi %mul3A_42, %add3A_43 : i32
    %sub3A_45 = vector.broadcast %add3A_44 : i32 to vector<512x1xi32>
    %sub3A_46 = arith.subi %sub3A_45, %convert_element_type3A_41 : vector<512x1xi32>
    %swap3A = arith.index_cast %get3A_2 : i32 to index
    %swap3A_47 = arith.constant 0 : index
    %swap3A_48 = vector.load %arg7[%swap3A, %swap3A_47] : memref<25600x1xi32, #tpu.memory_space<vmem>>, vector<512x1xi32>
    tpu.vector_store %arg7[%swap3A, %swap3A_47], %sub3A_46 {strides = array<i32>} : memref<25600x1xi32, #tpu.memory_space<vmem>>, vector<512x1xi32>,
    %slice3A_49 = vector.extract_strided_slice %add3A {offsets = [0, 511], sizes = [1, 1], strides = [1, 1]} : vector<1x512xi32> to vector<1x1xi32>
    %squeeze3A = vector.extract %slice3A_49[0, 0] : i32 from vector<1x1xi32>
    %add3A_50 = arith.addi %get3A_2, %squeeze3A : i32
    %swap3A_51 = arith.constant 0 : index
    %swap3A_52 = memref.load %arg4[%swap3A_51] : memref<4xi32, #tpu.memory_space<smem>>
    memref.store %add3A_50, %arg4[%swap3A_51] : memref<4xi32, #tpu.memory_space<smem>>
    %slice3A_53 = vector.extract_strided_slice %slice3A_27 {offsets = [0, 511], sizes = [1, 1], strides = [1, 1]} : vector<1x512xi32> to vector<1x1xi32>
    %squeeze3A_54 = vector.extract %slice3A_53[0, 0] : i32 from vector<1x1xi32>
    %add3A_55 = arith.addi %get3A_4, %squeeze3A_54 : i32
    %swap3A_56 = arith.constant 1 : index
    %swap3A_57 = memref.load %arg4[%swap3A_56] : memref<4xi32, #tpu.memory_space<smem>>
    memref.store %add3A_55, %arg4[%swap3A_56] : memref<4xi32, #tpu.memory_space<smem>>
    %eq3A_58 = arith.constant 97 : i32
    %eq3A_59 = arith.cmpi eq, %arg1, %eq3A_58 : i32
    %convert_element_type3A_60 = arith.extui %eq3A_59 : i1 to i32
    %cond3A_61 = arith.constant 0 : i32
    %cond3A_62 = arith.cmpi ne, %convert_element_type3A_60, %cond3A_61 : i32
    scf.if %cond3A_62 {
      %get3A_63 = arith.constant 0 : index
      %get3A_64 = arith.constant 0 : index
      %get3A_65 = vector.load %arg7[%get3A_63, %get3A_64] : memref<25600x1xi32, #tpu.memory_space<vmem>>, vector<512x1xi32>
      %transpose3A = tpu.transpose %get3A_65, [1, 0] : vector<512x1xi32> -> vector<1x512xi32>
      %swap3A_66 = arith.constant 0 : index
      %swap3A_67 = arith.constant 0 : index
      %swap3A_68 = arith.constant 0 : index
      %swap3A_69 = vector.load %arg3[%swap3A_66, %swap3A_67, %swap3A_68] : memref<1x1x25600xi32, #tpu.memory_space<vmem>>, vector<1x1x512xi32>
      %swap3A_70 = vector.shape_cast %swap3A_69 : vector<1x1x512xi32> to vector<1x512xi32>
      %swap3A_71 = vector.shape_cast %transpose3A : vector<1x512xi32> to vector<1x1x512xi32>
      tpu.vector_store %arg3[%swap3A_66, %swap3A_67, %swap3A_68], %swap3A_71 {strides = array<i32>} : memref<1x1x25600xi32, #tpu.memory_space<vmem>>, vector<1x1x512xi32>,
      %get3A_72 = arith.constant 512 : index
      %get3A_73 = arith.constant 0 : index
      %get3A_74 = vector.load %arg7[%get3A_72, %get3A_73] : memref<25600x1xi32, #tpu.memory_space<vmem>>, vector<512x1xi32>
      %transpose3A_75 = tpu.transpose %get3A_74, [1, 0] : vector<512x1xi32> -> vector<1x512xi32>
      %swap3A_76 = arith.constant 0 : index
      %swap3A_77 = arith.constant 0 : index
      %swap3A_78 = arith.constant 512 : index
      %swap3A_79 = vector.load %arg3[%swap3A_76, %swap3A_77, %swap3A_78] : memref<1x1x25600xi32, #tpu.memory_space<vmem>>, vector<1x1x512xi32>
      %swap3A_80 = vector.shape_cast %swap3A_79 : vector<1x1x512xi32> to vector<1x512xi32>
      %swap3A_81 = vector.shape_cast %transpose3A_75 : vector<1x512xi32> to vector<1x1x512xi32>
      tpu.vector_store %arg3[%swap3A_76, %swap3A_77, %swap3A_78], %swap3A_81 {strides = array<i32>} : memref<1x1x25600xi32, #tpu.memory_space<vmem>>, vector<1x1x512xi32>,
      %get3A_82 = arith.constant 1024 : index
      %get3A_83 = arith.constant 0 : index
      %get3A_84 = vector.load %arg7[%get3A_82, %get3A_83] : memref<25600x1xi32, #tpu.memory_space<vmem>>, vector<512x1xi32>
      %transpose3A_85 = tpu.transpose %get3A_84, [1, 0] : vector<512x1xi32> -> vector<1x512xi32>
      %swap3A_86 = arith.constant 0 : index
      %swap3A_87 = arith.constant 0 : index
      %swap3A_88 = arith.constant 1024 : index
      %swap3A_89 = vector.load %arg3[%swap3A_86, %swap3A_87, %swap3A_88] : memref<1x1x25600xi32, #tpu.memory_space<vmem>>, vector<1x1x512xi32>
      %swap3A_90 = vector.shape_cast %swap3A_89 : vector<1x1x512xi32> to vector<1x512xi32>
      %swap3A_91 = vector.shape_cast %transpose3A_85 : vector<1x512xi32> to vector<1x1x512xi32>
      tpu.vector_store %arg3[%swap3A_86, %swap3A_87, %swap3A_88], %swap3A_91 {strides = array<i32>} : memref<1x1x25600xi32, #tpu.memory_space<vmem>>, vector<1x1x512xi32>,
      %get3A_92 = arith.constant 1536 : index
      %get3A_93 = arith.constant 0 : index
      %get3A_94 = vector.load %arg7[%get3A_92, %get3A_93] : memref<25600x1xi32, #tpu.memory_space<vmem>>, vector<512x1xi32>
      %transpose3A_95 = tpu.transpose %get3A_94, [1, 0] : vector<512x1xi32> -> vector<1x512xi32>
      %swap3A_96 = arith.constant 0 : index
      %swap3A_97 = arith.constant 0 : index
      %swap3A_98 = arith.constant 1536 : index
      %swap3A_99 = vector.load %arg3[%swap3A_96, %swap3A_97, %swap3A_98] : memref<1x1x25600xi32, #tpu.memory_space<vmem>>, vector<1x1x512xi32>
      %swap3A_100 = vector.shape_cast %swap3A_99 : vector<1x1x512xi32> to vector<1x512xi32>
      %swap3A_101 = vector.shape_cast %transpose3A_95 : vector<1x512xi32> to vector<1x1x512xi32>
      tpu.vector_store %arg3[%swap3A_96, %swap3A_97, %swap3A_98], %swap3A_101 {strides = array<i32>} : memref<1x1x25600xi32, #tpu.memory_space<vmem>>, vector<1x1x512xi32>,
      %get3A_102 = arith.constant 2048 : index
      %get3A_103 = arith.constant 0 : index
      %get3A_104 = vector.load %arg7[%get3A_102, %get3A_103] : memref<25600x1xi32, #tpu.memory_space<vmem>>, vector<512x1xi32>
      %transpose3A_105 = tpu.transpose %get3A_104, [1, 0] : vector<512x1xi32> -> vector<1x512xi32>
      %swap3A_106 = arith.constant 0 : index
      %swap3A_107 = arith.constant 0 : index
      %swap3A_108 = arith.constant 2048 : index
      %swap3A_109 = vector.load %arg3[%swap3A_106, %swap3A_107, %swap3A_108] : memref<1x1x25600xi32, #tpu.memory_space<vmem>>, vector<1x1x512xi32>
      %swap3A_110 = vector.shape_cast %swap3A_109 : vector<1x1x512xi32> to vector<1x512xi32>
      %swap3A_111 = vector.shape_cast %transpose3A_105 : vector<1x512xi32> to vector<1x1x512xi32>
      tpu.vector_store %arg3[%swap3A_106, %swap3A_107, %swap3A_108], %swap3A_111 {strides = array<i32>} : memref<1x1x25600xi32, #tpu.memory_space<vmem>>, vector<1x1x512xi32>,
      %get3A_112 = arith.constant 2560 : index
      %get3A_113 = arith.constant 0 : index
      %get3A_114 = vector.load %arg7[%get3A_112, %get3A_113] : memref<25600x1xi32, #tpu.memory_space<vmem>>, vector<512x1xi32>
      %transpose3A_115 = tpu.transpose %get3A_114, [1, 0] : vector<512x1xi32> -> vector<1x512xi32>
      %swap3A_116 = arith.constant 0 : index
      %swap3A_117 = arith.constant 0 : index
      %swap3A_118 = arith.constant 2560 : index
      %swap3A_119 = vector.load %arg3[%swap3A_116, %swap3A_117, %swap3A_118] : memref<1x1x25600xi32, #tpu.memory_space<vmem>>, vector<1x1x512xi32>
      %swap3A_120 = vector.shape_cast %swap3A_119 : vector<1x1x512xi32> to vector<1x512xi32>
      %swap3A_121 = vector.shape_cast %transpose3A_115 : vector<1x512xi32> to vector<1x1x512xi32>
      tpu.vector_store %arg3[%swap3A_116, %swap3A_117, %swap3A_118], %swap3A_121 {strides = array<i32>} : memref<1x1x25600xi32, #tpu.memory_space<vmem>>, vector<1x1x512xi32>,
      %get3A_122 = arith.constant 3072 : index
      %get3A_123 = arith.constant 0 : index
      %get3A_124 = vector.load %arg7[%get3A_122, %get3A_123] : memref<25600x1xi32, #tpu.memory_space<vmem>>, vector<512x1xi32>
      %transpose3A_125 = tpu.transpose %get3A_124, [1, 0] : vector<512x1xi32> -> vector<1x512xi32>
      %swap3A_126 = arith.constant 0 : index
      %swap3A_127 = arith.constant 0 : index
      %swap3A_128 = arith.constant 3072 : index
      %swap3A_129 = vector.load %arg3[%swap3A_126, %swap3A_127, %swap3A_128] : memref<1x1x25600xi32, #tpu.memory_space<vmem>>, vector<1x1x512xi32>
      %swap3A_130 = vector.shape_cast %swap3A_129 : vector<1x1x512xi32> to vector<1x512xi32>
      %swap3A_131 = vector.shape_cast %transpose3A_125 : vector<1x512xi32> to vector<1x1x512xi32>
      tpu.vector_store %arg3[%swap3A_126, %swap3A_127, %swap3A_128], %swap3A_131 {strides = array<i32>} : memref<1x1x25600xi32, #tpu.memory_space<vmem>>, vector<1x1x512xi32>,
      %get3A_132 = arith.constant 3584 : index
      %get3A_133 = arith.constant 0 : index
      %get3A_134 = vector.load %arg7[%get3A_132, %get3A_133] : memref<25600x1xi32, #tpu.memory_space<vmem>>, vector<512x1xi32>
      %transpose3A_135 = tpu.transpose %get3A_134, [1, 0] : vector<512x1xi32> -> vector<1x512xi32>
      %swap3A_136 = arith.constant 0 : index
      %swap3A_137 = arith.constant 0 : index
      %swap3A_138 = arith.constant 3584 : index
      %swap3A_139 = vector.load %arg3[%swap3A_136, %swap3A_137, %swap3A_138] : memref<1x1x25600xi32, #tpu.memory_space<vmem>>, vector<1x1x512xi32>
      %swap3A_140 = vector.shape_cast %swap3A_139 : vector<1x1x512xi32> to vector<1x512xi32>
      %swap3A_141 = vector.shape_cast %transpose3A_135 : vector<1x512xi32> to vector<1x1x512xi32>
      tpu.vector_store %arg3[%swap3A_136, %swap3A_137, %swap3A_138], %swap3A_141 {strides = array<i32>} : memref<1x1x25600xi32, #tpu.memory_space<vmem>>, vector<1x1x512xi32>,
      %get3A_142 = arith.constant 4096 : index
      %get3A_143 = arith.constant 0 : index
      %get3A_144 = vector.load %arg7[%get3A_142, %get3A_143] : memref<25600x1xi32, #tpu.memory_space<vmem>>, vector<512x1xi32>
      %transpose3A_145 = tpu.transpose %get3A_144, [1, 0] : vector<512x1xi32> -> vector<1x512xi32>
      %swap3A_146 = arith.constant 0 : index
      %swap3A_147 = arith.constant 0 : index
      %swap3A_148 = arith.constant 4096 : index
      %swap3A_149 = vector.load %arg3[%swap3A_146, %swap3A_147, %swap3A_148] : memref<1x1x25600xi32, #tpu.memory_space<vmem>>, vector<1x1x512xi32>
      %swap3A_150 = vector.shape_cast %swap3A_149 : vector<1x1x512xi32> to vector<1x512xi32>
      %swap3A_151 = vector.shape_cast %transpose3A_145 : vector<1x512xi32> to vector<1x1x512xi32>
      tpu.vector_store %arg3[%swap3A_146, %swap3A_147, %swap3A_148], %swap3A_151 {strides = array<i32>} : memref<1x1x25600xi32, #tpu.memory_space<vmem>>, vector<1x1x512xi32>,
      %get3A_152 = arith.constant 4608 : index
      %get3A_153 = arith.constant 0 : index
      %get3A_154 = vector.load %arg7[%get3A_152, %get3A_153] : memref<25600x1xi32, #tpu.memory_space<vmem>>, vector<512x1xi32>
      %transpose3A_155 = tpu.transpose %get3A_154, [1, 0] : vector<512x1xi32> -> vector<1x512xi32>
      %swap3A_156 = arith.constant 0 : index
      %swap3A_157 = arith.constant 0 : index
      %swap3A_158 = arith.constant 4608 : index
      %swap3A_159 = vector.load %arg3[%swap3A_156, %swap3A_157, %swap3A_158] : memref<1x1x25600xi32, #tpu.memory_space<vmem>>, vector<1x1x512xi32>
      %swap3A_160 = vector.shape_cast %swap3A_159 : vector<1x1x512xi32> to vector<1x512xi32>
      %swap3A_161 = vector.shape_cast %transpose3A_155 : vector<1x512xi32> to vector<1x1x512xi32>
      tpu.vector_store %arg3[%swap3A_156, %swap3A_157, %swap3A_158], %swap3A_161 {strides = array<i32>} : memref<1x1x25600xi32, #tpu.memory_space<vmem>>, vector<1x1x512xi32>,
      %get3A_162 = arith.constant 5120 : index
      %get3A_163 = arith.constant 0 : index
      %get3A_164 = vector.load %arg7[%get3A_162, %get3A_163] : memref<25600x1xi32, #tpu.memory_space<vmem>>, vector<512x1xi32>
      %transpose3A_165 = tpu.transpose %get3A_164, [1, 0] : vector<512x1xi32> -> vector<1x512xi32>
      %swap3A_166 = arith.constant 0 : index
      %swap3A_167 = arith.constant 0 : index
      %swap3A_168 = arith.constant 5120 : index
      %swap3A_169 = vector.load %arg3[%swap3A_166, %swap3A_167, %swap3A_168] : memref<1x1x25600xi32, #tpu.memory_space<vmem>>, vector<1x1x512xi32>
      %swap3A_170 = vector.shape_cast %swap3A_169 : vector<1x1x512xi32> to vector<1x512xi32>
      %swap3A_171 = vector.shape_cast %transpose3A_165 : vector<1x512xi32> to vector<1x1x512xi32>
      tpu.vector_store %arg3[%swap3A_166, %swap3A_167, %swap3A_168], %swap3A_171 {strides = array<i32>} : memref<1x1x25600xi32, #tpu.memory_space<vmem>>, vector<1x1x512xi32>,
      %get3A_172 = arith.constant 5632 : index
      %get3A_173 = arith.constant 0 : index
      %get3A_174 = vector.load %arg7[%get3A_172, %get3A_173] : memref<25600x1xi32, #tpu.memory_space<vmem>>, vector<512x1xi32>
      %transpose3A_175 = tpu.transpose %get3A_174, [1, 0] : vector<512x1xi32> -> vector<1x512xi32>
      %swap3A_176 = arith.constant 0 : index
      %swap3A_177 = arith.constant 0 : index
      %swap3A_178 = arith.constant 5632 : index
      %swap3A_179 = vector.load %arg3[%swap3A_176, %swap3A_177, %swap3A_178] : memref<1x1x25600xi32, #tpu.memory_space<vmem>>, vector<1x1x512xi32>
      %swap3A_180 = vector.shape_cast %swap3A_179 : vector<1x1x512xi32> to vector<1x512xi32>
      %swap3A_181 = vector.shape_cast %transpose3A_175 : vector<1x512xi32> to vector<1x1x512xi32>
      tpu.vector_store %arg3[%swap3A_176, %swap3A_177, %swap3A_178], %swap3A_181 {strides = array<i32>} : memref<1x1x25600xi32, #tpu.memory_space<vmem>>, vector<1x1x512xi32>,
      %get3A_182 = arith.constant 6144 : index
      %get3A_183 = arith.constant 0 : index
      %get3A_184 = vector.load %arg7[%get3A_182, %get3A_183] : memref<25600x1xi32, #tpu.memory_space<vmem>>, vector<512x1xi32>
      %transpose3A_185 = tpu.transpose %get3A_184, [1, 0] : vector<512x1xi32> -> vector<1x512xi32>
      %swap3A_186 = arith.constant 0 : index
      %swap3A_187 = arith.constant 0 : index
      %swap3A_188 = arith.constant 6144 : index
      %swap3A_189 = vector.load %arg3[%swap3A_186, %swap3A_187, %swap3A_188] : memref<1x1x25600xi32, #tpu.memory_space<vmem>>, vector<1x1x512xi32>
      %swap3A_190 = vector.shape_cast %swap3A_189 : vector<1x1x512xi32> to vector<1x512xi32>
      %swap3A_191 = vector.shape_cast %transpose3A_185 : vector<1x512xi32> to vector<1x1x512xi32>
      tpu.vector_store %arg3[%swap3A_186, %swap3A_187, %swap3A_188], %swap3A_191 {strides = array<i32>} : memref<1x1x25600xi32, #tpu.memory_space<vmem>>, vector<1x1x512xi32>,
      %get3A_192 = arith.constant 6656 : index
      %get3A_193 = arith.constant 0 : index
      %get3A_194 = vector.load %arg7[%get3A_192, %get3A_193] : memref<25600x1xi32, #tpu.memory_space<vmem>>, vector<512x1xi32>
      %transpose3A_195 = tpu.transpose %get3A_194, [1, 0] : vector<512x1xi32> -> vector<1x512xi32>
      %swap3A_196 = arith.constant 0 : index
      %swap3A_197 = arith.constant 0 : index
      %swap3A_198 = arith.constant 6656 : index
      %swap3A_199 = vector.load %arg3[%swap3A_196, %swap3A_197, %swap3A_198] : memref<1x1x25600xi32, #tpu.memory_space<vmem>>, vector<1x1x512xi32>
      %swap3A_200 = vector.shape_cast %swap3A_199 : vector<1x1x512xi32> to vector<1x512xi32>
      %swap3A_201 = vector.shape_cast %transpose3A_195 : vector<1x512xi32> to vector<1x1x512xi32>
      tpu.vector_store %arg3[%swap3A_196, %swap3A_197, %swap3A_198], %swap3A_201 {strides = array<i32>} : memref<1x1x25600xi32, #tpu.memory_space<vmem>>, vector<1x1x512xi32>,
      %get3A_202 = arith.constant 7168 : index
      %get3A_203 = arith.constant 0 : index
      %get3A_204 = vector.load %arg7[%get3A_202, %get3A_203] : memref<25600x1xi32, #tpu.memory_space<vmem>>, vector<512x1xi32>
      %transpose3A_205 = tpu.transpose %get3A_204, [1, 0] : vector<512x1xi32> -> vector<1x512xi32>
      %swap3A_206 = arith.constant 0 : index
      %swap3A_207 = arith.constant 0 : index
      %swap3A_208 = arith.constant 7168 : index
      %swap3A_209 = vector.load %arg3[%swap3A_206, %swap3A_207, %swap3A_208] : memref<1x1x25600xi32, #tpu.memory_space<vmem>>, vector<1x1x512xi32>
      %swap3A_210 = vector.shape_cast %swap3A_209 : vector<1x1x512xi32> to vector<1x512xi32>
      %swap3A_211 = vector.shape_cast %transpose3A_205 : vector<1x512xi32> to vector<1x1x512xi32>
      tpu.vector_store %arg3[%swap3A_206, %swap3A_207, %swap3A_208], %swap3A_211 {strides = array<i32>} : memref<1x1x25600xi32, #tpu.memory_space<vmem>>, vector<1x1x512xi32>,
      %get3A_212 = arith.constant 7680 : index
      %get3A_213 = arith.constant 0 : index
      %get3A_214 = vector.load %arg7[%get3A_212, %get3A_213] : memref<25600x1xi32, #tpu.memory_space<vmem>>, vector<512x1xi32>
      %transpose3A_215 = tpu.transpose %get3A_214, [1, 0] : vector<512x1xi32> -> vector<1x512xi32>
      %swap3A_216 = arith.constant 0 : index
      %swap3A_217 = arith.constant 0 : index
      %swap3A_218 = arith.constant 7680 : index
      %swap3A_219 = vector.load %arg3[%swap3A_216, %swap3A_217, %swap3A_218] : memref<1x1x25600xi32, #tpu.memory_space<vmem>>, vector<1x1x512xi32>
      %swap3A_220 = vector.shape_cast %swap3A_219 : vector<1x1x512xi32> to vector<1x512xi32>
      %swap3A_221 = vector.shape_cast %transpose3A_215 : vector<1x512xi32> to vector<1x1x512xi32>
      tpu.vector_store %arg3[%swap3A_216, %swap3A_217, %swap3A_218], %swap3A_221 {strides = array<i32>} : memref<1x1x25600xi32, #tpu.memory_space<vmem>>, vector<1x1x512xi32>,
      %get3A_222 = arith.constant 8192 : index
      %get3A_223 = arith.constant 0 : index
      %get3A_224 = vector.load %arg7[%get3A_222, %get3A_223] : memref<25600x1xi32, #tpu.memory_space<vmem>>, vector<512x1xi32>
      %transpose3A_225 = tpu.transpose %get3A_224, [1, 0] : vector<512x1xi32> -> vector<1x512xi32>
      %swap3A_226 = arith.constant 0 : index
      %swap3A_227 = arith.constant 0 : index
      %swap3A_228 = arith.constant 8192 : index
      %swap3A_229 = vector.load %arg3[%swap3A_226, %swap3A_227, %swap3A_228] : memref<1x1x25600xi32, #tpu.memory_space<vmem>>, vector<1x1x512xi32>
      %swap3A_230 = vector.shape_cast %swap3A_229 : vector<1x1x512xi32> to vector<1x512xi32>
      %swap3A_231 = vector.shape_cast %transpose3A_225 : vector<1x512xi32> to vector<1x1x512xi32>
      tpu.vector_store %arg3[%swap3A_226, %swap3A_227, %swap3A_228], %swap3A_231 {strides = array<i32>} : memref<1x1x25600xi32, #tpu.memory_space<vmem>>, vector<1x1x512xi32>,
      %get3A_232 = arith.constant 8704 : index
      %get3A_233 = arith.constant 0 : index
      %get3A_234 = vector.load %arg7[%get3A_232, %get3A_233] : memref<25600x1xi32, #tpu.memory_space<vmem>>, vector<512x1xi32>
      %transpose3A_235 = tpu.transpose %get3A_234, [1, 0] : vector<512x1xi32> -> vector<1x512xi32>
      %swap3A_236 = arith.constant 0 : index
      %swap3A_237 = arith.constant 0 : index
      %swap3A_238 = arith.constant 8704 : index
      %swap3A_239 = vector.load %arg3[%swap3A_236, %swap3A_237, %swap3A_238] : memref<1x1x25600xi32, #tpu.memory_space<vmem>>, vector<1x1x512xi32>
      %swap3A_240 = vector.shape_cast %swap3A_239 : vector<1x1x512xi32> to vector<1x512xi32>
      %swap3A_241 = vector.shape_cast %transpose3A_235 : vector<1x512xi32> to vector<1x1x512xi32>
      tpu.vector_store %arg3[%swap3A_236, %swap3A_237, %swap3A_238], %swap3A_241 {strides = array<i32>} : memref<1x1x25600xi32, #tpu.memory_space<vmem>>, vector<1x1x512xi32>,
      %get3A_242 = arith.constant 9216 : index
      %get3A_243 = arith.constant 0 : index
      %get3A_244 = vector.load %arg7[%get3A_242, %get3A_243] : memref<25600x1xi32, #tpu.memory_space<vmem>>, vector<512x1xi32>
      %transpose3A_245 = tpu.transpose %get3A_244, [1, 0] : vector<512x1xi32> -> vector<1x512xi32>
      %swap3A_246 = arith.constant 0 : index
      %swap3A_247 = arith.constant 0 : index
      %swap3A_248 = arith.constant 9216 : index
      %swap3A_249 = vector.load %arg3[%swap3A_246, %swap3A_247, %swap3A_248] : memref<1x1x25600xi32, #tpu.memory_space<vmem>>, vector<1x1x512xi32>
      %swap3A_250 = vector.shape_cast %swap3A_249 : vector<1x1x512xi32> to vector<1x512xi32>
      %swap3A_251 = vector.shape_cast %transpose3A_245 : vector<1x512xi32> to vector<1x1x512xi32>
      tpu.vector_store %arg3[%swap3A_246, %swap3A_247, %swap3A_248], %swap3A_251 {strides = array<i32>} : memref<1x1x25600xi32, #tpu.memory_space<vmem>>, vector<1x1x512xi32>,
      %get3A_252 = arith.constant 9728 : index
      %get3A_253 = arith.constant 0 : index
      %get3A_254 = vector.load %arg7[%get3A_252, %get3A_253] : memref<25600x1xi32, #tpu.memory_space<vmem>>, vector<512x1xi32>
      %transpose3A_255 = tpu.transpose %get3A_254, [1, 0] : vector<512x1xi32> -> vector<1x512xi32>
      %swap3A_256 = arith.constant 0 : index
      %swap3A_257 = arith.constant 0 : index
      %swap3A_258 = arith.constant 9728 : index
      %swap3A_259 = vector.load %arg3[%swap3A_256, %swap3A_257, %swap3A_258] : memref<1x1x25600xi32, #tpu.memory_space<vmem>>, vector<1x1x512xi32>
      %swap3A_260 = vector.shape_cast %swap3A_259 : vector<1x1x512xi32> to vector<1x512xi32>
      %swap3A_261 = vector.shape_cast %transpose3A_255 : vector<1x512xi32> to vector<1x1x512xi32>
      tpu.vector_store %arg3[%swap3A_256, %swap3A_257, %swap3A_258], %swap3A_261 {strides = array<i32>} : memref<1x1x25600xi32, #tpu.memory_space<vmem>>, vector<1x1x512xi32>,
      %get3A_262 = arith.constant 10240 : index
      %get3A_263 = arith.constant 0 : index
      %get3A_264 = vector.load %arg7[%get3A_262, %get3A_263] : memref<25600x1xi32, #tpu.memory_space<vmem>>, vector<512x1xi32>
      %transpose3A_265 = tpu.transpose %get3A_264, [1, 0] : vector<512x1xi32> -> vector<1x512xi32>
      %swap3A_266 = arith.constant 0 : index
      %swap3A_267 = arith.constant 0 : index
      %swap3A_268 = arith.constant 10240 : index
      %swap3A_269 = vector.load %arg3[%swap3A_266, %swap3A_267, %swap3A_268] : memref<1x1x25600xi32, #tpu.memory_space<vmem>>, vector<1x1x512xi32>
      %swap3A_270 = vector.shape_cast %swap3A_269 : vector<1x1x512xi32> to vector<1x512xi32>
      %swap3A_271 = vector.shape_cast %transpose3A_265 : vector<1x512xi32> to vector<1x1x512xi32>
      tpu.vector_store %arg3[%swap3A_266, %swap3A_267, %swap3A_268], %swap3A_271 {strides = array<i32>} : memref<1x1x25600xi32, #tpu.memory_space<vmem>>, vector<1x1x512xi32>,
      %get3A_272 = arith.constant 10752 : index
      %get3A_273 = arith.constant 0 : index
      %get3A_274 = vector.load %arg7[%get3A_272, %get3A_273] : memref<25600x1xi32, #tpu.memory_space<vmem>>, vector<512x1xi32>
      %transpose3A_275 = tpu.transpose %get3A_274, [1, 0] : vector<512x1xi32> -> vector<1x512xi32>
      %swap3A_276 = arith.constant 0 : index
      %swap3A_277 = arith.constant 0 : index
      %swap3A_278 = arith.constant 10752 : index
      %swap3A_279 = vector.load %arg3[%swap3A_276, %swap3A_277, %swap3A_278] : memref<1x1x25600xi32, #tpu.memory_space<vmem>>, vector<1x1x512xi32>
      %swap3A_280 = vector.shape_cast %swap3A_279 : vector<1x1x512xi32> to vector<1x512xi32>
      %swap3A_281 = vector.shape_cast %transpose3A_275 : vector<1x512xi32> to vector<1x1x512xi32>
      tpu.vector_store %arg3[%swap3A_276, %swap3A_277, %swap3A_278], %swap3A_281 {strides = array<i32>} : memref<1x1x25600xi32, #tpu.memory_space<vmem>>, vector<1x1x512xi32>,
      %get3A_282 = arith.constant 11264 : index
      %get3A_283 = arith.constant 0 : index
      %get3A_284 = vector.load %arg7[%get3A_282, %get3A_283] : memref<25600x1xi32, #tpu.memory_space<vmem>>, vector<512x1xi32>
      %transpose3A_285 = tpu.transpose %get3A_284, [1, 0] : vector<512x1xi32> -> vector<1x512xi32>
      %swap3A_286 = arith.constant 0 : index
      %swap3A_287 = arith.constant 0 : index
      %swap3A_288 = arith.constant 11264 : index
      %swap3A_289 = vector.load %arg3[%swap3A_286, %swap3A_287, %swap3A_288] : memref<1x1x25600xi32, #tpu.memory_space<vmem>>, vector<1x1x512xi32>
      %swap3A_290 = vector.shape_cast %swap3A_289 : vector<1x1x512xi32> to vector<1x512xi32>
      %swap3A_291 = vector.shape_cast %transpose3A_285 : vector<1x512xi32> to vector<1x1x512xi32>
      tpu.vector_store %arg3[%swap3A_286, %swap3A_287, %swap3A_288], %swap3A_291 {strides = array<i32>} : memref<1x1x25600xi32, #tpu.memory_space<vmem>>, vector<1x1x512xi32>,
      %get3A_292 = arith.constant 11776 : index
      %get3A_293 = arith.constant 0 : index
      %get3A_294 = vector.load %arg7[%get3A_292, %get3A_293] : memref<25600x1xi32, #tpu.memory_space<vmem>>, vector<512x1xi32>
      %transpose3A_295 = tpu.transpose %get3A_294, [1, 0] : vector<512x1xi32> -> vector<1x512xi32>
      %swap3A_296 = arith.constant 0 : index
      %swap3A_297 = arith.constant 0 : index
      %swap3A_298 = arith.constant 11776 : index
      %swap3A_299 = vector.load %arg3[%swap3A_296, %swap3A_297, %swap3A_298] : memref<1x1x25600xi32, #tpu.memory_space<vmem>>, vector<1x1x512xi32>
      %swap3A_300 = vector.shape_cast %swap3A_299 : vector<1x1x512xi32> to vector<1x512xi32>
      %swap3A_301 = vector.shape_cast %transpose3A_295 : vector<1x512xi32> to vector<1x1x512xi32>
      tpu.vector_store %arg3[%swap3A_296, %swap3A_297, %swap3A_298], %swap3A_301 {strides = array<i32>} : memref<1x1x25600xi32, #tpu.memory_space<vmem>>, vector<1x1x512xi32>,
      %get3A_302 = arith.constant 12288 : index
      %get3A_303 = arith.constant 0 : index
      %get3A_304 = vector.load %arg7[%get3A_302, %get3A_303] : memref<25600x1xi32, #tpu.memory_space<vmem>>, vector<512x1xi32>
      %transpose3A_305 = tpu.transpose %get3A_304, [1, 0] : vector<512x1xi32> -> vector<1x512xi32>
      %swap3A_306 = arith.constant 0 : index
      %swap3A_307 = arith.constant 0 : index
      %swap3A_308 = arith.constant 12288 : index
      %swap3A_309 = vector.load %arg3[%swap3A_306, %swap3A_307, %swap3A_308] : memref<1x1x25600xi32, #tpu.memory_space<vmem>>, vector<1x1x512xi32>
      %swap3A_310 = vector.shape_cast %swap3A_309 : vector<1x1x512xi32> to vector<1x512xi32>
      %swap3A_311 = vector.shape_cast %transpose3A_305 : vector<1x512xi32> to vector<1x1x512xi32>
      tpu.vector_store %arg3[%swap3A_306, %swap3A_307, %swap3A_308], %swap3A_311 {strides = array<i32>} : memref<1x1x25600xi32, #tpu.memory_space<vmem>>, vector<1x1x512xi32>,
      %get3A_312 = arith.constant 12800 : index
      %get3A_313 = arith.constant 0 : index
      %get3A_314 = vector.load %arg7[%get3A_312, %get3A_313] : memref<25600x1xi32, #tpu.memory_space<vmem>>, vector<512x1xi32>
      %transpose3A_315 = tpu.transpose %get3A_314, [1, 0] : vector<512x1xi32> -> vector<1x512xi32>
      %swap3A_316 = arith.constant 0 : index
      %swap3A_317 = arith.constant 0 : index
      %swap3A_318 = arith.constant 12800 : index
      %swap3A_319 = vector.load %arg3[%swap3A_316, %swap3A_317, %swap3A_318] : memref<1x1x25600xi32, #tpu.memory_space<vmem>>, vector<1x1x512xi32>
      %swap3A_320 = vector.shape_cast %swap3A_319 : vector<1x1x512xi32> to vector<1x512xi32>
      %swap3A_321 = vector.shape_cast %transpose3A_315 : vector<1x512xi32> to vector<1x1x512xi32>
      tpu.vector_store %arg3[%swap3A_316, %swap3A_317, %swap3A_318], %swap3A_321 {strides = array<i32>} : memref<1x1x25600xi32, #tpu.memory_space<vmem>>, vector<1x1x512xi32>,
      %get3A_322 = arith.constant 13312 : index
      %get3A_323 = arith.constant 0 : index
      %get3A_324 = vector.load %arg7[%get3A_322, %get3A_323] : memref<25600x1xi32, #tpu.memory_space<vmem>>, vector<512x1xi32>
      %transpose3A_325 = tpu.transpose %get3A_324, [1, 0] : vector<512x1xi32> -> vector<1x512xi32>
      %swap3A_326 = arith.constant 0 : index
      %swap3A_327 = arith.constant 0 : index
      %swap3A_328 = arith.constant 13312 : index
      %swap3A_329 = vector.load %arg3[%swap3A_326, %swap3A_327, %swap3A_328] : memref<1x1x25600xi32, #tpu.memory_space<vmem>>, vector<1x1x512xi32>
      %swap3A_330 = vector.shape_cast %swap3A_329 : vector<1x1x512xi32> to vector<1x512xi32>
      %swap3A_331 = vector.shape_cast %transpose3A_325 : vector<1x512xi32> to vector<1x1x512xi32>
      tpu.vector_store %arg3[%swap3A_326, %swap3A_327, %swap3A_328], %swap3A_331 {strides = array<i32>} : memref<1x1x25600xi32, #tpu.memory_space<vmem>>, vector<1x1x512xi32>,
      %get3A_332 = arith.constant 13824 : index
      %get3A_333 = arith.constant 0 : index
      %get3A_334 = vector.load %arg7[%get3A_332, %get3A_333] : memref<25600x1xi32, #tpu.memory_space<vmem>>, vector<512x1xi32>
      %transpose3A_335 = tpu.transpose %get3A_334, [1, 0] : vector<512x1xi32> -> vector<1x512xi32>
      %swap3A_336 = arith.constant 0 : index
      %swap3A_337 = arith.constant 0 : index
      %swap3A_338 = arith.constant 13824 : index
      %swap3A_339 = vector.load %arg3[%swap3A_336, %swap3A_337, %swap3A_338] : memref<1x1x25600xi32, #tpu.memory_space<vmem>>, vector<1x1x512xi32>
      %swap3A_340 = vector.shape_cast %swap3A_339 : vector<1x1x512xi32> to vector<1x512xi32>
      %swap3A_341 = vector.shape_cast %transpose3A_335 : vector<1x512xi32> to vector<1x1x512xi32>
      tpu.vector_store %arg3[%swap3A_336, %swap3A_337, %swap3A_338], %swap3A_341 {strides = array<i32>} : memref<1x1x25600xi32, #tpu.memory_space<vmem>>, vector<1x1x512xi32>,
      %get3A_342 = arith.constant 14336 : index
      %get3A_343 = arith.constant 0 : index
      %get3A_344 = vector.load %arg7[%get3A_342, %get3A_343] : memref<25600x1xi32, #tpu.memory_space<vmem>>, vector<512x1xi32>
      %transpose3A_345 = tpu.transpose %get3A_344, [1, 0] : vector<512x1xi32> -> vector<1x512xi32>
      %swap3A_346 = arith.constant 0 : index
      %swap3A_347 = arith.constant 0 : index
      %swap3A_348 = arith.constant 14336 : index
      %swap3A_349 = vector.load %arg3[%swap3A_346, %swap3A_347, %swap3A_348] : memref<1x1x25600xi32, #tpu.memory_space<vmem>>, vector<1x1x512xi32>
      %swap3A_350 = vector.shape_cast %swap3A_349 : vector<1x1x512xi32> to vector<1x512xi32>
      %swap3A_351 = vector.shape_cast %transpose3A_345 : vector<1x512xi32> to vector<1x1x512xi32>
      tpu.vector_store %arg3[%swap3A_346, %swap3A_347, %swap3A_348], %swap3A_351 {strides = array<i32>} : memref<1x1x25600xi32, #tpu.memory_space<vmem>>, vector<1x1x512xi32>,
      %get3A_352 = arith.constant 14848 : index
      %get3A_353 = arith.constant 0 : index
      %get3A_354 = vector.load %arg7[%get3A_352, %get3A_353] : memref<25600x1xi32, #tpu.memory_space<vmem>>, vector<512x1xi32>
      %transpose3A_355 = tpu.transpose %get3A_354, [1, 0] : vector<512x1xi32> -> vector<1x512xi32>
      %swap3A_356 = arith.constant 0 : index
      %swap3A_357 = arith.constant 0 : index
      %swap3A_358 = arith.constant 14848 : index
      %swap3A_359 = vector.load %arg3[%swap3A_356, %swap3A_357, %swap3A_358] : memref<1x1x25600xi32, #tpu.memory_space<vmem>>, vector<1x1x512xi32>
      %swap3A_360 = vector.shape_cast %swap3A_359 : vector<1x1x512xi32> to vector<1x512xi32>
      %swap3A_361 = vector.shape_cast %transpose3A_355 : vector<1x512xi32> to vector<1x1x512xi32>
      tpu.vector_store %arg3[%swap3A_356, %swap3A_357, %swap3A_358], %swap3A_361 {strides = array<i32>} : memref<1x1x25600xi32, #tpu.memory_space<vmem>>, vector<1x1x512xi32>,
      %get3A_362 = arith.constant 15360 : index
      %get3A_363 = arith.constant 0 : index
      %get3A_364 = vector.load %arg7[%get3A_362, %get3A_363] : memref<25600x1xi32, #tpu.memory_space<vmem>>, vector<512x1xi32>
      %transpose3A_365 = tpu.transpose %get3A_364, [1, 0] : vector<512x1xi32> -> vector<1x512xi32>
      %swap3A_366 = arith.constant 0 : index
      %swap3A_367 = arith.constant 0 : index
      %swap3A_368 = arith.constant 15360 : index
      %swap3A_369 = vector.load %arg3[%swap3A_366, %swap3A_367, %swap3A_368] : memref<1x1x25600xi32, #tpu.memory_space<vmem>>, vector<1x1x512xi32>
      %swap3A_370 = vector.shape_cast %swap3A_369 : vector<1x1x512xi32> to vector<1x512xi32>
      %swap3A_371 = vector.shape_cast %transpose3A_365 : vector<1x512xi32> to vector<1x1x512xi32>
      tpu.vector_store %arg3[%swap3A_366, %swap3A_367, %swap3A_368], %swap3A_371 {strides = array<i32>} : memref<1x1x25600xi32, #tpu.memory_space<vmem>>, vector<1x1x512xi32>,
      %get3A_372 = arith.constant 15872 : index
      %get3A_373 = arith.constant 0 : index
      %get3A_374 = vector.load %arg7[%get3A_372, %get3A_373] : memref<25600x1xi32, #tpu.memory_space<vmem>>, vector<512x1xi32>
      %transpose3A_375 = tpu.transpose %get3A_374, [1, 0] : vector<512x1xi32> -> vector<1x512xi32>
      %swap3A_376 = arith.constant 0 : index
      %swap3A_377 = arith.constant 0 : index
      %swap3A_378 = arith.constant 15872 : index
      %swap3A_379 = vector.load %arg3[%swap3A_376, %swap3A_377, %swap3A_378] : memref<1x1x25600xi32, #tpu.memory_space<vmem>>, vector<1x1x512xi32>
      %swap3A_380 = vector.shape_cast %swap3A_379 : vector<1x1x512xi32> to vector<1x512xi32>
      %swap3A_381 = vector.shape_cast %transpose3A_375 : vector<1x512xi32> to vector<1x1x512xi32>
      tpu.vector_store %arg3[%swap3A_376, %swap3A_377, %swap3A_378], %swap3A_381 {strides = array<i32>} : memref<1x1x25600xi32, #tpu.memory_space<vmem>>, vector<1x1x512xi32>,
      %get3A_382 = arith.constant 16384 : index
      %get3A_383 = arith.constant 0 : index
      %get3A_384 = vector.load %arg7[%get3A_382, %get3A_383] : memref<25600x1xi32, #tpu.memory_space<vmem>>, vector<512x1xi32>
      %transpose3A_385 = tpu.transpose %get3A_384, [1, 0] : vector<512x1xi32> -> vector<1x512xi32>
      %swap3A_386 = arith.constant 0 : index
      %swap3A_387 = arith.constant 0 : index
      %swap3A_388 = arith.constant 16384 : index
      %swap3A_389 = vector.load %arg3[%swap3A_386, %swap3A_387, %swap3A_388] : memref<1x1x25600xi32, #tpu.memory_space<vmem>>, vector<1x1x512xi32>
      %swap3A_390 = vector.shape_cast %swap3A_389 : vector<1x1x512xi32> to vector<1x512xi32>
      %swap3A_391 = vector.shape_cast %transpose3A_385 : vector<1x512xi32> to vector<1x1x512xi32>
      tpu.vector_store %arg3[%swap3A_386, %swap3A_387, %swap3A_388], %swap3A_391 {strides = array<i32>} : memref<1x1x25600xi32, #tpu.memory_space<vmem>>, vector<1x1x512xi32>,
      %get3A_392 = arith.constant 16896 : index
      %get3A_393 = arith.constant 0 : index
      %get3A_394 = vector.load %arg7[%get3A_392, %get3A_393] : memref<25600x1xi32, #tpu.memory_space<vmem>>, vector<512x1xi32>
      %transpose3A_395 = tpu.transpose %get3A_394, [1, 0] : vector<512x1xi32> -> vector<1x512xi32>
      %swap3A_396 = arith.constant 0 : index
      %swap3A_397 = arith.constant 0 : index
      %swap3A_398 = arith.constant 16896 : index
      %swap3A_399 = vector.load %arg3[%swap3A_396, %swap3A_397, %swap3A_398] : memref<1x1x25600xi32, #tpu.memory_space<vmem>>, vector<1x1x512xi32>
      %swap3A_400 = vector.shape_cast %swap3A_399 : vector<1x1x512xi32> to vector<1x512xi32>
      %swap3A_401 = vector.shape_cast %transpose3A_395 : vector<1x512xi32> to vector<1x1x512xi32>
      tpu.vector_store %arg3[%swap3A_396, %swap3A_397, %swap3A_398], %swap3A_401 {strides = array<i32>} : memref<1x1x25600xi32, #tpu.memory_space<vmem>>, vector<1x1x512xi32>,
      %get3A_402 = arith.constant 17408 : index
      %get3A_403 = arith.constant 0 : index
      %get3A_404 = vector.load %arg7[%get3A_402, %get3A_403] : memref<25600x1xi32, #tpu.memory_space<vmem>>, vector<512x1xi32>
      %transpose3A_405 = tpu.transpose %get3A_404, [1, 0] : vector<512x1xi32> -> vector<1x512xi32>
      %swap3A_406 = arith.constant 0 : index
      %swap3A_407 = arith.constant 0 : index
      %swap3A_408 = arith.constant 17408 : index
      %swap3A_409 = vector.load %arg3[%swap3A_406, %swap3A_407, %swap3A_408] : memref<1x1x25600xi32, #tpu.memory_space<vmem>>, vector<1x1x512xi32>
      %swap3A_410 = vector.shape_cast %swap3A_409 : vector<1x1x512xi32> to vector<1x512xi32>
      %swap3A_411 = vector.shape_cast %transpose3A_405 : vector<1x512xi32> to vector<1x1x512xi32>
      tpu.vector_store %arg3[%swap3A_406, %swap3A_407, %swap3A_408], %swap3A_411 {strides = array<i32>} : memref<1x1x25600xi32, #tpu.memory_space<vmem>>, vector<1x1x512xi32>,
      %get3A_412 = arith.constant 17920 : index
      %get3A_413 = arith.constant 0 : index
      %get3A_414 = vector.load %arg7[%get3A_412, %get3A_413] : memref<25600x1xi32, #tpu.memory_space<vmem>>, vector<512x1xi32>
      %transpose3A_415 = tpu.transpose %get3A_414, [1, 0] : vector<512x1xi32> -> vector<1x512xi32>
      %swap3A_416 = arith.constant 0 : index
      %swap3A_417 = arith.constant 0 : index
      %swap3A_418 = arith.constant 17920 : index
      %swap3A_419 = vector.load %arg3[%swap3A_416, %swap3A_417, %swap3A_418] : memref<1x1x25600xi32, #tpu.memory_space<vmem>>, vector<1x1x512xi32>
      %swap3A_420 = vector.shape_cast %swap3A_419 : vector<1x1x512xi32> to vector<1x512xi32>
      %swap3A_421 = vector.shape_cast %transpose3A_415 : vector<1x512xi32> to vector<1x1x512xi32>
      tpu.vector_store %arg3[%swap3A_416, %swap3A_417, %swap3A_418], %swap3A_421 {strides = array<i32>} : memref<1x1x25600xi32, #tpu.memory_space<vmem>>, vector<1x1x512xi32>,
      %get3A_422 = arith.constant 18432 : index
      %get3A_423 = arith.constant 0 : index
      %get3A_424 = vector.load %arg7[%get3A_422, %get3A_423] : memref<25600x1xi32, #tpu.memory_space<vmem>>, vector<512x1xi32>
      %transpose3A_425 = tpu.transpose %get3A_424, [1, 0] : vector<512x1xi32> -> vector<1x512xi32>
      %swap3A_426 = arith.constant 0 : index
      %swap3A_427 = arith.constant 0 : index
      %swap3A_428 = arith.constant 18432 : index
      %swap3A_429 = vector.load %arg3[%swap3A_426, %swap3A_427, %swap3A_428] : memref<1x1x25600xi32, #tpu.memory_space<vmem>>, vector<1x1x512xi32>
      %swap3A_430 = vector.shape_cast %swap3A_429 : vector<1x1x512xi32> to vector<1x512xi32>
      %swap3A_431 = vector.shape_cast %transpose3A_425 : vector<1x512xi32> to vector<1x1x512xi32>
      tpu.vector_store %arg3[%swap3A_426, %swap3A_427, %swap3A_428], %swap3A_431 {strides = array<i32>} : memref<1x1x25600xi32, #tpu.memory_space<vmem>>, vector<1x1x512xi32>,
      %get3A_432 = arith.constant 18944 : index
      %get3A_433 = arith.constant 0 : index
      %get3A_434 = vector.load %arg7[%get3A_432, %get3A_433] : memref<25600x1xi32, #tpu.memory_space<vmem>>, vector<512x1xi32>
      %transpose3A_435 = tpu.transpose %get3A_434, [1, 0] : vector<512x1xi32> -> vector<1x512xi32>
      %swap3A_436 = arith.constant 0 : index
      %swap3A_437 = arith.constant 0 : index
      %swap3A_438 = arith.constant 18944 : index
      %swap3A_439 = vector.load %arg3[%swap3A_436, %swap3A_437, %swap3A_438] : memref<1x1x25600xi32, #tpu.memory_space<vmem>>, vector<1x1x512xi32>
      %swap3A_440 = vector.shape_cast %swap3A_439 : vector<1x1x512xi32> to vector<1x512xi32>
      %swap3A_441 = vector.shape_cast %transpose3A_435 : vector<1x512xi32> to vector<1x1x512xi32>
      tpu.vector_store %arg3[%swap3A_436, %swap3A_437, %swap3A_438], %swap3A_441 {strides = array<i32>} : memref<1x1x25600xi32, #tpu.memory_space<vmem>>, vector<1x1x512xi32>,
      %get3A_442 = arith.constant 19456 : index
      %get3A_443 = arith.constant 0 : index
      %get3A_444 = vector.load %arg7[%get3A_442, %get3A_443] : memref<25600x1xi32, #tpu.memory_space<vmem>>, vector<512x1xi32>
      %transpose3A_445 = tpu.transpose %get3A_444, [1, 0] : vector<512x1xi32> -> vector<1x512xi32>
      %swap3A_446 = arith.constant 0 : index
      %swap3A_447 = arith.constant 0 : index
      %swap3A_448 = arith.constant 19456 : index
      %swap3A_449 = vector.load %arg3[%swap3A_446, %swap3A_447, %swap3A_448] : memref<1x1x25600xi32, #tpu.memory_space<vmem>>, vector<1x1x512xi32>
      %swap3A_450 = vector.shape_cast %swap3A_449 : vector<1x1x512xi32> to vector<1x512xi32>
      %swap3A_451 = vector.shape_cast %transpose3A_445 : vector<1x512xi32> to vector<1x1x512xi32>
      tpu.vector_store %arg3[%swap3A_446, %swap3A_447, %swap3A_448], %swap3A_451 {strides = array<i32>} : memref<1x1x25600xi32, #tpu.memory_space<vmem>>, vector<1x1x512xi32>,
      %get3A_452 = arith.constant 19968 : index
      %get3A_453 = arith.constant 0 : index
      %get3A_454 = vector.load %arg7[%get3A_452, %get3A_453] : memref<25600x1xi32, #tpu.memory_space<vmem>>, vector<512x1xi32>
      %transpose3A_455 = tpu.transpose %get3A_454, [1, 0] : vector<512x1xi32> -> vector<1x512xi32>
      %swap3A_456 = arith.constant 0 : index
      %swap3A_457 = arith.constant 0 : index
      %swap3A_458 = arith.constant 19968 : index
      %swap3A_459 = vector.load %arg3[%swap3A_456, %swap3A_457, %swap3A_458] : memref<1x1x25600xi32, #tpu.memory_space<vmem>>, vector<1x1x512xi32>
      %swap3A_460 = vector.shape_cast %swap3A_459 : vector<1x1x512xi32> to vector<1x512xi32>
      %swap3A_461 = vector.shape_cast %transpose3A_455 : vector<1x512xi32> to vector<1x1x512xi32>
      tpu.vector_store %arg3[%swap3A_456, %swap3A_457, %swap3A_458], %swap3A_461 {strides = array<i32>} : memref<1x1x25600xi32, #tpu.memory_space<vmem>>, vector<1x1x512xi32>,
      %get3A_462 = arith.constant 20480 : index
      %get3A_463 = arith.constant 0 : index
      %get3A_464 = vector.load %arg7[%get3A_462, %get3A_463] : memref<25600x1xi32, #tpu.memory_space<vmem>>, vector<512x1xi32>
      %transpose3A_465 = tpu.transpose %get3A_464, [1, 0] : vector<512x1xi32> -> vector<1x512xi32>
      %swap3A_466 = arith.constant 0 : index
      %swap3A_467 = arith.constant 0 : index
      %swap3A_468 = arith.constant 20480 : index
      %swap3A_469 = vector.load %arg3[%swap3A_466, %swap3A_467, %swap3A_468] : memref<1x1x25600xi32, #tpu.memory_space<vmem>>, vector<1x1x512xi32>
      %swap3A_470 = vector.shape_cast %swap3A_469 : vector<1x1x512xi32> to vector<1x512xi32>
      %swap3A_471 = vector.shape_cast %transpose3A_465 : vector<1x512xi32> to vector<1x1x512xi32>
      tpu.vector_store %arg3[%swap3A_466, %swap3A_467, %swap3A_468], %swap3A_471 {strides = array<i32>} : memref<1x1x25600xi32, #tpu.memory_space<vmem>>, vector<1x1x512xi32>,
      %get3A_472 = arith.constant 20992 : index
      %get3A_473 = arith.constant 0 : index
      %get3A_474 = vector.load %arg7[%get3A_472, %get3A_473] : memref<25600x1xi32, #tpu.memory_space<vmem>>, vector<512x1xi32>
      %transpose3A_475 = tpu.transpose %get3A_474, [1, 0] : vector<512x1xi32> -> vector<1x512xi32>
      %swap3A_476 = arith.constant 0 : index
      %swap3A_477 = arith.constant 0 : index
      %swap3A_478 = arith.constant 20992 : index
      %swap3A_479 = vector.load %arg3[%swap3A_476, %swap3A_477, %swap3A_478] : memref<1x1x25600xi32, #tpu.memory_space<vmem>>, vector<1x1x512xi32>
      %swap3A_480 = vector.shape_cast %swap3A_479 : vector<1x1x512xi32> to vector<1x512xi32>
      %swap3A_481 = vector.shape_cast %transpose3A_475 : vector<1x512xi32> to vector<1x1x512xi32>
      tpu.vector_store %arg3[%swap3A_476, %swap3A_477, %swap3A_478], %swap3A_481 {strides = array<i32>} : memref<1x1x25600xi32, #tpu.memory_space<vmem>>, vector<1x1x512xi32>,
      %get3A_482 = arith.constant 21504 : index
      %get3A_483 = arith.constant 0 : index
      %get3A_484 = vector.load %arg7[%get3A_482, %get3A_483] : memref<25600x1xi32, #tpu.memory_space<vmem>>, vector<512x1xi32>
      %transpose3A_485 = tpu.transpose %get3A_484, [1, 0] : vector<512x1xi32> -> vector<1x512xi32>
      %swap3A_486 = arith.constant 0 : index
      %swap3A_487 = arith.constant 0 : index
      %swap3A_488 = arith.constant 21504 : index
      %swap3A_489 = vector.load %arg3[%swap3A_486, %swap3A_487, %swap3A_488] : memref<1x1x25600xi32, #tpu.memory_space<vmem>>, vector<1x1x512xi32>
      %swap3A_490 = vector.shape_cast %swap3A_489 : vector<1x1x512xi32> to vector<1x512xi32>
      %swap3A_491 = vector.shape_cast %transpose3A_485 : vector<1x512xi32> to vector<1x1x512xi32>
      tpu.vector_store %arg3[%swap3A_486, %swap3A_487, %swap3A_488], %swap3A_491 {strides = array<i32>} : memref<1x1x25600xi32, #tpu.memory_space<vmem>>, vector<1x1x512xi32>,
      %get3A_492 = arith.constant 22016 : index
      %get3A_493 = arith.constant 0 : index
      %get3A_494 = vector.load %arg7[%get3A_492, %get3A_493] : memref<25600x1xi32, #tpu.memory_space<vmem>>, vector<512x1xi32>
      %transpose3A_495 = tpu.transpose %get3A_494, [1, 0] : vector<512x1xi32> -> vector<1x512xi32>
      %swap3A_496 = arith.constant 0 : index
      %swap3A_497 = arith.constant 0 : index
      %swap3A_498 = arith.constant 22016 : index
      %swap3A_499 = vector.load %arg3[%swap3A_496, %swap3A_497, %swap3A_498] : memref<1x1x25600xi32, #tpu.memory_space<vmem>>, vector<1x1x512xi32>
      %swap3A_500 = vector.shape_cast %swap3A_499 : vector<1x1x512xi32> to vector<1x512xi32>
      %swap3A_501 = vector.shape_cast %transpose3A_495 : vector<1x512xi32> to vector<1x1x512xi32>
      tpu.vector_store %arg3[%swap3A_496, %swap3A_497, %swap3A_498], %swap3A_501 {strides = array<i32>} : memref<1x1x25600xi32, #tpu.memory_space<vmem>>, vector<1x1x512xi32>,
      %get3A_502 = arith.constant 22528 : index
      %get3A_503 = arith.constant 0 : index
      %get3A_504 = vector.load %arg7[%get3A_502, %get3A_503] : memref<25600x1xi32, #tpu.memory_space<vmem>>, vector<512x1xi32>
      %transpose3A_505 = tpu.transpose %get3A_504, [1, 0] : vector<512x1xi32> -> vector<1x512xi32>
      %swap3A_506 = arith.constant 0 : index
      %swap3A_507 = arith.constant 0 : index
      %swap3A_508 = arith.constant 22528 : index
      %swap3A_509 = vector.load %arg3[%swap3A_506, %swap3A_507, %swap3A_508] : memref<1x1x25600xi32, #tpu.memory_space<vmem>>, vector<1x1x512xi32>
      %swap3A_510 = vector.shape_cast %swap3A_509 : vector<1x1x512xi32> to vector<1x512xi32>
      %swap3A_511 = vector.shape_cast %transpose3A_505 : vector<1x512xi32> to vector<1x1x512xi32>
      tpu.vector_store %arg3[%swap3A_506, %swap3A_507, %swap3A_508], %swap3A_511 {strides = array<i32>} : memref<1x1x25600xi32, #tpu.memory_space<vmem>>, vector<1x1x512xi32>,
      %get3A_512 = arith.constant 23040 : index
      %get3A_513 = arith.constant 0 : index
      %get3A_514 = vector.load %arg7[%get3A_512, %get3A_513] : memref<25600x1xi32, #tpu.memory_space<vmem>>, vector<512x1xi32>
      %transpose3A_515 = tpu.transpose %get3A_514, [1, 0] : vector<512x1xi32> -> vector<1x512xi32>
      %swap3A_516 = arith.constant 0 : index
      %swap3A_517 = arith.constant 0 : index
      %swap3A_518 = arith.constant 23040 : index
      %swap3A_519 = vector.load %arg3[%swap3A_516, %swap3A_517, %swap3A_518] : memref<1x1x25600xi32, #tpu.memory_space<vmem>>, vector<1x1x512xi32>
      %swap3A_520 = vector.shape_cast %swap3A_519 : vector<1x1x512xi32> to vector<1x512xi32>
      %swap3A_521 = vector.shape_cast %transpose3A_515 : vector<1x512xi32> to vector<1x1x512xi32>
      tpu.vector_store %arg3[%swap3A_516, %swap3A_517, %swap3A_518], %swap3A_521 {strides = array<i32>} : memref<1x1x25600xi32, #tpu.memory_space<vmem>>, vector<1x1x512xi32>,
      %get3A_522 = arith.constant 23552 : index
      %get3A_523 = arith.constant 0 : index
      %get3A_524 = vector.load %arg7[%get3A_522, %get3A_523] : memref<25600x1xi32, #tpu.memory_space<vmem>>, vector<512x1xi32>
      %transpose3A_525 = tpu.transpose %get3A_524, [1, 0] : vector<512x1xi32> -> vector<1x512xi32>
      %swap3A_526 = arith.constant 0 : index
      %swap3A_527 = arith.constant 0 : index
      %swap3A_528 = arith.constant 23552 : index
      %swap3A_529 = vector.load %arg3[%swap3A_526, %swap3A_527, %swap3A_528] : memref<1x1x25600xi32, #tpu.memory_space<vmem>>, vector<1x1x512xi32>
      %swap3A_530 = vector.shape_cast %swap3A_529 : vector<1x1x512xi32> to vector<1x512xi32>
      %swap3A_531 = vector.shape_cast %transpose3A_525 : vector<1x512xi32> to vector<1x1x512xi32>
      tpu.vector_store %arg3[%swap3A_526, %swap3A_527, %swap3A_528], %swap3A_531 {strides = array<i32>} : memref<1x1x25600xi32, #tpu.memory_space<vmem>>, vector<1x1x512xi32>,
      %get3A_532 = arith.constant 24064 : index
      %get3A_533 = arith.constant 0 : index
      %get3A_534 = vector.load %arg7[%get3A_532, %get3A_533] : memref<25600x1xi32, #tpu.memory_space<vmem>>, vector<512x1xi32>
      %transpose3A_535 = tpu.transpose %get3A_534, [1, 0] : vector<512x1xi32> -> vector<1x512xi32>
      %swap3A_536 = arith.constant 0 : index
      %swap3A_537 = arith.constant 0 : index
      %swap3A_538 = arith.constant 24064 : index
      %swap3A_539 = vector.load %arg3[%swap3A_536, %swap3A_537, %swap3A_538] : memref<1x1x25600xi32, #tpu.memory_space<vmem>>, vector<1x1x512xi32>
      %swap3A_540 = vector.shape_cast %swap3A_539 : vector<1x1x512xi32> to vector<1x512xi32>
      %swap3A_541 = vector.shape_cast %transpose3A_535 : vector<1x512xi32> to vector<1x1x512xi32>
      tpu.vector_store %arg3[%swap3A_536, %swap3A_537, %swap3A_538], %swap3A_541 {strides = array<i32>} : memref<1x1x25600xi32, #tpu.memory_space<vmem>>, vector<1x1x512xi32>,
      %get3A_542 = arith.constant 24576 : index
      %get3A_543 = arith.constant 0 : index
      %get3A_544 = vector.load %arg7[%get3A_542, %get3A_543] : memref<25600x1xi32, #tpu.memory_space<vmem>>, vector<512x1xi32>
      %transpose3A_545 = tpu.transpose %get3A_544, [1, 0] : vector<512x1xi32> -> vector<1x512xi32>
      %swap3A_546 = arith.constant 0 : index
      %swap3A_547 = arith.constant 0 : index
      %swap3A_548 = arith.constant 24576 : index
      %swap3A_549 = vector.load %arg3[%swap3A_546, %swap3A_547, %swap3A_548] : memref<1x1x25600xi32, #tpu.memory_space<vmem>>, vector<1x1x512xi32>
      %swap3A_550 = vector.shape_cast %swap3A_549 : vector<1x1x512xi32> to vector<1x512xi32>
      %swap3A_551 = vector.shape_cast %transpose3A_545 : vector<1x512xi32> to vector<1x1x512xi32>
      tpu.vector_store %arg3[%swap3A_546, %swap3A_547, %swap3A_548], %swap3A_551 {strides = array<i32>} : memref<1x1x25600xi32, #tpu.memory_space<vmem>>, vector<1x1x512xi32>,
      %get3A_552 = arith.constant 25088 : index
      %get3A_553 = arith.constant 0 : index
      %get3A_554 = vector.load %arg7[%get3A_552, %get3A_553] : memref<25600x1xi32, #tpu.memory_space<vmem>>, vector<512x1xi32>
      %transpose3A_555 = tpu.transpose %get3A_554, [1, 0] : vector<512x1xi32> -> vector<1x512xi32>
      %swap3A_556 = arith.constant 0 : index
      %swap3A_557 = arith.constant 0 : index
      %swap3A_558 = arith.constant 25088 : index
      %swap3A_559 = vector.load %arg3[%swap3A_556, %swap3A_557, %swap3A_558] : memref<1x1x25600xi32, #tpu.memory_space<vmem>>, vector<1x1x512xi32>
      %swap3A_560 = vector.shape_cast %swap3A_559 : vector<1x1x512xi32> to vector<1x512xi32>
      %swap3A_561 = vector.shape_cast %transpose3A_555 : vector<1x512xi32> to vector<1x1x512xi32>
      tpu.vector_store %arg3[%swap3A_556, %swap3A_557, %swap3A_558], %swap3A_561 {strides = array<i32>} : memref<1x1x25600xi32, #tpu.memory_space<vmem>>, vector<1x1x512xi32>,
    } else {
    }
    return
  }
  func.func @transform_0(%arg0: i32, %arg1: i32) -> (i32, i32, i32, i32) {
    %c0_i32 = arith.constant 0 : i32
    %c0_i32_0 = arith.constant 0 : i32
    %c0_i32_1 = arith.constant 0 : i32
    %c0_i32_2 = arith.constant 0 : i32
    %c0_i32_3 = arith.constant 0 : i32
    return %c0_i32, %c0_i32_0, %c0_i32_1, %c0_i32_2 : i32, i32, i32, i32
  }
  func.func @transform_1(%arg0: i32, %arg1: i32) -> (i32, i32, i32) {
    %c0_i32 = arith.constant 0 : i32
    %c0_i32_0 = arith.constant 0 : i32
    %c0_i32_1 = arith.constant 0 : i32
    %c0_i32_2 = arith.constant 0 : i32
    return %c0_i32, %c0_i32_0, %c0_i32_1 : i32, i32, i32
  }
}

</mosaic_0001>

<sc_bundles>
// kernel: kernel.10.cloned.1.call-start
scs
__scs_entry_jumppad:
0x0: {  	(pc) =	sbr.rel $0x88, $3  }
0x1: {  	(tag) =	ssettag $0x0;
	lr =	simm.s32 $0x1  }
0x2: {  	[smem:$0x3FA0] =	sst lr;
	_ =	strace $0xD0000000  }
0x3: {  	_ = 	snop  }
0x4: {  	_ = 	snop  }
0x5: {  	_ = 	snop  }
0x6: {  	_ = 	snop  }
0x7: {  	_ = 	snop  }
__scs_overlays_trampoline_lowered:
0x8: {  	[smem:$0x3FAF] =	sst s0  }
0x9: {  	[smem:$0x3FB0] =	sst s1  }
0xa: {  	[smem:$0x3FB1] =	sst s2  }
0xb: {  	[smem:$0x3FB2] =	sst s3  }
0xc: {  	[smem:$0x3FB3] =	sst s4  }
0xd: {  	[smem:$0x3FB4] =	sst s5  }
0xe: {  	[smem:$0x3FB5] =	sst s6  }
0xf: {  	[smem:$0x3FB6] =	sst s7  }
0x10: {  	[smem:$0x3FB7] =	sst s8  }
0x11: {  	[smem:$0x3FB8] =	sst s9;
	s0 =	simm.s32 @!p0 $0x0  }
0x12: {  	s1 =	sld [smem:$0x3F9E];
	s0 =	simm.s32 @p0 $0x1  }
0x13: {  	[smem:$0x3FB9] =	sst s0;
	s0 =	simm.s32 @!p1 $0x0  }
0x14: {  	s2 =	sld [smem:$0x3F9D];
	s0 =	simm.s32 @p1 $0x1  }
0x15: {  	[smem:$0x3FBA] =	sst s0;
	s0 =	simm.s32 @!p2 $0x0  }
0x16: {  	s3 =	sld [smem:$0x3FDB];
	s0 =	simm.s32 @p2 $0x1  }
0x17: {  	s4 =	simm.s32 $0x1BF5;
	[smem:$0x3FBC] =	sst s0  }
0x18: {  	s0 =	sld [smem:$0x3F9F];
	_ =	swait.ge [sflag:s4], $0x0  }
0x19: {  	s7 =	sld [smem:$0x3FA0]  }
0x1a: {  	s8 =	sadd.s32 $0xFFFFE003, lr  }
0x1b: {  	s9 =	sadd.s32 $0xFFFFFEF7, lr;
	s5 =	simm.s32 $0xFFFFFFFF;
	p2 =	slt.u32 s8, $0xFFFFF086  }
0x1c: {  	p1 =	slt.u32 s9, $0xF7A;
	s5 =	simm.s32 @!p2 $0x0  }
0x1d: {  	s5 =	simm.s32 @p1 $0x1;
	p0 =	seq.s32 s7, s2  }
0x1e: {  	s7 =	smul.u32 @!p0 $0xF7A, s2;
	p2 =	seq.s32 @!p0 s5, $0x0  }
0x1f: {  	s9 =	smul.u32 $0xF7A, s1;
	s8 =	simm.s32 @!p0 $0x1BF5;
	p2 =	por !p2, p0  }
0x20: {  	[sflag:s8] =	ssyncset.s32 @!p0 $0xFFFFF086;
	s6 =	sadd.s32 @!p0 s3, s7;
	s7 =	simm.s32 @!p0 $0x108  }
0x21: {  	s3 =	sadd.s32 s3, s9;
	s6 =	sadd.s32 @!p0 $0x88, s6;
	s7 =	simm.s32 @p2 $0x1082  }
0x22: {  	[simem:s7], [sflag:s8] =	dma.local @!p0 [hbm:s6], $0xF7A  }
0x23: {  	s9 =	sor.u32 $0xD0000000, s2;
	s6 =	simm.s32 $0x108;
	_ =	swait.ge @!p0 [sflag:s8], $0x0  }
0x24: {  	s3 =	sadd.s32 $0x88, s3;
	s6 =	simm.s32 @!p1 $0x1082;
	[sflag:s4] =	ssyncset.s32 $0xFFFFF086  }
0x25: {  	[simem:s6], [sflag:s4] =	dma.local [hbm:s3], $0xF7A  }
0x26: {  	[smem:$0x3FA0] =	sst s1;
	(tag) =	ssettag s2;
	_ =	strace s9  }
0x27: {  	s1 =	sld [smem:$0x3FB0]  }
0x28: {  	s2 =	sld [smem:$0x3FB1]  }
0x29: {  	s4 =	sld [smem:$0x3FB3]  }
0x2a: {  	p0 =	seq.s32 s5, $0x0;
	s5 =	sld [smem:$0x3FB4]  }
0x2b: {  	s6 =	sld [smem:$0x3FB5]  }
0x2c: {  	s7 =	sld [smem:$0x3FB6]  }
0x2d: {  	s3 =	simm.s32 $0x108;
	s8 =	sld [smem:$0x3FB7]  }
0x2e: {  	s3 =	simm.s32 @!p0 $0x1082;
	s9 =	sld [smem:$0x3FB8]  }
0x2f: {  	lr =	sadd.s32 s0, s3;
	s0 =	sld [smem:$0x3FAF]  }
0x30: {  	s3 =	sld [smem:$0x3FB2]  }
0x31: {  	[smem:$0x3FBB] =	sst s10  }
0x32: {  	s10 =	sld [smem:$0x3FB9];
	_ =	sdelay $0x3  }
0x33: {  	p0 =	seq.s32 s10, $0x1;
	s10 =	sld [smem:$0x3FBB];
	_ =	sdelay $0x3  }
0x34: {  	[smem:$0x3FBB] =	sst s10  }
0x35: {  	s10 =	sld [smem:$0x3FBA];
	_ =	sdelay $0x3  }
0x36: {  	p1 =	seq.s32 s10, $0x1;
	s10 =	sld [smem:$0x3FBB];
	_ =	sdelay $0x3  }
0x37: {  	[smem:$0x3FBB] =	sst s10  }
0x38: {  	s10 =	sld [smem:$0x3FBC]  }
0x39: {  	_ = 	snop;
	(pc) =	sbr.ind lr, $3  }
0x3a: {  	_ = 	snop  }
0x3b: {  	_ = 	snop  }
0x3c: {  	p2 =	seq.s32 s10, $0x1;
	s10 =	sld [smem:$0x3FBB]  }
0x3d: {  	_ =	shalt  }
0x3e: {  	_ =	shalt  }
0x3f: {  	_ =	shalt  }
0x40: {  	_ =	shalt  }
0x41: {  	_ =	shalt  }
0x42: {  	_ =	shalt  }
0x43: {  	_ =	shalt  }
0x44: {  	_ =	shalt  }
0x45: {  	_ =	shalt  }
0x46: {  	_ =	shalt  }
0x47: {  	_ =	shalt  }
0x48: {  	_ =	shalt  }
0x49: {  	_ =	shalt  }
0x4a: {  	_ =	shalt  }
0x4b: {  	_ =	shalt  }
0x4c: {  	_ =	shalt  }
0x4d: {  	_ =	shalt  }
0x4e: {  	_ =	shalt  }
0x4f: {  	_ =	shalt  }
0x50: {  	_ =	shalt  }
0x51: {  	_ =	shalt  }
0x52: {  	_ =	shalt  }
0x53: {  	_ =	shalt  }
0x54: {  	_ =	shalt  }
0x55: {  	_ =	shalt  }
0x56: {  	_ =	shalt  }
0x57: {  	_ =	shalt  }
0x58: {  	_ =	shalt  }
0x59: {  	_ =	shalt  }
0x5a: {  	_ =	shalt  }
0x5b: {  	_ =	shalt  }
0x5c: {  	_ =	shalt  }
0x5d: {  	_ =	shalt  }
0x5e: {  	_ =	shalt  }
0x5f: {  	_ =	shalt  }
0x60: {  	_ =	shalt  }
0x61: {  	_ =	shalt  }
0x62: {  	_ =	shalt  }
0x63: {  	_ =	shalt  }
0x64: {  	_ =	shalt  }
0x65: {  	_ =	shalt  }
0x66: {  	_ =	shalt  }
0x67: {  	_ =	shalt  }
0x68: {  	_ =	shalt  }
0x69: {  	_ =	shalt  }
0x6a: {  	_ =	shalt  }
0x6b: {  	_ =	shalt  }
0x6c: {  	_ =	shalt  }
0x6d: {  	_ =	shalt  }
0x6e: {  	_ =	shalt  }
0x6f: {  	_ =	shalt  }
0x70: {  	_ =	shalt  }
0x71: {  	_ =	shalt  }
0x72: {  	_ =	shalt  }
0x73: {  	_ =	shalt  }
0x74: {  	_ =	shalt  }
0x75: {  	_ =	shalt  }
0x76: {  	_ =	shalt  }
0x77: {  	_ =	shalt  }
0x78: {  	_ =	shalt  }
0x79: {  	_ =	shalt  }
0x7a: {  	_ =	shalt  }
0x7b: {  	_ =	shalt  }
0x7c: {  	_ =	shalt  }
0x7d: {  	_ =	shalt  }
0x7e: {  	_ =	shalt  }
0x7f: {  	_ =	shalt  }
0x80: {  	_ =	shalt  }
0x81: {  	_ =	shalt  }
0x82: {  	_ =	shalt  }
0x83: {  	_ =	shalt  }
0x84: {  	_ =	shalt  }
0x85: {  	_ =	shalt  }
0x86: {  	_ =	shalt  }
0x87: {  	_ =	shalt  }
.Lfunc_end0:
.L_simem_size_0:
called_computation.1_lowered:
.L_overlay_start_0:
0x88: {  	s2 =	sld [smem:$0x3FD9]  }
0x89: {  	s3 =	sld [smem:$0x3FFE];
	_ =	sdelay $0x1  }
0x8a: {  	s1 =	srdreg.scid  }
0x8b: {  	s0 =	sand.u32 $0x1, s1  }
0x8c: {  	s15 =	sshll.u32 s0, $0xA;
	s2 =	sadd.s32 s3, s2  }
0x8d: {  	s2 =	sadd.s32 s2, s15  }
0x8e: {  	[smem:$0x3FC7] =	sst s2  }
0x8f: {  	_ = 	snop  }
0x90: {  	s2 =	sld [smem:$0x3FD0];
	_ =	sdelay $0x2  }
0x91: {  	s16 =	simm.s32 $0xB;
	s4 =	simm.s32 $0x10  }
0x92: {  	[smem:s4], [sflag:s16] =	dma.local [hbm:s2], $0x1  }
0x93: {  	_ =	swait.eq [sflag:s16], $0x1  }
0x94: {  	[sflag:s16] =	ssyncset.done $0x0  }
0x95: {  	[sflag:s16] =	ssyncadd.s32 $0xFFFFFFFF  }
0x96: {  	s17 =	sld [smem:$0x10];
	(tm) =	ssettm $0x1  }
0x97: {  	s18 =	sld [smem:$0x3FFB];
	_ =	sdelay $0x3  }
0x98: {  	_ =	strace s18  }
0x99: {  	s2 =	sld [smem:$0x3FFC];
	_ =	sdelay $0x3  }
0x9a: {  	_ =	strace s2  }
0x9b: {  	s2 =	sld [smem:$0x3FFD];
	_ =	sdelay $0x3  }
0x9c: {  	_ =	strace s2  }
0x9d: {  	_ =	strace $0x8FFFFFFF  }
0x9e: {  	s19 =	sld [smem:$0x3FDB];
	_ =	sdelay $0x1  }
0x9f: {  	s20 =	simm.s32 $_scs_section_size  }
0xa0: {  	s5 =	simm.s32 $_size__tile_overlayer_lowered;
	s6 =	simm.s32 $_tile_overlayer_lowered  }
0xa1: {  	s7 =	simm.s32 $0x1BFF;
	s21 =	sshll.u32 s6, $0x1;
	s4 =	sadd.s32 s20, s19  }
0xa2: {  	s22 =	simm.s32 $0x0;
	s5 =	sshll.u32 s5, $0x1;
	s6 =	sadd.s32 s21, s4  }
0xa3: {  	[timem:s22], [sflag:s7] =	dma.local [hbm:s6], s5  }
0xa4: {  	_ =	swait.ge [sflag:s7], s5  }
0xa5: {  	s5 =	ssub.s32 $0x0, s5;
	[sflag:s7] =	ssyncset.done $0x0  }
0xa6: {  	[sflag:s7] =	ssyncadd.s32 s5;
	_ =	sdelay $0x1  }
0xa7: {  	s23 =	simm.s32 $0x1B8B  }
0xa8: {  	_ =	swait.ge [sflag:s23], $0x1  }
0xa9: {  	[sflag:s23] =	ssyncset.done $0x0  }
0xaa: {  	[sflag:s23] =	ssyncadd.s32 $0xFFFFFFFF  }
0xab: {  	s5 =	sld [smem:$0x0]  }
0xac: {  	s6 =	sand.u32 $0xFFFFFFFE, s1  }
0xad: {  	p0 =	sne.s32 s1, s6  }
0xae: {  	s6 =	sshll.u32 @p0 s6, $0xE  }
0xaf: {  	s6 =	sadd.s32 @p0 $0x11B8D, s6;
	s7 =	sshll.u32 @p0 s5, $0x11  }
0xb0: {  	s6 =	sor.u32 @p0 s7, s6  }
0xb1: {  	[sflag:s6] =	ssyncadd.remote.s32 @p0 $0x1;
	_ =	sdelay $0x1  }
0xb2: {  	s6 =	simm.s32 @p0 $0x1B8D  }
0xb3: {  	_ =	swait.eq @p0 [sflag:s6], $0x1  }
0xb4: {  	[sflag:s6] =	ssyncadd.s32 @p0 $0xFFFFFFFF  }
0xb5: {  	s7 =	sshll.u32 @!p0 s1, $0xE  }
0xb6: {  	s7 =	sor.u32 @!p0 $0x4000, s7;
	s6 =	simm.s32 @!p0 $0x1B8D  }
0xb7: {  	s5 =	sshll.u32 @!p0 s5, $0x11;
	s7 =	sadd.s32 @!p0 $0x11B8D, s7;
	_ =	swait.eq @!p0 [sflag:s6], $0x1  }
0xb8: {  	s5 =	sor.u32 @!p0 s5, s7;
	[sflag:s6] =	ssyncadd.s32 @!p0 $0xFFFFFFFF  }
0xb9: {  	s25 =	simm.s32 $0x1B8E;
	s24 =	sld [smem:$0x3FFE];
	[sflag:s5] =	ssyncadd.remote.s32 @!p0 $0x1  }
0xba: {  	s26 =	simm.s32 $execute0_lowered;
	[smem:$0x3FD2] =	sst s25  }
0xbb: {  	s6 =	sshll.u32 s26, $0x1;
	_ =	strace $0x80000050;
	[dreg:$0x1] =	wrdreg $0xFFFFFFFF  }
0xbc: {  	s28 =	simm.s32 $_size_execute0_lowered;
	s4 =	sadd.s32 s4, s6;
	[dreg:$0x0] =	wrdreg $0x0  }
0xbd: {  	s6 =	sshll.u32 s28, $0x1;
	[dreg:$0x2] =	wrdreg s4  }
0xbe: {  	[dreg:$0x3] =	wrdreg s6  }
0xbf: {  	[dreg:$0x4] =	wrdreg $0xC0  }
0xc0: {  	_ =	task [dreg:s22], $0x5FFFF  }
0xc1: {  	[dreg:$0x1] =	wrdreg $0xFFFFFFFF  }
0xc2: {  	[dreg:$0x0] =	wrdreg $0x60  }
0xc3: {  	[dreg:$0x2] =	wrdreg s24  }
0xc4: {  	[dreg:$0x3] =	wrdreg s17  }
0xc5: {  	[dreg:$0x4] =	wrdreg $0xA  }
0xc6: {  	_ =	task.clear_ibuf [dreg:s22], $0x5FFFF;
	_ =	strace $0x90000050  }
0xc7: {  	s29 =	simm.s32 $0xA;
	_ =	strace $0x80000059  }
0xc8: {  	_ =	swait.ge [sflag:s29], $0x1  }
0xc9: {  	[sflag:s29] =	ssyncadd.s32 $0xFFFFFFFF  }
0xca: {  	_ =	strace $0x90000059  }
0xcb: {  	_ =	sfence  }
0xcc: {  	s30 =	sld [smem:$0x0];
	_ =	sdelay $0x2  }
0xcd: {  	s31 =	sshll.u32 s1, $0xD;
	s1 =	sshrl.u32 s1, $0x2  }
0xce: {  	s4 =	sand.u32 $0x4000, s31;
	s1 =	sadd.s32 s1, s30  }
0xcf: {  	s0 =	sor.u32 s4, s0;
	s1 =	sshll.u32 s1, $0x11  }
0xd0: {  	s0 =	sor.u32 s1, s0  }
0xd1: {  	s0 =	sadd.s32 $0x8F2B, s0  }
0xd2: {  	[sflag:s0] =	ssyncadd.remote.s32 $0x1  }
0xd3: {  	_ =	sfence.sel $0xFFFF  }
0xd4: {  	[dreg:$0x0] =	wrdreg $0xFFFFFFFF;
	(pc) =	sbr.abs _section_cstart, $3  }
0xd5: {  	[dreg:$0x1] =	wrdreg $0xFFFFFFFF  }
0xd6: {  	_ =	task.clear_ibuf [dreg:s22], $0x2FFFF;
	_ =	strace $0x9FFFFFFF  }
0xd7: {  	(tm) =	ssettm $0x7FFFFFFF  }
tec
execute0_lowered:
.L_overlay_start_1:
0x0: {  	(tag) =	ssettag $0x1  }
0x1: {  	s0 =	srdreg.scid;
	s5 =	rddreg [dreg:$0x0]  }
0x2: {  	s1 =	rddreg [dreg:$0x1];
	s6 =	sand.u32 $0x1, s0  }
0x3: {  	s10 =	simm.s32 $0x5;
	s0 =	stileid.u32;
	s2 =	sshll.u32 s6, $0x4  }
0x4: {  	s11 =	simm.s32 $0x0;
	[dreg:$0x3] =	wrdreg s1;
	s3 =	sor.u32 s0, s2  }
0x5: {  	s1 =	rddreg [dreg:$0x2];
	s31 =	ssub.s32 $0x2, s6;
	s4 =	smul.u32 $0x6, s3  }
0x6: {  	s6 =	simm.s32 $0x7;
	s2 =	simm.s32 $0x0;
	s7 =	smul.u32 $0x7, s3  }
0x7: {  	s9 =	sshrl.u32 s31, $0x1;
	p0 =	slt.u32 s3, $0x4;
	s3 =	sadd.s32 $0x4, s4  }
0x8: {  	[smem:$0x7FF] =	sst s2;
	s9 =	ssub.s32 s31, s9;
	s3 =	smov.u32 @p0 s7  }
0x9: {  	v2 =	vlaneseq.u32;
	_ =	strace $0x80000051;
	s4 =	sadd.s32 $0x311200, s5;
	s8 =	sshll.u32 s3, $0x4  }
0xa: {  	vm0 =	vmmov $0xffff;
	v1 =	vshrl.u32 v2, $0x3;
	s6 =	simm.s32 @!p0 $0x6;
	s5 =	sadd.s32 $0xC6000, s5;
	s8 =	sand.u32 $0x1FFFFFF0, s8  }
0xb: {  	v0 =	vand.u32 $0x7, v2;
	v2 =	vor.u32 $0x8, v2;
	v1 =	vmul.u32 $0x8, v1;
	s9 =	smax.u32 s9, $0x1;
	s7 =	sadd.s32 s5, s8;
	s8 =	sadd.s32 $0xFFFFFFFF, s6  }
.LBB2_1:
0xc: {  	_ =	strace $0x80000052;
	s13 =	simm.s32 $0x0  }
0xd: {  	s12 =	simm.s32 $0x0;
	s14 =	simm.s32 $0x0;
	s15 =	simm.s32 $0x0  }
0xe: {  	[tilespmem:s2], [sflag:$0x1] =	stream.linear.gather [hbm4b:s7+s2], $0x80, $0x200038;
	[tilespmem:$0x10100] =	vst v63  }
0xf: {  	s16 =	simm.s32 $0x1;
	s17 =	simm.s32 $0x0;
	_ =	strace $0x90000052  }
.LBB2_2:
0x10: {  	s18 =	smov.u32 s13;
	s13 =	sadd.s32 $0x1, s13  }
0x11: {  	p0 =	seq.s32 s13, s6  }
0x12: {  	s13 =	simm.s32 @p0 $0x0  }
0x13: {  	p6 =	slt.u32 s17, s8;
	p1 =	sne.s32 s18, s13  }
0x14: {  	p0 =	por !p6, !p1  }
0x15: {  	p0 =	por !p0, !p0  }
0x16: {  	s19 =	sadd.s32 @p0 s3, s13  }
0x17: {  	s20 =	sand.u32 @p0 $0x1, s16;
	s19 =	sshll.u32 @p0 s19, $0x4  }
0x18: {  	_ =	strace @p0 $0x80000053;
	s22 =	simm.s32 @p0 $0x0;
	s19 =	sand.u32 @p0 $0x1FFFFFF0, s19  }
0x19: {  	s21 =	sshll.u32 @p0 s20, $0x7;
	s20 =	sadd.s32 @p0 $0x1, s20;
	s19 =	sadd.s32 @p0 s5, s19  }
0x1a: {  	[tilespmem:s21], [sflag:s20] =	stream.linear.gather @p0 [hbm4b:s19+s22], $0x80, $0x200038;
	[tilespmem:$0x10100] =	vst v63  }
0x1b: {  	s23 =	sand.u32 $0x1, s15;
	_ =	strace @p0 $0x90000053  }
0x1c: {  	s19 =	sadd.s32 $0x1, s23;
	_ =	strace $0x80000054  }
0x1d: {  	_ =	swait.ge [sflag:s19], $0x80  }
0x1e: {  	[sflag:s19] =	ssyncset.done $0x0  }
0x1f: {  	[sflag:s19] =	ssyncadd.s32 $0xFFFFFF80  }
0x20: {  	s24 =	sshll.u32 s15, $0x7;
	_ =	strace $0x90000054  }
0x21: {  	s22 =	sand.u32 $0x80, s24;
	_ =	strace $0x80000055  }
0x22: {  	v3 =	vld [tilespmem:s22+$0x0];
	_ =	sdelay $0x4  }
0x23: {  	v4 =	vshll.u32 v3, $0x1  }
0x24: {  	v3 =	vand.u32 $0x7, v3;
	v4 =	vand.u32 $0xFFFFFFF0, v4  }
0x25: {  	v3 =	vor.u32 v3, v4  }
0x26: {  	v4 =	vperm.xlane v3, v0;
	_ =	sdelay $0x1  }
0x27: {  	v3 =	vperm.xlane v3, v2;
	v4 =	vadd.s32 v1, v4;
	_ =	sdelay $0x1  }
0x28: {  	s19 =	sand.u32 $0x1, s14;
	v3 =	vadd.s32 v1, v3  }
0x29: {  	s21 =	sshll.u32 s19, $0xF  }
0x2a: {  	s20 =	sor.u32 $0x100, s21  }
0x2b: {  	[tilespmem:s20], [sflag:$0x5] =	stream.indirect_vreg.gather [hbm4b:s4+s2], $0x80, v4, vm0, $0x2000b8;
	[tilespmem:$0x10100] =	vst v63  }
0x2c: {  	s23 =	sor.u32 $0x900, s21  }
0x2d: {  	[tilespmem:s23], [sflag:$0x5] =	stream.indirect_vreg.gather [hbm4b:s4+s2], $0x80, v3, vm0, $0x2000b8;
	[tilespmem:$0x10100] =	vst v63  }
0x2e: {  	v3 =	vld [tilespmem:s22+$0x10];
	_ =	sdelay $0x4  }
0x2f: {  	v57 =	vshll.u32 v3, $0x1  }
0x30: {  	v3 =	vand.u32 $0x7, v3;
	v4 =	vand.u32 $0xFFFFFFF0, v57  }
0x31: {  	v3 =	vor.u32 v3, v4  }
0x32: {  	v4 =	vperm.xlane v3, v0;
	_ =	sdelay $0x1  }
0x33: {  	v3 =	vperm.xlane v3, v2;
	v4 =	vadd.s32 v1, v4;
	_ =	sdelay $0x1  }
0x34: {  	v3 =	vadd.s32 v1, v3;
	_ =	sdelay $0x1  }
0x35: {  	s25 =	sor.u32 $0x1100, s21  }
0x36: {  	[tilespmem:s25], [sflag:$0x5] =	stream.indirect_vreg.gather [hbm4b:s4+s2], $0x80, v4, vm0, $0x2000b8;
	[tilespmem:$0x10100] =	vst v63  }
0x37: {  	s26 =	sor.u32 $0x1900, s21  }
0x38: {  	[tilespmem:s26], [sflag:$0x5] =	stream.indirect_vreg.gather [hbm4b:s4+s2], $0x80, v3, vm0, $0x2000b8;
	[tilespmem:$0x10100] =	vst v63  }
0x39: {  	v3 =	vld [tilespmem:s22+$0x20];
	_ =	sdelay $0x4  }
0x3a: {  	v58 =	vshll.u32 v3, $0x1  }
0x3b: {  	v3 =	vand.u32 $0x7, v3;
	v4 =	vand.u32 $0xFFFFFFF0, v58  }
0x3c: {  	v3 =	vor.u32 v3, v4  }
0x3d: {  	v4 =	vperm.xlane v3, v0;
	_ =	sdelay $0x1  }
0x3e: {  	v3 =	vperm.xlane v3, v2;
	v4 =	vadd.s32 v1, v4;
	_ =	sdelay $0x1  }
0x3f: {  	v3 =	vadd.s32 v1, v3;
	_ =	sdelay $0x1  }
0x40: {  	s28 =	sor.u32 $0x2100, s21  }
0x41: {  	[tilespmem:s28], [sflag:$0x5] =	stream.indirect_vreg.gather [hbm4b:s4+s2], $0x80, v4, vm0, $0x2000b8;
	[tilespmem:$0x10100] =	vst v63  }
0x42: {  	s29 =	sor.u32 $0x2900, s21  }
0x43: {  	[tilespmem:s29], [sflag:$0x5] =	stream.indirect_vreg.gather [hbm4b:s4+s2], $0x80, v3, vm0, $0x2000b8;
	[tilespmem:$0x10100] =	vst v63  }
0x44: {  	v3 =	vld [tilespmem:s22+$0x30];
	_ =	sdelay $0x4  }
0x45: {  	v59 =	vshll.u32 v3, $0x1  }
0x46: {  	v3 =	vand.u32 $0x7, v3;
	v4 =	vand.u32 $0xFFFFFFF0, v59  }
0x47: {  	v3 =	vor.u32 v3, v4  }
0x48: {  	v4 =	vperm.xlane v3, v0;
	_ =	sdelay $0x1  }
0x49: {  	v3 =	vperm.xlane v3, v2;
	v4 =	vadd.s32 v1, v4;
	_ =	sdelay $0x1  }
0x4a: {  	v3 =	vadd.s32 v1, v3;
	_ =	sdelay $0x1  }
0x4b: {  	s30 =	sor.u32 $0x3100, s21  }
0x4c: {  	[tilespmem:s30], [sflag:$0x5] =	stream.indirect_vreg.gather [hbm4b:s4+s2], $0x80, v4, vm0, $0x2000b8;
	[tilespmem:$0x10100] =	vst v63  }
0x4d: {  	s31 =	sor.u32 $0x3900, s21  }
0x4e: {  	[tilespmem:s31], [sflag:$0x5] =	stream.indirect_vreg.gather [hbm4b:s4+s2], $0x80, v3, vm0, $0x2000b8;
	[tilespmem:$0x10100] =	vst v63  }
0x4f: {  	v3 =	vld [tilespmem:s22+$0x40];
	_ =	sdelay $0x4  }
0x50: {  	v60 =	vshll.u32 v3, $0x1  }
0x51: {  	v3 =	vand.u32 $0x7, v3;
	v4 =	vand.u32 $0xFFFFFFF0, v60  }
0x52: {  	v3 =	vor.u32 v3, v4  }
0x53: {  	v4 =	vperm.xlane v3, v0;
	_ =	sdelay $0x1  }
0x54: {  	v3 =	vperm.xlane v3, v2;
	v4 =	vadd.s32 v1, v4;
	_ =	sdelay $0x1  }
0x55: {  	v3 =	vadd.s32 v1, v3;
	_ =	sdelay $0x1  }
0x56: {  	s24 =	sor.u32 $0x4100, s21  }
0x57: {  	[tilespmem:s24], [sflag:$0x5] =	stream.indirect_vreg.gather [hbm4b:s4+s2], $0x80, v4, vm0, $0x2000b8;
	[tilespmem:$0x10100] =	vst v63  }
0x58: {  	s25 =	sor.u32 $0x4900, s21  }
0x59: {  	[tilespmem:s25], [sflag:$0x5] =	stream.indirect_vreg.gather [hbm4b:s4+s2], $0x80, v3, vm0, $0x2000b8;
	[tilespmem:$0x10100] =	vst v63  }
0x5a: {  	v3 =	vld [tilespmem:s22+$0x50];
	_ =	sdelay $0x4  }
0x5b: {  	v61 =	vshll.u32 v3, $0x1  }
0x5c: {  	v3 =	vand.u32 $0x7, v3;
	v4 =	vand.u32 $0xFFFFFFF0, v61  }
0x5d: {  	v3 =	vor.u32 v3, v4  }
0x5e: {  	v4 =	vperm.xlane v3, v0;
	_ =	sdelay $0x1  }
0x5f: {  	v3 =	vperm.xlane v3, v2;
	v4 =	vadd.s32 v1, v4;
	_ =	sdelay $0x1  }
0x60: {  	v3 =	vadd.s32 v1, v3;
	_ =	sdelay $0x1  }
0x61: {  	s26 =	sor.u32 $0x5100, s21  }
0x62: {  	[tilespmem:s26], [sflag:$0x5] =	stream.indirect_vreg.gather [hbm4b:s4+s2], $0x80, v4, vm0, $0x2000b8;
	[tilespmem:$0x10100] =	vst v63  }
0x63: {  	s28 =	sor.u32 $0x5900, s21  }
0x64: {  	[tilespmem:s28], [sflag:$0x5] =	stream.indirect_vreg.gather [hbm4b:s4+s2], $0x80, v3, vm0, $0x2000b8;
	[tilespmem:$0x10100] =	vst v63  }
0x65: {  	v3 =	vld [tilespmem:s22+$0x60];
	_ =	sdelay $0x4  }
0x66: {  	v62 =	vshll.u32 v3, $0x1  }
0x67: {  	v3 =	vand.u32 $0x7, v3;
	v4 =	vand.u32 $0xFFFFFFF0, v62  }
0x68: {  	v3 =	vor.u32 v3, v4  }
0x69: {  	v4 =	vperm.xlane v3, v0;
	_ =	sdelay $0x1  }
0x6a: {  	v3 =	vperm.xlane v3, v2;
	v4 =	vadd.s32 v1, v4;
	_ =	sdelay $0x1  }
0x6b: {  	v3 =	vadd.s32 v1, v3;
	_ =	sdelay $0x1  }
0x6c: {  	s29 =	sor.u32 $0x6100, s21  }
0x6d: {  	[tilespmem:s29], [sflag:$0x5] =	stream.indirect_vreg.gather [hbm4b:s4+s2], $0x80, v4, vm0, $0x2000b8;
	[tilespmem:$0x10100] =	vst v63  }
0x6e: {  	s30 =	sor.u32 $0x6900, s21  }
0x6f: {  	[tilespmem:s30], [sflag:$0x5] =	stream.indirect_vreg.gather [hbm4b:s4+s2], $0x80, v3, vm0, $0x2000b8;
	[tilespmem:$0x10100] =	vst v63  }
0x70: {  	v3 =	vld [tilespmem:s22+$0x70];
	_ =	sdelay $0x4  }
0x71: {  	v63 =	vshll.u32 v3, $0x1  }
0x72: {  	v3 =	vand.u32 $0x7, v3;
	v4 =	vand.u32 $0xFFFFFFF0, v63  }
0x73: {  	v3 =	vor.u32 v3, v4  }
0x74: {  	v4 =	vperm.xlane v3, v0;
	_ =	sdelay $0x1  }
0x75: {  	v3 =	vperm.xlane v3, v2;
	v4 =	vadd.s32 v1, v4;
	_ =	sdelay $0x1  }
0x76: {  	v3 =	vadd.s32 v1, v3;
	_ =	sdelay $0x1  }
0x77: {  	s31 =	sor.u32 $0x7100, s21  }
0x78: {  	[tilespmem:s31], [sflag:$0x5] =	stream.indirect_vreg.gather [hbm4b:s4+s2], $0x80, v4, vm0, $0x2000b8;
	[tilespmem:$0x10100] =	vst v63  }
0x79: {  	s21 =	sor.u32 $0x7900, s21  }
0x7a: {  	[tilespmem:s21], [sflag:$0x5] =	stream.indirect_vreg.gather [hbm4b:s4+s2], $0x80, v3, vm0, $0x2000b8;
	[tilespmem:$0x10100] =	vst v63  }
0x7b: {  	_ =	swait.ge [sflag:s10], $0x8000  }
0x7c: {  	p2 =	seq.s32 s8, s17;
	[sflag:s10] =	ssyncset.done $0x0  }
0x7d: {  	s18 =	sadd.s32 s3, s18;
	p1 =	por p2, p1;
	[sflag:s10] =	ssyncadd.s32 $0xFFFF8000  }
0x7e: {  	s18 =	sshll.u32 @p1 s18, $0xC;
	_ =	strace $0x90000055  }
0x7f: {  	s18 =	sand.u32 @p1 $0x1FFFF000, s18;
	s22 =	simm.s32 $0x1;
	_ =	strace @p1 $0x80000056  }
0x80: {  	s19 =	sadd.s32 @p1 $0x3, s19;
	s22 =	simm.s32 @!p0 $0x0;
	s21 =	rddreg [dreg:$0x3]  }
0x81: {  	p0 =	seq.s32 s17, $0x0;
	s18 =	sadd.s32 @p1 s21, s18;
	s21 =	simm.s32 @p1 $0x0  }
0x82: {  	[hbm4b:s18+s21] =	stream.linear.scatter @p1 [tilespmem:s20], [sflag:s19], $0x8000, $0x200038;
	[tilespmem:$0x10100] =	vst v63  }
0x83: {  	s18 =	simm.s32 $0x1;
	s20 =	simm.s32 $0x1;
	_ =	strace @p1 $0x90000056  }
0x84: {  	s18 =	simm.s32 @!p1 $0x0;
	p1 =	sne.s32 s17, $0x0;
	s17 =	sadd.s32 $0x1, s17  }
0x85: {  	s19 =	sand.u32 @!p0 $0x1, s12;
	s20 =	simm.s32 @!p1 $0x0;
	p1 =	sne.s32 s6, s17  }
.Ltmp0:
0x86: {  	s19 =	sadd.s32 @!p0 $0x3, s19;
	_ =	strace @!p0 $0x80000057;
	(pc) =	sbr.rel @p1 .LBB2_2-.Ltmp0, $4  }
0x87: {  	_ =	swait.ge @!p0 [sflag:s19], $0x8000  }
0x88: {  	[sflag:s19] =	ssyncset.done @!p0 $0x0  }
0x89: {  	s16 =	sadd.s32 s22, s16;
	s14 =	sadd.s32 s18, s14;
	[sflag:s19] =	ssyncadd.s32 @!p0 $0xFFFF8000  }
0x8a: {  	s15 =	sadd.s32 s18, s15;
	s12 =	sadd.s32 s20, s12;
	_ =	strace @!p0 $0x90000057  }
0x8b: {  	s11 =	sadd.s32 $0x1, s11  }
0x8c: {  	s12 =	sand.u32 $0x1, s12;
	p0 =	sne.s32 s11, s9  }
.Ltmp1:
0x8d: {  	_ =	strace $0x80000058;
	s12 =	sadd.s32 $0x3, s12;
	(pc) =	sbr.rel @p0 .LBB2_1-.Ltmp1, $4  }
0x8e: {  	_ =	swait.ge [sflag:s12], $0x8000  }
0x8f: {  	[sflag:s12] =	ssyncset.done $0x0  }
0x90: {  	[sflag:s12] =	ssyncadd.s32 $0xFFFF8000  }
0x91: {  	_ =	strace $0x90000058  }
0x92: {  	_ =	sfence.sel $0x180000  }
0x93: {  	[bflag:$0x0] =	sbarrier.arrive $0xFFFF  }
0x94: {  	p0 =	sne.s32 s0, $0x0;
	_ =	strace $0x90000051  }
0x95: {  	s0 =	sadd.s32 @!p0 $0x100000, s1;
	[bflag:$0x2] =	sbarrier.arrive $0xFFFF  }
0x96: {  	[sflag:s0] =	ssyncadd.tile.s32 @!p0 $0x1;
	_ =	shalt  }
.Lfunc_end2:
_tile_overlayer_lowered:
.L_overlay_start_2:
0x97: {  	(tag) =	ssettag $0x2  }
0x98: {  	s0 =	rddreg [dreg:$0x0];
	s2 =	stileid.u32  }
0x99: {  	s1 =	rddreg [dreg:$0x1];
	p0 =	sne.s32 s2, $0x0  }
0x9a: {  	s3 =	rddreg [dreg:$0x2];
	[bflag:$0x3] =	sbarrier.arrive $0xFFFF;
	s2 =	simm.s32 @!p0 $0x1C01  }
0x9b: {  	[timem:s3], [sflag:s2] =	dma.local @!p0 [hbm:s0], s1  }
0x9c: {  	s0 =	simm.s32 @!p0 $0x1  }
0x9d: {  	_ =	swait.ge @!p0 [sflag:s0], s1  }
0x9e: {  	s1 =	ssub.s32 @!p0 $0x0, s1;
	[sflag:s0] =	ssyncset.done @!p0 $0x0  }
0x9f: {  	[sflag:s0] =	ssyncadd.s32 @!p0 s1  }
0xa0: {  	[bflag:$0x3] =	sbarrier.arrive $0xFFFF  }
0xa1: {  	_ =	shalt  }

// kernel: kernel.7.cloned.1.call-start
scs
__scs_entry_jumppad:
0x0: {  	(pc) =	sbr.rel $0x88, $3  }
0x1: {  	(tag) =	ssettag $0x0;
	lr =	simm.s32 $0x1  }
0x2: {  	[smem:$0x3FA0] =	sst lr;
	_ =	strace $0xD0000000  }
0x3: {  	_ = 	snop  }
0x4: {  	_ = 	snop  }
0x5: {  	_ = 	snop  }
0x6: {  	_ = 	snop  }
0x7: {  	_ = 	snop  }
__scs_overlays_trampoline_lowered:
0x8: {  	[smem:$0x3FAF] =	sst s0  }
0x9: {  	[smem:$0x3FB0] =	sst s1  }
0xa: {  	[smem:$0x3FB1] =	sst s2  }
0xb: {  	[smem:$0x3FB2] =	sst s3  }
0xc: {  	[smem:$0x3FB3] =	sst s4  }
0xd: {  	[smem:$0x3FB4] =	sst s5  }
0xe: {  	[smem:$0x3FB5] =	sst s6  }
0xf: {  	[smem:$0x3FB6] =	sst s7  }
0x10: {  	[smem:$0x3FB7] =	sst s8  }
0x11: {  	[smem:$0x3FB8] =	sst s9;
	s0 =	simm.s32 @!p0 $0x0  }
0x12: {  	s1 =	sld [smem:$0x3F9E];
	s0 =	simm.s32 @p0 $0x1  }
0x13: {  	[smem:$0x3FB9] =	sst s0;
	s0 =	simm.s32 @!p1 $0x0  }
0x14: {  	s2 =	sld [smem:$0x3F9D];
	s0 =	simm.s32 @p1 $0x1  }
0x15: {  	[smem:$0x3FBA] =	sst s0;
	s0 =	simm.s32 @!p2 $0x0  }
0x16: {  	s3 =	sld [smem:$0x3FDB];
	s0 =	simm.s32 @p2 $0x1  }
0x17: {  	s4 =	simm.s32 $0x1BF5;
	[smem:$0x3FBC] =	sst s0  }
0x18: {  	s0 =	sld [smem:$0x3F9F];
	_ =	swait.ge [sflag:s4], $0x0  }
0x19: {  	s7 =	sld [smem:$0x3FA0]  }
0x1a: {  	s8 =	sadd.s32 $0xFFFFE003, lr  }
0x1b: {  	s9 =	sadd.s32 $0xFFFFFEF7, lr;
	s5 =	simm.s32 $0xFFFFFFFF;
	p2 =	slt.u32 s8, $0xFFFFF086  }
0x1c: {  	p1 =	slt.u32 s9, $0xF7A;
	s5 =	simm.s32 @!p2 $0x0  }
0x1d: {  	s5 =	simm.s32 @p1 $0x1;
	p0 =	seq.s32 s7, s2  }
0x1e: {  	s7 =	smul.u32 @!p0 $0xF7A, s2;
	p2 =	seq.s32 @!p0 s5, $0x0  }
0x1f: {  	s9 =	smul.u32 $0xF7A, s1;
	s8 =	simm.s32 @!p0 $0x1BF5;
	p2 =	por !p2, p0  }
0x20: {  	[sflag:s8] =	ssyncset.s32 @!p0 $0xFFFFF086;
	s6 =	sadd.s32 @!p0 s3, s7;
	s7 =	simm.s32 @!p0 $0x108  }
0x21: {  	s3 =	sadd.s32 s3, s9;
	s6 =	sadd.s32 @!p0 $0x88, s6;
	s7 =	simm.s32 @p2 $0x1082  }
0x22: {  	[simem:s7], [sflag:s8] =	dma.local @!p0 [hbm:s6], $0xF7A  }
0x23: {  	s9 =	sor.u32 $0xD0000000, s2;
	s6 =	simm.s32 $0x108;
	_ =	swait.ge @!p0 [sflag:s8], $0x0  }
0x24: {  	s3 =	sadd.s32 $0x88, s3;
	s6 =	simm.s32 @!p1 $0x1082;
	[sflag:s4] =	ssyncset.s32 $0xFFFFF086  }
0x25: {  	[simem:s6], [sflag:s4] =	dma.local [hbm:s3], $0xF7A  }
0x26: {  	[smem:$0x3FA0] =	sst s1;
	(tag) =	ssettag s2;
	_ =	strace s9  }
0x27: {  	s1 =	sld [smem:$0x3FB0]  }
0x28: {  	s2 =	sld [smem:$0x3FB1]  }
0x29: {  	s4 =	sld [smem:$0x3FB3]  }
0x2a: {  	p0 =	seq.s32 s5, $0x0;
	s5 =	sld [smem:$0x3FB4]  }
0x2b: {  	s6 =	sld [smem:$0x3FB5]  }
0x2c: {  	s7 =	sld [smem:$0x3FB6]  }
0x2d: {  	s3 =	simm.s32 $0x108;
	s8 =	sld [smem:$0x3FB7]  }
0x2e: {  	s3 =	simm.s32 @!p0 $0x1082;
	s9 =	sld [smem:$0x3FB8]  }
0x2f: {  	lr =	sadd.s32 s0, s3;
	s0 =	sld [smem:$0x3FAF]  }
0x30: {  	s3 =	sld [smem:$0x3FB2]  }
0x31: {  	[smem:$0x3FBB] =	sst s10  }
0x32: {  	s10 =	sld [smem:$0x3FB9];
	_ =	sdelay $0x3  }
0x33: {  	p0 =	seq.s32 s10, $0x1;
	s10 =	sld [smem:$0x3FBB];
	_ =	sdelay $0x3  }
0x34: {  	[smem:$0x3FBB] =	sst s10  }
0x35: {  	s10 =	sld [smem:$0x3FBA];
	_ =	sdelay $0x3  }
0x36: {  	p1 =	seq.s32 s10, $0x1;
	s10 =	sld [smem:$0x3FBB];
	_ =	sdelay $0x3  }
0x37: {  	[smem:$0x3FBB] =	sst s10  }
0x38: {  	s10 =	sld [smem:$0x3FBC]  }
0x39: {  	_ = 	snop;
	(pc) =	sbr.ind lr, $3  }
0x3a: {  	_ = 	snop  }
0x3b: {  	_ = 	snop  }
0x3c: {  	p2 =	seq.s32 s10, $0x1;
	s10 =	sld [smem:$0x3FBB]  }
0x3d: {  	_ =	shalt  }
0x3e: {  	_ =	shalt  }
0x3f: {  	_ =	shalt  }
0x40: {  	_ =	shalt  }
0x41: {  	_ =	shalt  }
0x42: {  	_ =	shalt  }
0x43: {  	_ =	shalt  }
0x44: {  	_ =	shalt  }
0x45: {  	_ =	shalt  }
0x46: {  	_ =	shalt  }
0x47: {  	_ =	shalt  }
0x48: {  	_ =	shalt  }
0x49: {  	_ =	shalt  }
0x4a: {  	_ =	shalt  }
0x4b: {  	_ =	shalt  }
0x4c: {  	_ =	shalt  }
0x4d: {  	_ =	shalt  }
0x4e: {  	_ =	shalt  }
0x4f: {  	_ =	shalt  }
0x50: {  	_ =	shalt  }
0x51: {  	_ =	shalt  }
0x52: {  	_ =	shalt  }
0x53: {  	_ =	shalt  }
0x54: {  	_ =	shalt  }
0x55: {  	_ =	shalt  }
0x56: {  	_ =	shalt  }
0x57: {  	_ =	shalt  }
0x58: {  	_ =	shalt  }
0x59: {  	_ =	shalt  }
0x5a: {  	_ =	shalt  }
0x5b: {  	_ =	shalt  }
0x5c: {  	_ =	shalt  }
0x5d: {  	_ =	shalt  }
0x5e: {  	_ =	shalt  }
0x5f: {  	_ =	shalt  }
0x60: {  	_ =	shalt  }
0x61: {  	_ =	shalt  }
0x62: {  	_ =	shalt  }
0x63: {  	_ =	shalt  }
0x64: {  	_ =	shalt  }
0x65: {  	_ =	shalt  }
0x66: {  	_ =	shalt  }
0x67: {  	_ =	shalt  }
0x68: {  	_ =	shalt  }
0x69: {  	_ =	shalt  }
0x6a: {  	_ =	shalt  }
0x6b: {  	_ =	shalt  }
0x6c: {  	_ =	shalt  }
0x6d: {  	_ =	shalt  }
0x6e: {  	_ =	shalt  }
0x6f: {  	_ =	shalt  }
0x70: {  	_ =	shalt  }
0x71: {  	_ =	shalt  }
0x72: {  	_ =	shalt  }
0x73: {  	_ =	shalt  }
0x74: {  	_ =	shalt  }
0x75: {  	_ =	shalt  }
0x76: {  	_ =	shalt  }
0x77: {  	_ =	shalt  }
0x78: {  	_ =	shalt  }
0x79: {  	_ =	shalt  }
0x7a: {  	_ =	shalt  }
0x7b: {  	_ =	shalt  }
0x7c: {  	_ =	shalt  }
0x7d: {  	_ =	shalt  }
0x7e: {  	_ =	shalt  }
0x7f: {  	_ =	shalt  }
0x80: {  	_ =	shalt  }
0x81: {  	_ =	shalt  }
0x82: {  	_ =	shalt  }
0x83: {  	_ =	shalt  }
0x84: {  	_ =	shalt  }
0x85: {  	_ =	shalt  }
0x86: {  	_ =	shalt  }
0x87: {  	_ =	shalt  }
.Lfunc_end0:
.L_simem_size_0:
called_computation_lowered:
.L_overlay_start_0:
0x88: {  	s2 =	sld [smem:$0x3FD9]  }
0x89: {  	s3 =	sld [smem:$0x3FFE];
	_ =	sdelay $0x1  }
0x8a: {  	s1 =	srdreg.scid  }
0x8b: {  	s0 =	sand.u32 $0x1, s1  }
0x8c: {  	s16 =	sshll.u32 s0, $0xA;
	s2 =	sadd.s32 s3, s2  }
0x8d: {  	s2 =	sadd.s32 s2, s16  }
0x8e: {  	[smem:$0x3FC7] =	sst s2  }
0x8f: {  	_ = 	snop  }
0x90: {  	(tm) =	ssettm $0x1  }
0x91: {  	s17 =	sld [smem:$0x3FFB];
	_ =	sdelay $0x3  }
0x92: {  	_ =	strace s17  }
0x93: {  	s2 =	sld [smem:$0x3FFC];
	_ =	sdelay $0x3  }
0x94: {  	_ =	strace s2  }
0x95: {  	s2 =	sld [smem:$0x3FFD];
	_ =	sdelay $0x3  }
0x96: {  	_ =	strace s2  }
0x97: {  	_ =	strace $0x8FFFFFFF  }
0x98: {  	s18 =	sld [smem:$0x3FDB];
	_ =	sdelay $0x1  }
0x99: {  	s19 =	simm.s32 $_scs_section_size  }
0x9a: {  	s4 =	simm.s32 $_size__tile_overlayer_lowered;
	s5 =	simm.s32 $_tile_overlayer_lowered  }
0x9b: {  	s22 =	simm.s32 $0x1BFF;
	s21 =	sshll.u32 s5, $0x1;
	s2 =	sadd.s32 s19, s18  }
0x9c: {  	s6 =	simm.s32 $0x0;
	s20 =	sshll.u32 s4, $0x1;
	s4 =	sadd.s32 s21, s2  }
0x9d: {  	[timem:s6], [sflag:s22] =	dma.local [hbm:s4], s20  }
0x9e: {  	_ =	swait.ge [sflag:s22], s20  }
0x9f: {  	s3 =	ssub.s32 $0x0, s20;
	[sflag:s22] =	ssyncset.done $0x0  }
0xa0: {  	[sflag:s22] =	ssyncadd.s32 s3;
	_ =	sdelay $0x1  }
0xa1: {  	s23 =	simm.s32 $0x1B8B  }
0xa2: {  	_ =	swait.ge [sflag:s23], $0x1  }
0xa3: {  	[sflag:s23] =	ssyncset.done $0x0  }
0xa4: {  	s25 =	simm.s32 $0x1B8E;
	s24 =	sld [smem:$0x3FFE];
	[sflag:s23] =	ssyncadd.s32 $0xFFFFFFFF  }
0xa5: {  	s26 =	simm.s32 $execute0_lowered;
	[smem:$0x3FD2] =	sst s25  }
0xa6: {  	s4 =	sshll.u32 s26, $0x1;
	_ =	strace $0x80000046;
	[dreg:$0x1] =	wrdreg $0xFFFFFFFF  }
0xa7: {  	s28 =	simm.s32 $_size_execute0_lowered;
	s2 =	sadd.s32 s2, s4;
	[dreg:$0x0] =	wrdreg $0x0  }
0xa8: {  	s4 =	sshll.u32 s28, $0x1;
	[dreg:$0x2] =	wrdreg s2  }
0xa9: {  	[dreg:$0x3] =	wrdreg s4  }
0xaa: {  	[dreg:$0x4] =	wrdreg $0xC0  }
0xab: {  	_ =	task [dreg:s6], $0x5FFFF  }
0xac: {  	[dreg:$0x1] =	wrdreg $0xFFFFFFFF  }
0xad: {  	[dreg:$0x0] =	wrdreg $0x60  }
0xae: {  	[dreg:$0x2] =	wrdreg s24  }
0xaf: {  	[dreg:$0x3] =	wrdreg $0x9  }
0xb0: {  	_ =	task.clear_ibuf [dreg:s6], $0x4FFFF;
	_ =	strace $0x90000046  }
0xb1: {  	s29 =	simm.s32 $0x9;
	_ =	strace $0x8000004F  }
0xb2: {  	_ =	swait.ge [sflag:s29], $0x1  }
0xb3: {  	[sflag:s29] =	ssyncadd.s32 $0xFFFFFFFF  }
0xb4: {  	_ =	strace $0x9000004F  }
0xb5: {  	_ =	sfence  }
0xb6: {  	s30 =	sld [smem:$0x0];
	_ =	sdelay $0x2  }
0xb7: {  	s31 =	sshll.u32 s1, $0xD;
	s1 =	sshrl.u32 s1, $0x2  }
0xb8: {  	s3 =	sand.u32 $0x4000, s31;
	s1 =	sadd.s32 s1, s30  }
0xb9: {  	s0 =	sor.u32 s3, s0;
	s1 =	sshll.u32 s1, $0x11  }
0xba: {  	s0 =	sor.u32 s1, s0  }
0xbb: {  	s0 =	sadd.s32 $0x8F2B, s0  }
0xbc: {  	[sflag:s0] =	ssyncadd.remote.s32 $0x1  }
0xbd: {  	_ =	sfence.sel $0xFFFF  }
0xbe: {  	[dreg:$0x0] =	wrdreg $0xFFFFFFFF;
	(pc) =	sbr.abs _section_cstart, $3  }
0xbf: {  	[dreg:$0x1] =	wrdreg $0xFFFFFFFF  }
0xc0: {  	_ =	task.clear_ibuf [dreg:s6], $0x2FFFF;
	_ =	strace $0x9FFFFFFF  }
0xc1: {  	(tm) =	ssettm $0x7FFFFFFF  }
tec
execute0_lowered:
.L_overlay_start_1:
0x0: {  	(tag) =	ssettag $0x1  }
0x1: {  	s0 =	srdreg.scid  }
0x2: {  	s5 =	rddreg [dreg:$0x0];
	s1 =	stileid.u32;
	s6 =	sand.u32 $0x1, s0  }
0x3: {  	s2 =	simm.s32 $0x0;
	s10 =	simm.s32 $0x5;
	s3 =	sshll.u32 s6, $0x4  }
0x4: {  	s11 =	simm.s32 $0x0;
	s0 =	rddreg [dreg:$0x1];
	s4 =	sor.u32 s1, s3  }
0x5: {  	[smem:$0x7FF] =	sst s2;
	s9 =	sadd.s32 $0x2000, s5;
	s7 =	smul.u32 $0x6, s4  }
0x6: {  	_ =	strace $0x80000047;
	[dreg:$0x2] =	wrdreg s9;
	s8 =	smul.u32 $0x7, s4  }
0x7: {  	s30 =	ssub.s32 $0x2, s6;
	p0 =	slt.u32 s4, $0x4;
	s4 =	sadd.s32 $0x4, s7  }
0x8: {  	s6 =	simm.s32 $0x7;
	s3 =	sadd.s32 $0x311200, s5;
	s4 =	smov.u32 @p0 s8  }
0x9: {  	v2 =	vlaneseq.u32;
	s5 =	sadd.s32 $0x1200, s5;
	s31 =	sshrl.u32 s30, $0x1;
	s8 =	sshll.u32 s4, $0x4  }
0xa: {  	vm0 =	vmmov $0xffff;
	v1 =	vshrl.u32 v2, $0x3;
	s9 =	ssub.s32 s30, s31;
	s6 =	simm.s32 @!p0 $0x6;
	s8 =	sand.u32 $0x1FFFFFF0, s8  }
0xb: {  	v0 =	vand.u32 $0x7, v2;
	v2 =	vor.u32 $0x8, v2;
	v1 =	vmul.u32 $0x8, v1;
	s9 =	smax.u32 s9, $0x1;
	s7 =	sadd.s32 s5, s8;
	s8 =	sadd.s32 $0xFFFFFFFF, s6  }
.LBB2_1:
0xc: {  	_ =	strace $0x80000048;
	s13 =	simm.s32 $0x0  }
0xd: {  	s12 =	simm.s32 $0x0;
	s14 =	simm.s32 $0x0;
	s15 =	simm.s32 $0x0  }
0xe: {  	[tilespmem:s2], [sflag:$0x1] =	stream.linear.gather [hbm4b:s7+s2], $0x80, $0x200038;
	[tilespmem:$0x10100] =	vst v63  }
0xf: {  	s16 =	simm.s32 $0x1;
	s17 =	simm.s32 $0x0;
	_ =	strace $0x90000048  }
.LBB2_2:
0x10: {  	s18 =	smov.u32 s13;
	s13 =	sadd.s32 $0x1, s13  }
0x11: {  	p0 =	seq.s32 s13, s6  }
0x12: {  	s13 =	simm.s32 @p0 $0x0  }
0x13: {  	p6 =	slt.u32 s17, s8;
	p1 =	sne.s32 s18, s13  }
0x14: {  	p0 =	por !p6, !p1  }
0x15: {  	p0 =	por !p0, !p0  }
0x16: {  	s19 =	sadd.s32 @p0 s4, s13  }
0x17: {  	s20 =	sand.u32 @p0 $0x1, s16;
	s19 =	sshll.u32 @p0 s19, $0x4  }
0x18: {  	_ =	strace @p0 $0x80000049;
	s22 =	simm.s32 @p0 $0x0;
	s19 =	sand.u32 @p0 $0x1FFFFFF0, s19  }
0x19: {  	s21 =	sshll.u32 @p0 s20, $0x7;
	s20 =	sadd.s32 @p0 $0x1, s20;
	s19 =	sadd.s32 @p0 s5, s19  }
0x1a: {  	[tilespmem:s21], [sflag:s20] =	stream.linear.gather @p0 [hbm4b:s19+s22], $0x80, $0x200038;
	[tilespmem:$0x10100] =	vst v63  }
0x1b: {  	s23 =	sand.u32 $0x1, s15;
	_ =	strace @p0 $0x90000049  }
0x1c: {  	s19 =	sadd.s32 $0x1, s23;
	_ =	strace $0x8000004A  }
0x1d: {  	_ =	swait.ge [sflag:s19], $0x80  }
0x1e: {  	[sflag:s19] =	ssyncset.done $0x0  }
0x1f: {  	[sflag:s19] =	ssyncadd.s32 $0xFFFFFF80  }
0x20: {  	s24 =	sshll.u32 s15, $0x7;
	_ =	strace $0x9000004A  }
0x21: {  	s22 =	sand.u32 $0x80, s24;
	_ =	strace $0x8000004B  }
0x22: {  	v3 =	vld [tilespmem:s22+$0x0];
	_ =	sdelay $0x4  }
0x23: {  	v4 =	vshll.u32 v3, $0x1  }
0x24: {  	v3 =	vand.u32 $0x7, v3;
	v4 =	vand.u32 $0xFFFFFFF0, v4  }
0x25: {  	v3 =	vor.u32 v3, v4  }
0x26: {  	v4 =	vperm.xlane v3, v0;
	_ =	sdelay $0x1  }
0x27: {  	v3 =	vperm.xlane v3, v2;
	v4 =	vadd.s32 v1, v4;
	_ =	sdelay $0x1  }
0x28: {  	s19 =	sand.u32 $0x1, s14;
	v3 =	vadd.s32 v1, v3  }
0x29: {  	s21 =	sshll.u32 s19, $0xF  }
0x2a: {  	s20 =	sor.u32 $0x100, s21  }
0x2b: {  	[tilespmem:s20], [sflag:$0x5] =	stream.indirect_vreg.gather [hbm4b:s3+s2], $0x80, v4, vm0, $0x2000b8;
	[tilespmem:$0x10100] =	vst v63  }
0x2c: {  	s23 =	sor.u32 $0x900, s21  }
0x2d: {  	[tilespmem:s23], [sflag:$0x5] =	stream.indirect_vreg.gather [hbm4b:s3+s2], $0x80, v3, vm0, $0x2000b8;
	[tilespmem:$0x10100] =	vst v63  }
0x2e: {  	v3 =	vld [tilespmem:s22+$0x10];
	_ =	sdelay $0x4  }
0x2f: {  	v57 =	vshll.u32 v3, $0x1  }
0x30: {  	v3 =	vand.u32 $0x7, v3;
	v4 =	vand.u32 $0xFFFFFFF0, v57  }
0x31: {  	v3 =	vor.u32 v3, v4  }
0x32: {  	v4 =	vperm.xlane v3, v0;
	_ =	sdelay $0x1  }
0x33: {  	v3 =	vperm.xlane v3, v2;
	v4 =	vadd.s32 v1, v4;
	_ =	sdelay $0x1  }
0x34: {  	v3 =	vadd.s32 v1, v3;
	_ =	sdelay $0x1  }
0x35: {  	s25 =	sor.u32 $0x1100, s21  }
0x36: {  	[tilespmem:s25], [sflag:$0x5] =	stream.indirect_vreg.gather [hbm4b:s3+s2], $0x80, v4, vm0, $0x2000b8;
	[tilespmem:$0x10100] =	vst v63  }
0x37: {  	s26 =	sor.u32 $0x1900, s21  }
0x38: {  	[tilespmem:s26], [sflag:$0x5] =	stream.indirect_vreg.gather [hbm4b:s3+s2], $0x80, v3, vm0, $0x2000b8;
	[tilespmem:$0x10100] =	vst v63  }
0x39: {  	v3 =	vld [tilespmem:s22+$0x20];
	_ =	sdelay $0x4  }
0x3a: {  	v58 =	vshll.u32 v3, $0x1  }
0x3b: {  	v3 =	vand.u32 $0x7, v3;
	v4 =	vand.u32 $0xFFFFFFF0, v58  }
0x3c: {  	v3 =	vor.u32 v3, v4  }
0x3d: {  	v4 =	vperm.xlane v3, v0;
	_ =	sdelay $0x1  }
0x3e: {  	v3 =	vperm.xlane v3, v2;
	v4 =	vadd.s32 v1, v4;
	_ =	sdelay $0x1  }
0x3f: {  	v3 =	vadd.s32 v1, v3;
	_ =	sdelay $0x1  }
0x40: {  	s28 =	sor.u32 $0x2100, s21  }
0x41: {  	[tilespmem:s28], [sflag:$0x5] =	stream.indirect_vreg.gather [hbm4b:s3+s2], $0x80, v4, vm0, $0x2000b8;
	[tilespmem:$0x10100] =	vst v63  }
0x42: {  	s29 =	sor.u32 $0x2900, s21  }
0x43: {  	[tilespmem:s29], [sflag:$0x5] =	stream.indirect_vreg.gather [hbm4b:s3+s2], $0x80, v3, vm0, $0x2000b8;
	[tilespmem:$0x10100] =	vst v63  }
0x44: {  	v3 =	vld [tilespmem:s22+$0x30];
	_ =	sdelay $0x4  }
0x45: {  	v59 =	vshll.u32 v3, $0x1  }
0x46: {  	v3 =	vand.u32 $0x7, v3;
	v4 =	vand.u32 $0xFFFFFFF0, v59  }
0x47: {  	v3 =	vor.u32 v3, v4  }
0x48: {  	v4 =	vperm.xlane v3, v0;
	_ =	sdelay $0x1  }
0x49: {  	v3 =	vperm.xlane v3, v2;
	v4 =	vadd.s32 v1, v4;
	_ =	sdelay $0x1  }
0x4a: {  	v3 =	vadd.s32 v1, v3;
	_ =	sdelay $0x1  }
0x4b: {  	s30 =	sor.u32 $0x3100, s21  }
0x4c: {  	[tilespmem:s30], [sflag:$0x5] =	stream.indirect_vreg.gather [hbm4b:s3+s2], $0x80, v4, vm0, $0x2000b8;
	[tilespmem:$0x10100] =	vst v63  }
0x4d: {  	s31 =	sor.u32 $0x3900, s21  }
0x4e: {  	[tilespmem:s31], [sflag:$0x5] =	stream.indirect_vreg.gather [hbm4b:s3+s2], $0x80, v3, vm0, $0x2000b8;
	[tilespmem:$0x10100] =	vst v63  }
0x4f: {  	v3 =	vld [tilespmem:s22+$0x40];
	_ =	sdelay $0x4  }
0x50: {  	v60 =	vshll.u32 v3, $0x1  }
0x51: {  	v3 =	vand.u32 $0x7, v3;
	v4 =	vand.u32 $0xFFFFFFF0, v60  }
0x52: {  	v3 =	vor.u32 v3, v4  }
0x53: {  	v4 =	vperm.xlane v3, v0;
	_ =	sdelay $0x1  }
0x54: {  	v3 =	vperm.xlane v3, v2;
	v4 =	vadd.s32 v1, v4;
	_ =	sdelay $0x1  }
0x55: {  	v3 =	vadd.s32 v1, v3;
	_ =	sdelay $0x1  }
0x56: {  	s24 =	sor.u32 $0x4100, s21  }
0x57: {  	[tilespmem:s24], [sflag:$0x5] =	stream.indirect_vreg.gather [hbm4b:s3+s2], $0x80, v4, vm0, $0x2000b8;
	[tilespmem:$0x10100] =	vst v63  }
0x58: {  	s25 =	sor.u32 $0x4900, s21  }
0x59: {  	[tilespmem:s25], [sflag:$0x5] =	stream.indirect_vreg.gather [hbm4b:s3+s2], $0x80, v3, vm0, $0x2000b8;
	[tilespmem:$0x10100] =	vst v63  }
0x5a: {  	v3 =	vld [tilespmem:s22+$0x50];
	_ =	sdelay $0x4  }
0x5b: {  	v61 =	vshll.u32 v3, $0x1  }
0x5c: {  	v3 =	vand.u32 $0x7, v3;
	v4 =	vand.u32 $0xFFFFFFF0, v61  }
0x5d: {  	v3 =	vor.u32 v3, v4  }
0x5e: {  	v4 =	vperm.xlane v3, v0;
	_ =	sdelay $0x1  }
0x5f: {  	v3 =	vperm.xlane v3, v2;
	v4 =	vadd.s32 v1, v4;
	_ =	sdelay $0x1  }
0x60: {  	v3 =	vadd.s32 v1, v3;
	_ =	sdelay $0x1  }
0x61: {  	s26 =	sor.u32 $0x5100, s21  }
0x62: {  	[tilespmem:s26], [sflag:$0x5] =	stream.indirect_vreg.gather [hbm4b:s3+s2], $0x80, v4, vm0, $0x2000b8;
	[tilespmem:$0x10100] =	vst v63  }
0x63: {  	s28 =	sor.u32 $0x5900, s21  }
0x64: {  	[tilespmem:s28], [sflag:$0x5] =	stream.indirect_vreg.gather [hbm4b:s3+s2], $0x80, v3, vm0, $0x2000b8;
	[tilespmem:$0x10100] =	vst v63  }
0x65: {  	v3 =	vld [tilespmem:s22+$0x60];
	_ =	sdelay $0x4  }
0x66: {  	v62 =	vshll.u32 v3, $0x1  }
0x67: {  	v3 =	vand.u32 $0x7, v3;
	v4 =	vand.u32 $0xFFFFFFF0, v62  }
0x68: {  	v3 =	vor.u32 v3, v4  }
0x69: {  	v4 =	vperm.xlane v3, v0;
	_ =	sdelay $0x1  }
0x6a: {  	v3 =	vperm.xlane v3, v2;
	v4 =	vadd.s32 v1, v4;
	_ =	sdelay $0x1  }
0x6b: {  	v3 =	vadd.s32 v1, v3;
	_ =	sdelay $0x1  }
0x6c: {  	s29 =	sor.u32 $0x6100, s21  }
0x6d: {  	[tilespmem:s29], [sflag:$0x5] =	stream.indirect_vreg.gather [hbm4b:s3+s2], $0x80, v4, vm0, $0x2000b8;
	[tilespmem:$0x10100] =	vst v63  }
0x6e: {  	s30 =	sor.u32 $0x6900, s21  }
0x6f: {  	[tilespmem:s30], [sflag:$0x5] =	stream.indirect_vreg.gather [hbm4b:s3+s2], $0x80, v3, vm0, $0x2000b8;
	[tilespmem:$0x10100] =	vst v63  }
0x70: {  	v3 =	vld [tilespmem:s22+$0x70];
	_ =	sdelay $0x4  }
0x71: {  	v63 =	vshll.u32 v3, $0x1  }
0x72: {  	v3 =	vand.u32 $0x7, v3;
	v4 =	vand.u32 $0xFFFFFFF0, v63  }
0x73: {  	v3 =	vor.u32 v3, v4  }
0x74: {  	v4 =	vperm.xlane v3, v0;
	_ =	sdelay $0x1  }
0x75: {  	v3 =	vperm.xlane v3, v2;
	v4 =	vadd.s32 v1, v4;
	_ =	sdelay $0x1  }
0x76: {  	v3 =	vadd.s32 v1, v3;
	_ =	sdelay $0x1  }
0x77: {  	s31 =	sor.u32 $0x7100, s21  }
0x78: {  	[tilespmem:s31], [sflag:$0x5] =	stream.indirect_vreg.gather [hbm4b:s3+s2], $0x80, v4, vm0, $0x2000b8;
	[tilespmem:$0x10100] =	vst v63  }
0x79: {  	s21 =	sor.u32 $0x7900, s21  }
0x7a: {  	[tilespmem:s21], [sflag:$0x5] =	stream.indirect_vreg.gather [hbm4b:s3+s2], $0x80, v3, vm0, $0x2000b8;
	[tilespmem:$0x10100] =	vst v63  }
0x7b: {  	_ =	swait.ge [sflag:s10], $0x8000  }
0x7c: {  	p2 =	seq.s32 s8, s17;
	[sflag:s10] =	ssyncset.done $0x0  }
0x7d: {  	s18 =	sadd.s32 s4, s18;
	p1 =	por p2, p1;
	[sflag:s10] =	ssyncadd.s32 $0xFFFF8000  }
0x7e: {  	s18 =	sshll.u32 @p1 s18, $0xC;
	_ =	strace $0x9000004B  }
0x7f: {  	s18 =	sand.u32 @p1 $0x1FFFF000, s18;
	s22 =	simm.s32 $0x1;
	_ =	strace @p1 $0x8000004C  }
0x80: {  	s19 =	sadd.s32 @p1 $0x3, s19;
	s22 =	simm.s32 @!p0 $0x0;
	s21 =	rddreg [dreg:$0x2]  }
0x81: {  	p0 =	seq.s32 s17, $0x0;
	s18 =	sadd.s32 @p1 s21, s18;
	s21 =	simm.s32 @p1 $0x0  }
0x82: {  	[hbm4b:s18+s21] =	stream.linear.scatter @p1 [tilespmem:s20], [sflag:s19], $0x8000, $0x200038;
	[tilespmem:$0x10100] =	vst v63  }
0x83: {  	s18 =	simm.s32 $0x1;
	s20 =	simm.s32 $0x1;
	_ =	strace @p1 $0x9000004C  }
0x84: {  	s18 =	simm.s32 @!p1 $0x0;
	p1 =	sne.s32 s17, $0x0;
	s17 =	sadd.s32 $0x1, s17  }
0x85: {  	s19 =	sand.u32 @!p0 $0x1, s12;
	s20 =	simm.s32 @!p1 $0x0;
	p1 =	sne.s32 s6, s17  }
.Ltmp0:
0x86: {  	s19 =	sadd.s32 @!p0 $0x3, s19;
	_ =	strace @!p0 $0x8000004D;
	(pc) =	sbr.rel @p1 .LBB2_2-.Ltmp0, $4  }
0x87: {  	_ =	swait.ge @!p0 [sflag:s19], $0x8000  }
0x88: {  	[sflag:s19] =	ssyncset.done @!p0 $0x0  }
0x89: {  	s16 =	sadd.s32 s22, s16;
	s14 =	sadd.s32 s18, s14;
	[sflag:s19] =	ssyncadd.s32 @!p0 $0xFFFF8000  }
0x8a: {  	s15 =	sadd.s32 s18, s15;
	s12 =	sadd.s32 s20, s12;
	_ =	strace @!p0 $0x9000004D  }
0x8b: {  	s11 =	sadd.s32 $0x1, s11  }
0x8c: {  	s12 =	sand.u32 $0x1, s12;
	p0 =	sne.s32 s11, s9  }
.Ltmp1:
0x8d: {  	_ =	strace $0x8000004E;
	s12 =	sadd.s32 $0x3, s12;
	(pc) =	sbr.rel @p0 .LBB2_1-.Ltmp1, $4  }
0x8e: {  	_ =	swait.ge [sflag:s12], $0x8000  }
0x8f: {  	[sflag:s12] =	ssyncset.done $0x0  }
0x90: {  	[sflag:s12] =	ssyncadd.s32 $0xFFFF8000  }
0x91: {  	_ =	strace $0x9000004E  }
0x92: {  	_ =	sfence.sel $0x180000  }
0x93: {  	[bflag:$0x0] =	sbarrier.arrive $0xFFFF  }
0x94: {  	p0 =	sne.s32 s1, $0x0;
	_ =	strace $0x90000047  }
0x95: {  	s0 =	sadd.s32 @!p0 $0x100000, s0;
	[bflag:$0x2] =	sbarrier.arrive $0xFFFF  }
0x96: {  	[sflag:s0] =	ssyncadd.tile.s32 @!p0 $0x1;
	_ =	shalt  }
.Lfunc_end2:
_tile_overlayer_lowered:
.L_overlay_start_2:
0x97: {  	(tag) =	ssettag $0x2  }
0x98: {  	s0 =	rddreg [dreg:$0x0];
	s2 =	stileid.u32  }
0x99: {  	s1 =	rddreg [dreg:$0x1];
	p0 =	sne.s32 s2, $0x0  }
0x9a: {  	s3 =	rddreg [dreg:$0x2];
	[bflag:$0x3] =	sbarrier.arrive $0xFFFF;
	s2 =	simm.s32 @!p0 $0x1C01  }
0x9b: {  	[timem:s3], [sflag:s2] =	dma.local @!p0 [hbm:s0], s1  }
0x9c: {  	s0 =	simm.s32 @!p0 $0x1  }
0x9d: {  	_ =	swait.ge @!p0 [sflag:s0], s1  }
0x9e: {  	s1 =	ssub.s32 @!p0 $0x0, s1;
	[sflag:s0] =	ssyncset.done @!p0 $0x0  }
0x9f: {  	[sflag:s0] =	ssyncadd.s32 @!p0 s1  }
0xa0: {  	[bflag:$0x3] =	sbarrier.arrive $0xFFFF  }
0xa1: {  	_ =	shalt  }

</sc_bundles>
